<compile_context>
chip_gen: v7x
topology: tpu7x:2x2x1
jax: 0.10.2.dev20260603
libtpu: 0.0.44.dev20260713+nightly
codegen_flags: <defaults>
</compile_context>

<pallas_src>
import functools

import jax
import jax.numpy as jnp
from jax import lax
from jax.experimental import pallas as pl
from jax.experimental.pallas import tpu as pltpu
from jax.experimental.pallas import tpu_sc as plsc

N = 10000
D = 128
R = 16
RD = 16
E = 320000

NC = 2
NS = 16
NW = NC * NS
CH = 192
RK = 64
CW = -(-(-(-E // (NW * CH))) // 2) * 2
NG = CW // 2
EW = CW * CH
EP = EW * NW
NP = -(-N // 128) * 128
RPT = NP // NS

_HI = jax.lax.Precision.HIGHEST


def _sc_body(tbl_hbm, gidx, sidx, acc_out, g0_v, s0_v, g1_v, s1_v,
             rows0_v, rows1_v, acc_sh, sem0, sem1):
    cid = lax.axis_index("c")
    sid = lax.axis_index("s")
    wid = sid * NC + cid
    ebase = wid * EW
    bufs = [(g0_v, s0_v, rows0_v, sem0), (g1_v, s1_v, rows1_v, sem1)]
    zero16 = jnp.zeros((16,), jnp.float32)

    def _zrow(i, c):
        for j in range(D // 16):
            rows0_v[i, pl.ds(j * 16, 16)] = zero16
        return c

    lax.fori_loop(0, CH, _zrow, 0)
    r0 = sid * RPT
    for k in range(RPT // CH):
        pltpu.sync_copy(rows0_v, acc_sh.at[pl.ds(r0 + k * CH, CH)])
    rem = RPT % CH
    if rem:
        tail = r0 + (RPT // CH) * CH
        pltpu.sync_copy(rows0_v.at[pl.ds(0, rem)], acc_sh.at[pl.ds(tail, rem)])
    plsc.subcore_barrier()

    def _load_start(j, gv, sv, rv, sem):
        e0 = ebase + j * CH
        pltpu.sync_copy(gidx.at[pl.ds(e0, CH)], gv)
        pltpu.sync_copy(sidx.at[pl.ds(e0, CH)], sv)
        pltpu.async_copy(tbl_hbm.at[gv], rv, sem)

    def _finish(sv, rv, sem):
        pltpu.make_async_copy(tbl_hbm.at[pl.ds(0, CH)], rv, sem).wait()
        pltpu.sync_copy(rv, acc_sh.at[sv], add=True)

    for b in range(2):
        _load_start(b, *bufs[b])

    def _grp(g, c):
        for b in range(2):
            gv, sv, rv, sem = bufs[b]
            _finish(sv, rv, sem)
            _load_start(g * 2 + b + 2, gv, sv, rv, sem)
        return c

    lax.fori_loop(0, NG - 1, _grp, 0)
    for b in range(2):
        _, sv, rv, sem = bufs[b]
        _finish(sv, rv, sem)
    plsc.subcore_barrier()

    out_r0 = cid * NP + sid * RPT
    pltpu.sync_copy(acc_sh.at[pl.ds(r0, RPT)], acc_out.at[pl.ds(out_r0, RPT)])


def _make_sc_kernel():
    mesh = plsc.VectorSubcoreMesh(core_axis_name="c", subcore_axis_name="s")
    out_type = jax.ShapeDtypeStruct((NC * NP, D), jnp.float32)
    scratch = [
        pltpu.VMEM((CH,), jnp.int32),
        pltpu.VMEM((CH,), jnp.int32),
        pltpu.VMEM((CH,), jnp.int32),
        pltpu.VMEM((CH,), jnp.int32),
        pltpu.VMEM((CH, D), jnp.float32),
        pltpu.VMEM((CH, D), jnp.float32),
        pltpu.VMEM_SHARED((NP, D), jnp.float32),
        pltpu.SemaphoreType.DMA,
        pltpu.SemaphoreType.DMA,
    ]
    return pl.kernel(_sc_body, out_type=out_type, mesh=mesh,
                     scratch_types=scratch)


_sc_scatter = _make_sc_kernel()

_B = 2000


def _dense_body(off, h_ref, ax_ref, rc_ref, Wm_ref, bm_ref, Ws_ref,
                bs_ref, Wn_ref, bn_ref, o_ref):
    aggx = ax_ref[0] + ax_ref[1]
    rels = rc_ref[0] + rc_ref[1]
    deg = rels[:, 2 * RD:2 * RD + 1]
    hr = rels[:, off:off + RD]
    Wm = Wm_ref[...]
    num = (jnp.dot(aggx, Wm[:D], precision=_HI, preferred_element_type=jnp.float32)
           + jnp.dot(hr, Wm[D:], precision=_HI, preferred_element_type=jnp.float32)
           + deg * bm_ref[...])
    agg = num / jnp.maximum(deg, 1.0)
    out = (jnp.dot(h_ref[...], Ws_ref[...], precision=_HI, preferred_element_type=jnp.float32)
           + bs_ref[...]
           + jnp.dot(agg, Wn_ref[...], precision=_HI, preferred_element_type=jnp.float32)
           + bn_ref[...])
    o_ref[...] = jnp.maximum(out, 0.0)


def _dense_layer(off, h, aggx2, relacc2, Wm, bm, Ws, bs, Wn, bn):
    grid = (N // _B,)
    full = lambda i: (0, 0)
    return pl.pallas_call(
        functools.partial(_dense_body, off),
        grid=grid,
        in_specs=[
            pl.BlockSpec((_B, D), lambda i: (i, 0)),
            pl.BlockSpec((NC, _B, D), lambda i: (0, i, 0)),
            pl.BlockSpec((NC, _B, D), lambda i: (0, i, 0)),
            pl.BlockSpec((D + RD, D), full),
            pl.BlockSpec((1, D), full),
            pl.BlockSpec((D, D), full),
            pl.BlockSpec((1, D), full),
            pl.BlockSpec((D, D), full),
            pl.BlockSpec((1, D), full),
        ],
        out_specs=pl.BlockSpec((_B, D), lambda i: (i, 0)),
        out_shape=jax.ShapeDtypeStruct((N, D), jnp.float32),
    )(h, aggx2, relacc2, Wm, bm.reshape(1, D), Ws, bs.reshape(1, D),
      Wn, bn.reshape(1, D))


def _reltab_body(re0_ref, re1_ref, o_ref):
    re0 = re0_ref[...]
    re1 = re1_ref[...]
    ones = jnp.ones((R, 1), jnp.float32)
    zpad = jnp.zeros((R, D - 2 * RD - 1), jnp.float32)
    row = jnp.concatenate([re0, re1, ones, zpad], axis=1)
    o_ref[...] = jnp.broadcast_to(row[None], (RK, R, D)).reshape(RK * R, D)


def _build_reltab(rel_emb_0, rel_emb_1):
    return pl.pallas_call(
        _reltab_body,
        out_shape=jax.ShapeDtypeStruct((RK * R, D), jnp.float32),
    )(rel_emb_0, rel_emb_1)


def kernel(x, edge_src, edge_dst, rel_ids,
           rel_emb_0, Wm_0, bm_0, Ws_0, bs_0, Wn_0, bn_0,
           rel_emb_1, Wm_1, bm_1, Ws_1, bs_1, Wn_1, bn_1):
    pad = EP - E
    srcp = jnp.concatenate([edge_src, jnp.zeros((pad,), jnp.int32)])
    dstp = jnp.concatenate([edge_dst, jnp.full((pad,), N, jnp.int32)])
    relp = jnp.concatenate([rel_ids, jnp.zeros((pad,), jnp.int32)])

    reltab = _build_reltab(rel_emb_0, rel_emb_1)
    relp = relp + R * (jnp.arange(EP, dtype=jnp.int32) % RK)

    aggx0 = _sc_scatter(x, srcp, dstp).reshape(NC, NP, D)
    relacc = _sc_scatter(reltab, relp, dstp).reshape(NC, NP, D)
    h1 = _dense_layer(0, x, aggx0, relacc, Wm_0, bm_0, Ws_0, bs_0, Wn_0, bn_0)

    aggx1 = _sc_scatter(h1, srcp, dstp).reshape(NC, NP, D)
    h2 = _dense_layer(RD, h1, aggx1, relacc, Wm_1, bm_1, Ws_1, bs_1, Wn_1, bn_1)
    return h2

# --- scband reference (transcript-rebuilt; emitter-appended) ---
"""Pipeline reference for scband-relation-graph-sagenetwork-14216341749899 (READ-ONLY COPY).

The authoritative reference and input builder live on the scoring server;
editing this copy changes nothing except your own understanding.
"""

import jax, jax.numpy as jnp
import numpy as np

N = 10000
E = 320000
D = 128
H = 128
R = 16
RD = 16


def setup_inputs(seed: int = 0) -> dict:
    key = jax.random.key(seed)
    ks = jax.random.split(key, 20)
    inp = {}
    inp["x"] = jax.random.normal(ks[0], (N, D), dtype=jnp.float32)
    inp["edge_src"] = jax.random.randint(ks[1], (E,), 0, N, dtype=jnp.int32)
    inp["edge_dst"] = jax.random.randint(ks[2], (E,), 0, N, dtype=jnp.int32)
    inp["rel_ids"] = jax.random.randint(ks[3], (E,), 0, R, dtype=jnp.int32)
    # layer 0 params (in_dim=D -> H)
    inp["rel_emb_0"] = 0.02 * jax.random.normal(ks[4], (R, RD), dtype=jnp.float32)
    inp["Wm_0"] = 0.02 * jax.random.normal(ks[5], (D + RD, H), dtype=jnp.float32)
    inp["bm_0"] = jnp.zeros((H,), dtype=jnp.float32)
    inp["Ws_0"] = 0.02 * jax.random.normal(ks[6], (D, H), dtype=jnp.float32)
    inp["bs_0"] = jnp.zeros((H,), dtype=jnp.float32)
    inp["Wn_0"] = 0.02 * jax.random.normal(ks[7], (H, H), dtype=jnp.float32)
    inp["bn_0"] = jnp.zeros((H,), dtype=jnp.float32)
    # layer 1 params (H -> H)
    inp["rel_emb_1"] = 0.02 * jax.random.normal(ks[8], (R, RD), dtype=jnp.float32)
    inp["Wm_1"] = 0.02 * jax.random.normal(ks[9], (H + RD, H), dtype=jnp.float32)
    inp["bm_1"] = jnp.zeros((H,), dtype=jnp.float32)
    inp["Ws_1"] = 0.02 * jax.random.normal(ks[10], (H, H), dtype=jnp.float32)
    inp["bs_1"] = jnp.zeros((H,), dtype=jnp.float32)
    inp["Wn_1"] = 0.02 * jax.random.normal(ks[11], (H, H), dtype=jnp.float32)
    inp["bn_1"] = jnp.zeros((H,), dtype=jnp.float32)
    return inp


def _sage_layer(x, edge_src, edge_dst, rel_ids, rel_emb, Wm, bm, Ws, bs, Wn, bn):
    # relation embedding lookup (gather)
    rel = jnp.take(rel_emb, rel_ids, axis=0)
    # message: msg_linear(cat(x[src], rel))
    msg = jnp.concatenate([jnp.take(x, edge_src, axis=0), rel], axis=-1) @ Wm + bm
    # mean aggregation by destination node (scatter-add)
    agg = jnp.zeros((x.shape[0], msg.shape[1]), dtype=x.dtype).at[edge_dst].add(msg)
    deg = jnp.zeros((x.shape[0], 1), dtype=x.dtype).at[edge_dst].add(jnp.ones((edge_dst.shape[0], 1), dtype=x.dtype))
    agg = agg / jnp.maximum(deg, 1.0)
    out = x @ Ws + bs + agg @ Wn + bn
    return jax.nn.relu(out)


def reference(x, edge_src, edge_dst, rel_ids,
              rel_emb_0, Wm_0, bm_0, Ws_0, bs_0, Wn_0, bn_0,
              rel_emb_1, Wm_1, bm_1, Ws_1, bs_1, Wn_1, bn_1):
    h = _sage_layer(x, edge_src, edge_dst, rel_ids, rel_emb_0, Wm_0, bm_0, Ws_0, bs_0, Wn_0, bn_0)
    h = _sage_layer(h, edge_src, edge_dst, rel_ids, rel_emb_1, Wm_1, bm_1, Ws_1, bs_1, Wn_1, bn_1)
    return h

if __name__ == "__main__":
    import jax
    _d = setup_inputs()
    print(jax.jit(kernel)(*tuple(_d.values())))

</pallas_src>

<mosaic_0001>
#map = affine_map<(d0, d1) -> (0, 0)>
#map1 = affine_map<(d0, d1) -> (0)>
module attributes {stable_mosaic.version = 14 : i64} {
  func.func @_sc_body(%arg0: i32, %arg1: i32, %arg2: memref<1024x128xf32, #tpu.memory_space<hbm>>, %arg3: memref<331776xi32, #tpu.memory_space<hbm>>, %arg4: memref<331776xi32, #tpu.memory_space<hbm>>, %arg5: memref<20224x128xf32, #tpu.memory_space<hbm>>, %arg6: memref<192xi32, #tpu.memory_space<vmem>>, %arg7: memref<192xi32, #tpu.memory_space<vmem>>, %arg8: memref<192xi32, #tpu.memory_space<vmem>>, %arg9: memref<192xi32, #tpu.memory_space<vmem>>, %arg10: memref<192x128xf32, #tpu.memory_space<vmem>>, %arg11: memref<192x128xf32, #tpu.memory_space<vmem>>, %arg12: memref<10112x128xf32, #tpu.memory_space<vmem_shared>>, %arg13: memref<!tpu.dma_semaphore, #tpu.memory_space<semaphore_mem>>, %arg14: memref<!tpu.dma_semaphore, #tpu.memory_space<semaphore_mem>>) attributes {dimension_semantics = [#tpu.dimension_semantics<core_parallel>, #tpu.dimension_semantics<subcore_parallel>], iteration_bounds = array<i64: 2, 16>, scalar_prefetch = 0 : i64, scratch_operands = 9 : i64, tpu.core_type = #tpu.core_type<sc_vector_subcore>, window_params = [{transform_indices = #map}, {transform_indices = #map1}, {transform_indices = #map1}, {transform_indices = #map}]} {
    %mul3A = arith.constant 2 : i32
    %mul3A_0 = arith.muli %arg1, %mul3A : i32
    %add3A = arith.addi %mul3A_0, %arg0 : i32
    %mul3A_1 = arith.constant 10368 : i32
    %mul3A_2 = arith.muli %add3A, %mul3A_1 : i32
    %broadcast_in_dim3A = arith.constant 0.000000e+00 : f32
    %broadcast_in_dim3A_3 = vector.broadcast %broadcast_in_dim3A : f32 to vector<16xf32>
    %scan3A = arith.constant 0 : i32
    %scan3A_4 = arith.constant 0 : i32
    %scan3A_5 = arith.constant 192 : i32
    %scan3A_6 = arith.addi %scan3A_4, %scan3A_5 : i32
    %scan3A_7 = arith.constant 1 : i32
    scf.for %scan3A_51 = %scan3A_4 to %scan3A_6 step %scan3A_7  : i32 {
      %swap3A = arith.index_cast %scan3A_51 : i32 to index
      %swap3A_52 = arith.constant 0 : index
      %swap3A_53 = tpu.vector_load %arg10[%swap3A, %swap3A_52] {strides = array<i32>} : memref<192x128xf32, #tpu.memory_space<vmem>>, vector<1x16xf32>,
      %swap3A_54 = vector.shape_cast %swap3A_53 : vector<1x16xf32> to vector<16xf32>
      %swap3A_55 = vector.shape_cast %broadcast_in_dim3A_3 : vector<16xf32> to vector<1x16xf32>
      tpu.vector_store %arg10[%swap3A, %swap3A_52], %swap3A_55 {strides = array<i32>} : memref<192x128xf32, #tpu.memory_space<vmem>>, vector<1x16xf32>,
      %swap3A_56 = arith.index_cast %scan3A_51 : i32 to index
      %swap3A_57 = arith.constant 16 : index
      %swap3A_58 = tpu.vector_load %arg10[%swap3A_56, %swap3A_57] {strides = array<i32>} : memref<192x128xf32, #tpu.memory_space<vmem>>, vector<1x16xf32>,
      %swap3A_59 = vector.shape_cast %swap3A_58 : vector<1x16xf32> to vector<16xf32>
      %swap3A_60 = vector.shape_cast %broadcast_in_dim3A_3 : vector<16xf32> to vector<1x16xf32>
      tpu.vector_store %arg10[%swap3A_56, %swap3A_57], %swap3A_60 {strides = array<i32>} : memref<192x128xf32, #tpu.memory_space<vmem>>, vector<1x16xf32>,
      %swap3A_61 = arith.index_cast %scan3A_51 : i32 to index
      %swap3A_62 = arith.constant 32 : index
      %swap3A_63 = tpu.vector_load %arg10[%swap3A_61, %swap3A_62] {strides = array<i32>} : memref<192x128xf32, #tpu.memory_space<vmem>>, vector<1x16xf32>,
      %swap3A_64 = vector.shape_cast %swap3A_63 : vector<1x16xf32> to vector<16xf32>
      %swap3A_65 = vector.shape_cast %broadcast_in_dim3A_3 : vector<16xf32> to vector<1x16xf32>
      tpu.vector_store %arg10[%swap3A_61, %swap3A_62], %swap3A_65 {strides = array<i32>} : memref<192x128xf32, #tpu.memory_space<vmem>>, vector<1x16xf32>,
      %swap3A_66 = arith.index_cast %scan3A_51 : i32 to index
      %swap3A_67 = arith.constant 48 : index
      %swap3A_68 = tpu.vector_load %arg10[%swap3A_66, %swap3A_67] {strides = array<i32>} : memref<192x128xf32, #tpu.memory_space<vmem>>, vector<1x16xf32>,
      %swap3A_69 = vector.shape_cast %swap3A_68 : vector<1x16xf32> to vector<16xf32>
      %swap3A_70 = vector.shape_cast %broadcast_in_dim3A_3 : vector<16xf32> to vector<1x16xf32>
      tpu.vector_store %arg10[%swap3A_66, %swap3A_67], %swap3A_70 {strides = array<i32>} : memref<192x128xf32, #tpu.memory_space<vmem>>, vector<1x16xf32>,
      %swap3A_71 = arith.index_cast %scan3A_51 : i32 to index
      %swap3A_72 = arith.constant 64 : index
      %swap3A_73 = tpu.vector_load %arg10[%swap3A_71, %swap3A_72] {strides = array<i32>} : memref<192x128xf32, #tpu.memory_space<vmem>>, vector<1x16xf32>,
      %swap3A_74 = vector.shape_cast %swap3A_73 : vector<1x16xf32> to vector<16xf32>
      %swap3A_75 = vector.shape_cast %broadcast_in_dim3A_3 : vector<16xf32> to vector<1x16xf32>
      tpu.vector_store %arg10[%swap3A_71, %swap3A_72], %swap3A_75 {strides = array<i32>} : memref<192x128xf32, #tpu.memory_space<vmem>>, vector<1x16xf32>,
      %swap3A_76 = arith.index_cast %scan3A_51 : i32 to index
      %swap3A_77 = arith.constant 80 : index
      %swap3A_78 = tpu.vector_load %arg10[%swap3A_76, %swap3A_77] {strides = array<i32>} : memref<192x128xf32, #tpu.memory_space<vmem>>, vector<1x16xf32>,
      %swap3A_79 = vector.shape_cast %swap3A_78 : vector<1x16xf32> to vector<16xf32>
      %swap3A_80 = vector.shape_cast %broadcast_in_dim3A_3 : vector<16xf32> to vector<1x16xf32>
      tpu.vector_store %arg10[%swap3A_76, %swap3A_77], %swap3A_80 {strides = array<i32>} : memref<192x128xf32, #tpu.memory_space<vmem>>, vector<1x16xf32>,
      %swap3A_81 = arith.index_cast %scan3A_51 : i32 to index
      %swap3A_82 = arith.constant 96 : index
      %swap3A_83 = tpu.vector_load %arg10[%swap3A_81, %swap3A_82] {strides = array<i32>} : memref<192x128xf32, #tpu.memory_space<vmem>>, vector<1x16xf32>,
      %swap3A_84 = vector.shape_cast %swap3A_83 : vector<1x16xf32> to vector<16xf32>
      %swap3A_85 = vector.shape_cast %broadcast_in_dim3A_3 : vector<16xf32> to vector<1x16xf32>
      tpu.vector_store %arg10[%swap3A_81, %swap3A_82], %swap3A_85 {strides = array<i32>} : memref<192x128xf32, #tpu.memory_space<vmem>>, vector<1x16xf32>,
      %swap3A_86 = arith.index_cast %scan3A_51 : i32 to index
      %swap3A_87 = arith.constant 112 : index
      %swap3A_88 = tpu.vector_load %arg10[%swap3A_86, %swap3A_87] {strides = array<i32>} : memref<192x128xf32, #tpu.memory_space<vmem>>, vector<1x16xf32>,
      %swap3A_89 = vector.shape_cast %swap3A_88 : vector<1x16xf32> to vector<16xf32>
      %swap3A_90 = vector.shape_cast %broadcast_in_dim3A_3 : vector<16xf32> to vector<1x16xf32>
      tpu.vector_store %arg10[%swap3A_86, %swap3A_87], %swap3A_90 {strides = array<i32>} : memref<192x128xf32, #tpu.memory_space<vmem>>, vector<1x16xf32>,
    }
    %scan3A_8 = arith.constant 192 : i32
    %mul3A_9 = arith.constant 632 : i32
    %mul3A_10 = arith.muli %arg1, %mul3A_9 : i32
    %add3A_11 = arith.constant 0 : i32
    %add3A_12 = arith.addi %mul3A_10, %add3A_11 : i32
    "tpu.region"() ({
      %run_scoped3A = tpu.sem_alloc : memref<!tpu.dma_semaphore, #tpu.memory_space<semaphore_mem>>
      %dma_start3A_51 = arith.constant 0 : i32
      %dma_start3A_52 = tpu.memref_slice %arg12[%add3A_12, %dma_start3A_51] : memref<10112x128xf32, #tpu.memory_space<vmem_shared>> -> memref<192x128xf32, #tpu.memory_space<vmem_shared>>
      %dma_start3A_53 = arith.constant 0 : i32
      %dma_start3A_54 = tpu.memref_slice %arg12[%add3A_12, %dma_start3A_53] : memref<10112x128xf32, #tpu.memory_space<vmem_shared>> -> memref<192x128xf32, #tpu.memory_space<vmem_shared>>
      tpu.enqueue_dma source(%arg10 : memref<192x128xf32, #tpu.memory_space<vmem>>) target(%dma_start3A_54 : memref<192x128xf32, #tpu.memory_space<vmem_shared>>) target_semaphore(%run_scoped3A : memref<!tpu.dma_semaphore, #tpu.memory_space<semaphore_mem>>)
      %dma_wait3A_55 = arith.constant 0 : i32
      %dma_wait3A_56 = tpu.memref_slice %arg12[%add3A_12, %dma_wait3A_55] : memref<10112x128xf32, #tpu.memory_space<vmem_shared>> -> memref<192x128xf32, #tpu.memory_space<vmem_shared>>
      %dma_wait3A_57 = arith.constant 0 : i32
      %dma_wait3A_58 = tpu.memref_slice %arg12[%add3A_12, %dma_wait3A_57] : memref<10112x128xf32, #tpu.memory_space<vmem_shared>> -> memref<192x128xf32, #tpu.memory_space<vmem_shared>>
      tpu.wait_dma2 semaphore(%run_scoped3A : memref<!tpu.dma_semaphore, #tpu.memory_space<semaphore_mem>>) src(%arg10 : memref<192x128xf32, #tpu.memory_space<vmem>>) dst(%dma_wait3A_58 : memref<192x128xf32, #tpu.memory_space<vmem_shared>>)
      tpu.yield
    }) : () -> ()
    %add3A_13 = arith.constant 192 : i32
    %add3A_14 = arith.addi %mul3A_10, %add3A_13 : i32
    "tpu.region"() ({
      %run_scoped3A = tpu.sem_alloc : memref<!tpu.dma_semaphore, #tpu.memory_space<semaphore_mem>>
      %dma_start3A_51 = arith.constant 0 : i32
      %dma_start3A_52 = tpu.memref_slice %arg12[%add3A_14, %dma_start3A_51] : memref<10112x128xf32, #tpu.memory_space<vmem_shared>> -> memref<192x128xf32, #tpu.memory_space<vmem_shared>>
      %dma_start3A_53 = arith.constant 0 : i32
      %dma_start3A_54 = tpu.memref_slice %arg12[%add3A_14, %dma_start3A_53] : memref<10112x128xf32, #tpu.memory_space<vmem_shared>> -> memref<192x128xf32, #tpu.memory_space<vmem_shared>>
      tpu.enqueue_dma source(%arg10 : memref<192x128xf32, #tpu.memory_space<vmem>>) target(%dma_start3A_54 : memref<192x128xf32, #tpu.memory_space<vmem_shared>>) target_semaphore(%run_scoped3A : memref<!tpu.dma_semaphore, #tpu.memory_space<semaphore_mem>>)
      %dma_wait3A_55 = arith.constant 0 : i32
      %dma_wait3A_56 = tpu.memref_slice %arg12[%add3A_14, %dma_wait3A_55] : memref<10112x128xf32, #tpu.memory_space<vmem_shared>> -> memref<192x128xf32, #tpu.memory_space<vmem_shared>>
      %dma_wait3A_57 = arith.constant 0 : i32
      %dma_wait3A_58 = tpu.memref_slice %arg12[%add3A_14, %dma_wait3A_57] : memref<10112x128xf32, #tpu.memory_space<vmem_shared>> -> memref<192x128xf32, #tpu.memory_space<vmem_shared>>
      tpu.wait_dma2 semaphore(%run_scoped3A : memref<!tpu.dma_semaphore, #tpu.memory_space<semaphore_mem>>) src(%arg10 : memref<192x128xf32, #tpu.memory_space<vmem>>) dst(%dma_wait3A_58 : memref<192x128xf32, #tpu.memory_space<vmem_shared>>)
      tpu.yield
    }) : () -> ()
    %add3A_15 = arith.constant 384 : i32
    %add3A_16 = arith.addi %mul3A_10, %add3A_15 : i32
    "tpu.region"() ({
      %run_scoped3A = tpu.sem_alloc : memref<!tpu.dma_semaphore, #tpu.memory_space<semaphore_mem>>
      %dma_start3A_51 = arith.constant 0 : i32
      %dma_start3A_52 = tpu.memref_slice %arg12[%add3A_16, %dma_start3A_51] : memref<10112x128xf32, #tpu.memory_space<vmem_shared>> -> memref<192x128xf32, #tpu.memory_space<vmem_shared>>
      %dma_start3A_53 = arith.constant 0 : i32
      %dma_start3A_54 = tpu.memref_slice %arg12[%add3A_16, %dma_start3A_53] : memref<10112x128xf32, #tpu.memory_space<vmem_shared>> -> memref<192x128xf32, #tpu.memory_space<vmem_shared>>
      tpu.enqueue_dma source(%arg10 : memref<192x128xf32, #tpu.memory_space<vmem>>) target(%dma_start3A_54 : memref<192x128xf32, #tpu.memory_space<vmem_shared>>) target_semaphore(%run_scoped3A : memref<!tpu.dma_semaphore, #tpu.memory_space<semaphore_mem>>)
      %dma_wait3A_55 = arith.constant 0 : i32
      %dma_wait3A_56 = tpu.memref_slice %arg12[%add3A_16, %dma_wait3A_55] : memref<10112x128xf32, #tpu.memory_space<vmem_shared>> -> memref<192x128xf32, #tpu.memory_space<vmem_shared>>
      %dma_wait3A_57 = arith.constant 0 : i32
      %dma_wait3A_58 = tpu.memref_slice %arg12[%add3A_16, %dma_wait3A_57] : memref<10112x128xf32, #tpu.memory_space<vmem_shared>> -> memref<192x128xf32, #tpu.memory_space<vmem_shared>>
      tpu.wait_dma2 semaphore(%run_scoped3A : memref<!tpu.dma_semaphore, #tpu.memory_space<semaphore_mem>>) src(%arg10 : memref<192x128xf32, #tpu.memory_space<vmem>>) dst(%dma_wait3A_58 : memref<192x128xf32, #tpu.memory_space<vmem_shared>>)
      tpu.yield
    }) : () -> ()
    %add3A_17 = arith.constant 576 : i32
    %add3A_18 = arith.addi %mul3A_10, %add3A_17 : i32
    "tpu.region"() ({
      %run_scoped3A = tpu.sem_alloc : memref<!tpu.dma_semaphore, #tpu.memory_space<semaphore_mem>>
      %dma_start3A_51 = arith.constant 0 : i32
      %dma_start3A_52 = arith.constant 0 : i32
      %dma_start3A_53 = tpu.memref_slice %arg10[%dma_start3A_51, %dma_start3A_52] : memref<192x128xf32, #tpu.memory_space<vmem>> -> memref<56x128xf32, #tpu.memory_space<vmem>>
      %dma_start3A_54 = arith.constant 0 : i32
      %dma_start3A_55 = tpu.memref_slice %arg12[%add3A_18, %dma_start3A_54] : memref<10112x128xf32, #tpu.memory_space<vmem_shared>> -> memref<56x128xf32, #tpu.memory_space<vmem_shared>>
      %dma_start3A_56 = arith.constant 0 : i32
      %dma_start3A_57 = tpu.memref_slice %arg12[%add3A_18, %dma_start3A_56] : memref<10112x128xf32, #tpu.memory_space<vmem_shared>> -> memref<56x128xf32, #tpu.memory_space<vmem_shared>>
      %dma_start3A_58 = arith.constant 0 : i32
      %dma_start3A_59 = arith.constant 0 : i32
      %dma_start3A_60 = tpu.memref_slice %arg10[%dma_start3A_58, %dma_start3A_59] : memref<192x128xf32, #tpu.memory_space<vmem>> -> memref<56x128xf32, #tpu.memory_space<vmem>>
      tpu.enqueue_dma source(%dma_start3A_60 : memref<56x128xf32, #tpu.memory_space<vmem>>) target(%dma_start3A_57 : memref<56x128xf32, #tpu.memory_space<vmem_shared>>) target_semaphore(%run_scoped3A : memref<!tpu.dma_semaphore, #tpu.memory_space<semaphore_mem>>)
      %dma_wait3A_61 = arith.constant 0 : i32
      %dma_wait3A_62 = arith.constant 0 : i32
      %dma_wait3A_63 = tpu.memref_slice %arg10[%dma_wait3A_61, %dma_wait3A_62] : memref<192x128xf32, #tpu.memory_space<vmem>> -> memref<56x128xf32, #tpu.memory_space<vmem>>
      %dma_wait3A_64 = arith.constant 0 : i32
      %dma_wait3A_65 = tpu.memref_slice %arg12[%add3A_18, %dma_wait3A_64] : memref<10112x128xf32, #tpu.memory_space<vmem_shared>> -> memref<56x128xf32, #tpu.memory_space<vmem_shared>>
      %dma_wait3A_66 = arith.constant 0 : i32
      %dma_wait3A_67 = tpu.memref_slice %arg12[%add3A_18, %dma_wait3A_66] : memref<10112x128xf32, #tpu.memory_space<vmem_shared>> -> memref<56x128xf32, #tpu.memory_space<vmem_shared>>
      %dma_wait3A_68 = arith.constant 0 : i32
      %dma_wait3A_69 = arith.constant 0 : i32
      %dma_wait3A_70 = tpu.memref_slice %arg10[%dma_wait3A_68, %dma_wait3A_69] : memref<192x128xf32, #tpu.memory_space<vmem>> -> memref<56x128xf32, #tpu.memory_space<vmem>>
      tpu.wait_dma2 semaphore(%run_scoped3A : memref<!tpu.dma_semaphore, #tpu.memory_space<semaphore_mem>>) src(%dma_wait3A_70 : memref<56x128xf32, #tpu.memory_space<vmem>>) dst(%dma_wait3A_67 : memref<56x128xf32, #tpu.memory_space<vmem_shared>>)
      tpu.yield
    }) : () -> ()
    %barrier3A = arith.constant 0 : index
    tpu.barrier barrier_id(%barrier3A)
    %add3A_19 = arith.constant 0 : i32
    %add3A_20 = arith.addi %mul3A_2, %add3A_19 : i32
    "tpu.region"() ({
      %run_scoped3A = tpu.sem_alloc : memref<!tpu.dma_semaphore, #tpu.memory_space<semaphore_mem>>
      %dma_start3A_51 = tpu.memref_slice %arg3[%add3A_20] : memref<331776xi32, #tpu.memory_space<hbm>> -> memref<192xi32, #tpu.memory_space<hbm>>
      %dma_start3A_52 = tpu.memref_slice %arg3[%add3A_20] : memref<331776xi32, #tpu.memory_space<hbm>> -> memref<192xi32, #tpu.memory_space<hbm>>
      tpu.enqueue_dma source(%dma_start3A_52 : memref<192xi32, #tpu.memory_space<hbm>>) target(%arg6 : memref<192xi32, #tpu.memory_space<vmem>>) target_semaphore(%run_scoped3A : memref<!tpu.dma_semaphore, #tpu.memory_space<semaphore_mem>>)
      %dma_wait3A_53 = tpu.memref_slice %arg3[%add3A_20] : memref<331776xi32, #tpu.memory_space<hbm>> -> memref<192xi32, #tpu.memory_space<hbm>>
      %dma_wait3A_54 = tpu.memref_slice %arg3[%add3A_20] : memref<331776xi32, #tpu.memory_space<hbm>> -> memref<192xi32, #tpu.memory_space<hbm>>
      tpu.wait_dma2 semaphore(%run_scoped3A : memref<!tpu.dma_semaphore, #tpu.memory_space<semaphore_mem>>) src(%dma_wait3A_54 : memref<192xi32, #tpu.memory_space<hbm>>) dst(%arg6 : memref<192xi32, #tpu.memory_space<vmem>>)
      tpu.yield
    }) : () -> ()
    "tpu.region"() ({
      %run_scoped3A = tpu.sem_alloc : memref<!tpu.dma_semaphore, #tpu.memory_space<semaphore_mem>>
      %dma_start3A_51 = tpu.memref_slice %arg4[%add3A_20] : memref<331776xi32, #tpu.memory_space<hbm>> -> memref<192xi32, #tpu.memory_space<hbm>>
      %dma_start3A_52 = tpu.memref_slice %arg4[%add3A_20] : memref<331776xi32, #tpu.memory_space<hbm>> -> memref<192xi32, #tpu.memory_space<hbm>>
      tpu.enqueue_dma source(%dma_start3A_52 : memref<192xi32, #tpu.memory_space<hbm>>) target(%arg7 : memref<192xi32, #tpu.memory_space<vmem>>) target_semaphore(%run_scoped3A : memref<!tpu.dma_semaphore, #tpu.memory_space<semaphore_mem>>)
      %dma_wait3A_53 = tpu.memref_slice %arg4[%add3A_20] : memref<331776xi32, #tpu.memory_space<hbm>> -> memref<192xi32, #tpu.memory_space<hbm>>
      %dma_wait3A_54 = tpu.memref_slice %arg4[%add3A_20] : memref<331776xi32, #tpu.memory_space<hbm>> -> memref<192xi32, #tpu.memory_space<hbm>>
      tpu.wait_dma2 semaphore(%run_scoped3A : memref<!tpu.dma_semaphore, #tpu.memory_space<semaphore_mem>>) src(%dma_wait3A_54 : memref<192xi32, #tpu.memory_space<hbm>>) dst(%arg7 : memref<192xi32, #tpu.memory_space<vmem>>)
      tpu.yield
    }) : () -> ()
    %dma_start3A = arith.constant 0 : i32
    %dma_start3A_21 = arith.constant 0 : i32
    %dma_start3A_22 = tpu.memref_slice %arg2[%dma_start3A, %dma_start3A_21] : memref<1024x128xf32, #tpu.memory_space<hbm>> -> memref<1024x128xf32, #tpu.memory_space<hbm>>
    tpu.enqueue_indirect_dma source(%dma_start3A_22 : memref<1024x128xf32, #tpu.memory_space<hbm>>) target(%arg10 : memref<192x128xf32, #tpu.memory_space<vmem>>) offsets(%arg6 : memref<192xi32, #tpu.memory_space<vmem>>) semaphore(%arg13 : memref<!tpu.dma_semaphore, #tpu.memory_space<semaphore_mem>>)
    %add3A_23 = arith.constant 192 : i32
    %add3A_24 = arith.addi %mul3A_2, %add3A_23 : i32
    "tpu.region"() ({
      %run_scoped3A = tpu.sem_alloc : memref<!tpu.dma_semaphore, #tpu.memory_space<semaphore_mem>>
      %dma_start3A_51 = tpu.memref_slice %arg3[%add3A_24] : memref<331776xi32, #tpu.memory_space<hbm>> -> memref<192xi32, #tpu.memory_space<hbm>>
      %dma_start3A_52 = tpu.memref_slice %arg3[%add3A_24] : memref<331776xi32, #tpu.memory_space<hbm>> -> memref<192xi32, #tpu.memory_space<hbm>>
      tpu.enqueue_dma source(%dma_start3A_52 : memref<192xi32, #tpu.memory_space<hbm>>) target(%arg8 : memref<192xi32, #tpu.memory_space<vmem>>) target_semaphore(%run_scoped3A : memref<!tpu.dma_semaphore, #tpu.memory_space<semaphore_mem>>)
      %dma_wait3A_53 = tpu.memref_slice %arg3[%add3A_24] : memref<331776xi32, #tpu.memory_space<hbm>> -> memref<192xi32, #tpu.memory_space<hbm>>
      %dma_wait3A_54 = tpu.memref_slice %arg3[%add3A_24] : memref<331776xi32, #tpu.memory_space<hbm>> -> memref<192xi32, #tpu.memory_space<hbm>>
      tpu.wait_dma2 semaphore(%run_scoped3A : memref<!tpu.dma_semaphore, #tpu.memory_space<semaphore_mem>>) src(%dma_wait3A_54 : memref<192xi32, #tpu.memory_space<hbm>>) dst(%arg8 : memref<192xi32, #tpu.memory_space<vmem>>)
      tpu.yield
    }) : () -> ()
    "tpu.region"() ({
      %run_scoped3A = tpu.sem_alloc : memref<!tpu.dma_semaphore, #tpu.memory_space<semaphore_mem>>
      %dma_start3A_51 = tpu.memref_slice %arg4[%add3A_24] : memref<331776xi32, #tpu.memory_space<hbm>> -> memref<192xi32, #tpu.memory_space<hbm>>
      %dma_start3A_52 = tpu.memref_slice %arg4[%add3A_24] : memref<331776xi32, #tpu.memory_space<hbm>> -> memref<192xi32, #tpu.memory_space<hbm>>
      tpu.enqueue_dma source(%dma_start3A_52 : memref<192xi32, #tpu.memory_space<hbm>>) target(%arg9 : memref<192xi32, #tpu.memory_space<vmem>>) target_semaphore(%run_scoped3A : memref<!tpu.dma_semaphore, #tpu.memory_space<semaphore_mem>>)
      %dma_wait3A_53 = tpu.memref_slice %arg4[%add3A_24] : memref<331776xi32, #tpu.memory_space<hbm>> -> memref<192xi32, #tpu.memory_space<hbm>>
      %dma_wait3A_54 = tpu.memref_slice %arg4[%add3A_24] : memref<331776xi32, #tpu.memory_space<hbm>> -> memref<192xi32, #tpu.memory_space<hbm>>
      tpu.wait_dma2 semaphore(%run_scoped3A : memref<!tpu.dma_semaphore, #tpu.memory_space<semaphore_mem>>) src(%dma_wait3A_54 : memref<192xi32, #tpu.memory_space<hbm>>) dst(%arg9 : memref<192xi32, #tpu.memory_space<vmem>>)
      tpu.yield
    }) : () -> ()
    %dma_start3A_25 = arith.constant 0 : i32
    %dma_start3A_26 = arith.constant 0 : i32
    %dma_start3A_27 = tpu.memref_slice %arg2[%dma_start3A_25, %dma_start3A_26] : memref<1024x128xf32, #tpu.memory_space<hbm>> -> memref<1024x128xf32, #tpu.memory_space<hbm>>
    tpu.enqueue_indirect_dma source(%dma_start3A_27 : memref<1024x128xf32, #tpu.memory_space<hbm>>) target(%arg11 : memref<192x128xf32, #tpu.memory_space<vmem>>) offsets(%arg8 : memref<192xi32, #tpu.memory_space<vmem>>) semaphore(%arg14 : memref<!tpu.dma_semaphore, #tpu.memory_space<semaphore_mem>>)
    %scan3A_28 = arith.constant 0 : i32
    %scan3A_29 = arith.constant 0 : i32
    %scan3A_30 = arith.constant 26 : i32
    %scan3A_31 = arith.addi %scan3A_29, %scan3A_30 : i32
    %scan3A_32 = arith.constant 1 : i32
    scf.for %scan3A_51 = %scan3A_29 to %scan3A_31 step %scan3A_32  : i32 {
      %dma_wait3A_52 = arith.constant 0 : i32
      %dma_wait3A_53 = arith.constant 0 : i32
      %dma_wait3A_54 = tpu.memref_slice %arg2[%dma_wait3A_52, %dma_wait3A_53] : memref<1024x128xf32, #tpu.memory_space<hbm>> -> memref<192x128xf32, #tpu.memory_space<hbm>>
      %dma_wait3A_55 = arith.constant 0 : i32
      %dma_wait3A_56 = arith.constant 0 : i32
      %dma_wait3A_57 = tpu.memref_slice %arg2[%dma_wait3A_55, %dma_wait3A_56] : memref<1024x128xf32, #tpu.memory_space<hbm>> -> memref<192x128xf32, #tpu.memory_space<hbm>>
      tpu.wait_dma2 semaphore(%arg13 : memref<!tpu.dma_semaphore, #tpu.memory_space<semaphore_mem>>) src(%dma_wait3A_57 : memref<192x128xf32, #tpu.memory_space<hbm>>) dst(%arg10 : memref<192x128xf32, #tpu.memory_space<vmem>>)
      "tpu.region"() ({
        %run_scoped3A = tpu.sem_alloc : memref<!tpu.dma_semaphore, #tpu.memory_space<semaphore_mem>>
        %dma_start3A_88 = arith.constant 0 : i32
        %dma_start3A_89 = arith.constant 0 : i32
        %dma_start3A_90 = tpu.memref_slice %arg12[%dma_start3A_88, %dma_start3A_89] : memref<10112x128xf32, #tpu.memory_space<vmem_shared>> -> memref<10112x128xf32, #tpu.memory_space<vmem_shared>>
        tpu.enqueue_indirect_dma source(%arg10 : memref<192x128xf32, #tpu.memory_space<vmem>>) target(%dma_start3A_90 : memref<10112x128xf32, #tpu.memory_space<vmem_shared>>) offsets(%arg7 : memref<192xi32, #tpu.memory_space<vmem>>) semaphore(%run_scoped3A : memref<!tpu.dma_semaphore, #tpu.memory_space<semaphore_mem>>) {add = true}
        %dma_wait3A_91 = arith.constant 0 : i32
        %dma_wait3A_92 = arith.constant 0 : i32
        %dma_wait3A_93 = tpu.memref_slice %arg12[%dma_wait3A_91, %dma_wait3A_92] : memref<10112x128xf32, #tpu.memory_space<vmem_shared>> -> memref<10112x128xf32, #tpu.memory_space<vmem_shared>>
        tpu.wait_indirect_dma semaphore(%run_scoped3A : memref<!tpu.dma_semaphore, #tpu.memory_space<semaphore_mem>>) src(%arg10 : memref<192x128xf32, #tpu.memory_space<vmem>>) dst(%dma_wait3A_93 : memref<10112x128xf32, #tpu.memory_space<vmem_shared>>)
        tpu.yield
      }) : () -> ()
      %mul3A_58 = arith.constant 2 : i32
      %mul3A_59 = arith.muli %scan3A_51, %mul3A_58 : i32
      %add3A_60 = arith.constant 0 : i32
      %add3A_61 = arith.addi %mul3A_59, %add3A_60 : i32
      %add3A_62 = arith.constant 2 : i32
      %add3A_63 = arith.addi %add3A_61, %add3A_62 : i32
      %mul3A_64 = arith.constant 192 : i32
      %mul3A_65 = arith.muli %add3A_63, %mul3A_64 : i32
      %add3A_66 = arith.addi %mul3A_2, %mul3A_65 : i32
      "tpu.region"() ({
        %run_scoped3A = tpu.sem_alloc : memref<!tpu.dma_semaphore, #tpu.memory_space<semaphore_mem>>
        %dma_start3A_88 = tpu.memref_slice %arg3[%add3A_66] : memref<331776xi32, #tpu.memory_space<hbm>> -> memref<192xi32, #tpu.memory_space<hbm>>
        %dma_start3A_89 = tpu.memref_slice %arg3[%add3A_66] : memref<331776xi32, #tpu.memory_space<hbm>> -> memref<192xi32, #tpu.memory_space<hbm>>
        tpu.enqueue_dma source(%dma_start3A_89 : memref<192xi32, #tpu.memory_space<hbm>>) target(%arg6 : memref<192xi32, #tpu.memory_space<vmem>>) target_semaphore(%run_scoped3A : memref<!tpu.dma_semaphore, #tpu.memory_space<semaphore_mem>>)
        %dma_wait3A_90 = tpu.memref_slice %arg3[%add3A_66] : memref<331776xi32, #tpu.memory_space<hbm>> -> memref<192xi32, #tpu.memory_space<hbm>>
        %dma_wait3A_91 = tpu.memref_slice %arg3[%add3A_66] : memref<331776xi32, #tpu.memory_space<hbm>> -> memref<192xi32, #tpu.memory_space<hbm>>
        tpu.wait_dma2 semaphore(%run_scoped3A : memref<!tpu.dma_semaphore, #tpu.memory_space<semaphore_mem>>) src(%dma_wait3A_91 : memref<192xi32, #tpu.memory_space<hbm>>) dst(%arg6 : memref<192xi32, #tpu.memory_space<vmem>>)
        tpu.yield
      }) : () -> ()
      "tpu.region"() ({
        %run_scoped3A = tpu.sem_alloc : memref<!tpu.dma_semaphore, #tpu.memory_space<semaphore_mem>>
        %dma_start3A_88 = tpu.memref_slice %arg4[%add3A_66] : memref<331776xi32, #tpu.memory_space<hbm>> -> memref<192xi32, #tpu.memory_space<hbm>>
        %dma_start3A_89 = tpu.memref_slice %arg4[%add3A_66] : memref<331776xi32, #tpu.memory_space<hbm>> -> memref<192xi32, #tpu.memory_space<hbm>>
        tpu.enqueue_dma source(%dma_start3A_89 : memref<192xi32, #tpu.memory_space<hbm>>) target(%arg7 : memref<192xi32, #tpu.memory_space<vmem>>) target_semaphore(%run_scoped3A : memref<!tpu.dma_semaphore, #tpu.memory_space<semaphore_mem>>)
        %dma_wait3A_90 = tpu.memref_slice %arg4[%add3A_66] : memref<331776xi32, #tpu.memory_space<hbm>> -> memref<192xi32, #tpu.memory_space<hbm>>
        %dma_wait3A_91 = tpu.memref_slice %arg4[%add3A_66] : memref<331776xi32, #tpu.memory_space<hbm>> -> memref<192xi32, #tpu.memory_space<hbm>>
        tpu.wait_dma2 semaphore(%run_scoped3A : memref<!tpu.dma_semaphore, #tpu.memory_space<semaphore_mem>>) src(%dma_wait3A_91 : memref<192xi32, #tpu.memory_space<hbm>>) dst(%arg7 : memref<192xi32, #tpu.memory_space<vmem>>)
        tpu.yield
      }) : () -> ()
      %dma_start3A_67 = arith.constant 0 : i32
      %dma_start3A_68 = arith.constant 0 : i32
      %dma_start3A_69 = tpu.memref_slice %arg2[%dma_start3A_67, %dma_start3A_68] : memref<1024x128xf32, #tpu.memory_space<hbm>> -> memref<1024x128xf32, #tpu.memory_space<hbm>>
      tpu.enqueue_indirect_dma source(%dma_start3A_69 : memref<1024x128xf32, #tpu.memory_space<hbm>>) target(%arg10 : memref<192x128xf32, #tpu.memory_space<vmem>>) offsets(%arg6 : memref<192xi32, #tpu.memory_space<vmem>>) semaphore(%arg13 : memref<!tpu.dma_semaphore, #tpu.memory_space<semaphore_mem>>)
      %dma_wait3A_70 = arith.constant 0 : i32
      %dma_wait3A_71 = arith.constant 0 : i32
      %dma_wait3A_72 = tpu.memref_slice %arg2[%dma_wait3A_70, %dma_wait3A_71] : memref<1024x128xf32, #tpu.memory_space<hbm>> -> memref<192x128xf32, #tpu.memory_space<hbm>>
      %dma_wait3A_73 = arith.constant 0 : i32
      %dma_wait3A_74 = arith.constant 0 : i32
      %dma_wait3A_75 = tpu.memref_slice %arg2[%dma_wait3A_73, %dma_wait3A_74] : memref<1024x128xf32, #tpu.memory_space<hbm>> -> memref<192x128xf32, #tpu.memory_space<hbm>>
      tpu.wait_dma2 semaphore(%arg14 : memref<!tpu.dma_semaphore, #tpu.memory_space<semaphore_mem>>) src(%dma_wait3A_75 : memref<192x128xf32, #tpu.memory_space<hbm>>) dst(%arg11 : memref<192x128xf32, #tpu.memory_space<vmem>>)
      "tpu.region"() ({
        %run_scoped3A = tpu.sem_alloc : memref<!tpu.dma_semaphore, #tpu.memory_space<semaphore_mem>>
        %dma_start3A_88 = arith.constant 0 : i32
        %dma_start3A_89 = arith.constant 0 : i32
        %dma_start3A_90 = tpu.memref_slice %arg12[%dma_start3A_88, %dma_start3A_89] : memref<10112x128xf32, #tpu.memory_space<vmem_shared>> -> memref<10112x128xf32, #tpu.memory_space<vmem_shared>>
        tpu.enqueue_indirect_dma source(%arg11 : memref<192x128xf32, #tpu.memory_space<vmem>>) target(%dma_start3A_90 : memref<10112x128xf32, #tpu.memory_space<vmem_shared>>) offsets(%arg9 : memref<192xi32, #tpu.memory_space<vmem>>) semaphore(%run_scoped3A : memref<!tpu.dma_semaphore, #tpu.memory_space<semaphore_mem>>) {add = true}
        %dma_wait3A_91 = arith.constant 0 : i32
        %dma_wait3A_92 = arith.constant 0 : i32
        %dma_wait3A_93 = tpu.memref_slice %arg12[%dma_wait3A_91, %dma_wait3A_92] : memref<10112x128xf32, #tpu.memory_space<vmem_shared>> -> memref<10112x128xf32, #tpu.memory_space<vmem_shared>>
        tpu.wait_indirect_dma semaphore(%run_scoped3A : memref<!tpu.dma_semaphore, #tpu.memory_space<semaphore_mem>>) src(%arg11 : memref<192x128xf32, #tpu.memory_space<vmem>>) dst(%dma_wait3A_93 : memref<10112x128xf32, #tpu.memory_space<vmem_shared>>)
        tpu.yield
      }) : () -> ()
      %mul3A_76 = arith.constant 2 : i32
      %mul3A_77 = arith.muli %scan3A_51, %mul3A_76 : i32
      %add3A_78 = arith.constant 1 : i32
      %add3A_79 = arith.addi %mul3A_77, %add3A_78 : i32
      %add3A_80 = arith.constant 2 : i32
      %add3A_81 = arith.addi %add3A_79, %add3A_80 : i32
      %mul3A_82 = arith.constant 192 : i32
      %mul3A_83 = arith.muli %add3A_81, %mul3A_82 : i32
      %add3A_84 = arith.addi %mul3A_2, %mul3A_83 : i32
      "tpu.region"() ({
        %run_scoped3A = tpu.sem_alloc : memref<!tpu.dma_semaphore, #tpu.memory_space<semaphore_mem>>
        %dma_start3A_88 = tpu.memref_slice %arg3[%add3A_84] : memref<331776xi32, #tpu.memory_space<hbm>> -> memref<192xi32, #tpu.memory_space<hbm>>
        %dma_start3A_89 = tpu.memref_slice %arg3[%add3A_84] : memref<331776xi32, #tpu.memory_space<hbm>> -> memref<192xi32, #tpu.memory_space<hbm>>
        tpu.enqueue_dma source(%dma_start3A_89 : memref<192xi32, #tpu.memory_space<hbm>>) target(%arg8 : memref<192xi32, #tpu.memory_space<vmem>>) target_semaphore(%run_scoped3A : memref<!tpu.dma_semaphore, #tpu.memory_space<semaphore_mem>>)
        %dma_wait3A_90 = tpu.memref_slice %arg3[%add3A_84] : memref<331776xi32, #tpu.memory_space<hbm>> -> memref<192xi32, #tpu.memory_space<hbm>>
        %dma_wait3A_91 = tpu.memref_slice %arg3[%add3A_84] : memref<331776xi32, #tpu.memory_space<hbm>> -> memref<192xi32, #tpu.memory_space<hbm>>
        tpu.wait_dma2 semaphore(%run_scoped3A : memref<!tpu.dma_semaphore, #tpu.memory_space<semaphore_mem>>) src(%dma_wait3A_91 : memref<192xi32, #tpu.memory_space<hbm>>) dst(%arg8 : memref<192xi32, #tpu.memory_space<vmem>>)
        tpu.yield
      }) : () -> ()
      "tpu.region"() ({
        %run_scoped3A = tpu.sem_alloc : memref<!tpu.dma_semaphore, #tpu.memory_space<semaphore_mem>>
        %dma_start3A_88 = tpu.memref_slice %arg4[%add3A_84] : memref<331776xi32, #tpu.memory_space<hbm>> -> memref<192xi32, #tpu.memory_space<hbm>>
        %dma_start3A_89 = tpu.memref_slice %arg4[%add3A_84] : memref<331776xi32, #tpu.memory_space<hbm>> -> memref<192xi32, #tpu.memory_space<hbm>>
        tpu.enqueue_dma source(%dma_start3A_89 : memref<192xi32, #tpu.memory_space<hbm>>) target(%arg9 : memref<192xi32, #tpu.memory_space<vmem>>) target_semaphore(%run_scoped3A : memref<!tpu.dma_semaphore, #tpu.memory_space<semaphore_mem>>)
        %dma_wait3A_90 = tpu.memref_slice %arg4[%add3A_84] : memref<331776xi32, #tpu.memory_space<hbm>> -> memref<192xi32, #tpu.memory_space<hbm>>
        %dma_wait3A_91 = tpu.memref_slice %arg4[%add3A_84] : memref<331776xi32, #tpu.memory_space<hbm>> -> memref<192xi32, #tpu.memory_space<hbm>>
        tpu.wait_dma2 semaphore(%run_scoped3A : memref<!tpu.dma_semaphore, #tpu.memory_space<semaphore_mem>>) src(%dma_wait3A_91 : memref<192xi32, #tpu.memory_space<hbm>>) dst(%arg9 : memref<192xi32, #tpu.memory_space<vmem>>)
        tpu.yield
      }) : () -> ()
      %dma_start3A_85 = arith.constant 0 : i32
      %dma_start3A_86 = arith.constant 0 : i32
      %dma_start3A_87 = tpu.memref_slice %arg2[%dma_start3A_85, %dma_start3A_86] : memref<1024x128xf32, #tpu.memory_space<hbm>> -> memref<1024x128xf32, #tpu.memory_space<hbm>>
      tpu.enqueue_indirect_dma source(%dma_start3A_87 : memref<1024x128xf32, #tpu.memory_space<hbm>>) target(%arg11 : memref<192x128xf32, #tpu.memory_space<vmem>>) offsets(%arg8 : memref<192xi32, #tpu.memory_space<vmem>>) semaphore(%arg14 : memref<!tpu.dma_semaphore, #tpu.memory_space<semaphore_mem>>)
    }
    %scan3A_33 = arith.constant 26 : i32
    %dma_wait3A = arith.constant 0 : i32
    %dma_wait3A_34 = arith.constant 0 : i32
    %dma_wait3A_35 = tpu.memref_slice %arg2[%dma_wait3A, %dma_wait3A_34] : memref<1024x128xf32, #tpu.memory_space<hbm>> -> memref<192x128xf32, #tpu.memory_space<hbm>>
    %dma_wait3A_36 = arith.constant 0 : i32
    %dma_wait3A_37 = arith.constant 0 : i32
    %dma_wait3A_38 = tpu.memref_slice %arg2[%dma_wait3A_36, %dma_wait3A_37] : memref<1024x128xf32, #tpu.memory_space<hbm>> -> memref<192x128xf32, #tpu.memory_space<hbm>>
    tpu.wait_dma2 semaphore(%arg13 : memref<!tpu.dma_semaphore, #tpu.memory_space<semaphore_mem>>) src(%dma_wait3A_38 : memref<192x128xf32, #tpu.memory_space<hbm>>) dst(%arg10 : memref<192x128xf32, #tpu.memory_space<vmem>>)
    "tpu.region"() ({
      %run_scoped3A = tpu.sem_alloc : memref<!tpu.dma_semaphore, #tpu.memory_space<semaphore_mem>>
      %dma_start3A_51 = arith.constant 0 : i32
      %dma_start3A_52 = arith.constant 0 : i32
      %dma_start3A_53 = tpu.memref_slice %arg12[%dma_start3A_51, %dma_start3A_52] : memref<10112x128xf32, #tpu.memory_space<vmem_shared>> -> memref<10112x128xf32, #tpu.memory_space<vmem_shared>>
      tpu.enqueue_indirect_dma source(%arg10 : memref<192x128xf32, #tpu.memory_space<vmem>>) target(%dma_start3A_53 : memref<10112x128xf32, #tpu.memory_space<vmem_shared>>) offsets(%arg7 : memref<192xi32, #tpu.memory_space<vmem>>) semaphore(%run_scoped3A : memref<!tpu.dma_semaphore, #tpu.memory_space<semaphore_mem>>) {add = true}
      %dma_wait3A_54 = arith.constant 0 : i32
      %dma_wait3A_55 = arith.constant 0 : i32
      %dma_wait3A_56 = tpu.memref_slice %arg12[%dma_wait3A_54, %dma_wait3A_55] : memref<10112x128xf32, #tpu.memory_space<vmem_shared>> -> memref<10112x128xf32, #tpu.memory_space<vmem_shared>>
      tpu.wait_indirect_dma semaphore(%run_scoped3A : memref<!tpu.dma_semaphore, #tpu.memory_space<semaphore_mem>>) src(%arg10 : memref<192x128xf32, #tpu.memory_space<vmem>>) dst(%dma_wait3A_56 : memref<10112x128xf32, #tpu.memory_space<vmem_shared>>)
      tpu.yield
    }) : () -> ()
    %dma_wait3A_39 = arith.constant 0 : i32
    %dma_wait3A_40 = arith.constant 0 : i32
    %dma_wait3A_41 = tpu.memref_slice %arg2[%dma_wait3A_39, %dma_wait3A_40] : memref<1024x128xf32, #tpu.memory_space<hbm>> -> memref<192x128xf32, #tpu.memory_space<hbm>>
    %dma_wait3A_42 = arith.constant 0 : i32
    %dma_wait3A_43 = arith.constant 0 : i32
    %dma_wait3A_44 = tpu.memref_slice %arg2[%dma_wait3A_42, %dma_wait3A_43] : memref<1024x128xf32, #tpu.memory_space<hbm>> -> memref<192x128xf32, #tpu.memory_space<hbm>>
    tpu.wait_dma2 semaphore(%arg14 : memref<!tpu.dma_semaphore, #tpu.memory_space<semaphore_mem>>) src(%dma_wait3A_44 : memref<192x128xf32, #tpu.memory_space<hbm>>) dst(%arg11 : memref<192x128xf32, #tpu.memory_space<vmem>>)
    "tpu.region"() ({
      %run_scoped3A = tpu.sem_alloc : memref<!tpu.dma_semaphore, #tpu.memory_space<semaphore_mem>>
      %dma_start3A_51 = arith.constant 0 : i32
      %dma_start3A_52 = arith.constant 0 : i32
      %dma_start3A_53 = tpu.memref_slice %arg12[%dma_start3A_51, %dma_start3A_52] : memref<10112x128xf32, #tpu.memory_space<vmem_shared>> -> memref<10112x128xf32, #tpu.memory_space<vmem_shared>>
      tpu.enqueue_indirect_dma source(%arg11 : memref<192x128xf32, #tpu.memory_space<vmem>>) target(%dma_start3A_53 : memref<10112x128xf32, #tpu.memory_space<vmem_shared>>) offsets(%arg9 : memref<192xi32, #tpu.memory_space<vmem>>) semaphore(%run_scoped3A : memref<!tpu.dma_semaphore, #tpu.memory_space<semaphore_mem>>) {add = true}
      %dma_wait3A_54 = arith.constant 0 : i32
      %dma_wait3A_55 = arith.constant 0 : i32
      %dma_wait3A_56 = tpu.memref_slice %arg12[%dma_wait3A_54, %dma_wait3A_55] : memref<10112x128xf32, #tpu.memory_space<vmem_shared>> -> memref<10112x128xf32, #tpu.memory_space<vmem_shared>>
      tpu.wait_indirect_dma semaphore(%run_scoped3A : memref<!tpu.dma_semaphore, #tpu.memory_space<semaphore_mem>>) src(%arg11 : memref<192x128xf32, #tpu.memory_space<vmem>>) dst(%dma_wait3A_56 : memref<10112x128xf32, #tpu.memory_space<vmem_shared>>)
      tpu.yield
    }) : () -> ()
    %barrier3A_45 = arith.constant 0 : index
    tpu.barrier barrier_id(%barrier3A_45)
    %mul3A_46 = arith.constant 10112 : i32
    %mul3A_47 = arith.muli %arg0, %mul3A_46 : i32
    %mul3A_48 = arith.constant 632 : i32
    %mul3A_49 = arith.muli %arg1, %mul3A_48 : i32
    %add3A_50 = arith.addi %mul3A_47, %mul3A_49 : i32
    "tpu.region"() ({
      %run_scoped3A = tpu.sem_alloc : memref<!tpu.dma_semaphore, #tpu.memory_space<semaphore_mem>>
      %dma_start3A_51 = arith.constant 0 : i32
      %dma_start3A_52 = tpu.memref_slice %arg5[%add3A_50, %dma_start3A_51] : memref<20224x128xf32, #tpu.memory_space<hbm>> -> memref<632x128xf32, #tpu.memory_space<hbm>>
      %dma_start3A_53 = arith.constant 0 : i32
      %dma_start3A_54 = tpu.memref_slice %arg12[%mul3A_10, %dma_start3A_53] : memref<10112x128xf32, #tpu.memory_space<vmem_shared>> -> memref<632x128xf32, #tpu.memory_space<vmem_shared>>
      tpu.enqueue_dma source(%dma_start3A_54 : memref<632x128xf32, #tpu.memory_space<vmem_shared>>) target(%dma_start3A_52 : memref<632x128xf32, #tpu.memory_space<hbm>>) target_semaphore(%run_scoped3A : memref<!tpu.dma_semaphore, #tpu.memory_space<semaphore_mem>>)
      %dma_wait3A_55 = arith.constant 0 : i32
      %dma_wait3A_56 = tpu.memref_slice %arg5[%add3A_50, %dma_wait3A_55] : memref<20224x128xf32, #tpu.memory_space<hbm>> -> memref<632x128xf32, #tpu.memory_space<hbm>>
      %dma_wait3A_57 = arith.constant 0 : i32
      %dma_wait3A_58 = tpu.memref_slice %arg12[%mul3A_10, %dma_wait3A_57] : memref<10112x128xf32, #tpu.memory_space<vmem_shared>> -> memref<632x128xf32, #tpu.memory_space<vmem_shared>>
      tpu.wait_dma2 semaphore(%run_scoped3A : memref<!tpu.dma_semaphore, #tpu.memory_space<semaphore_mem>>) src(%dma_wait3A_58 : memref<632x128xf32, #tpu.memory_space<vmem_shared>>) dst(%dma_wait3A_56 : memref<632x128xf32, #tpu.memory_space<hbm>>)
      tpu.yield
    }) : () -> ()
    return
  }
}

#map = affine_map<(d0, d1) -> (0, 0)>
#map1 = affine_map<(d0, d1) -> (0)>
module attributes {stable_mosaic.version = 14 : i64} {
  func.func @_sc_body(%arg0: i32, %arg1: i32, %arg2: memref<10000x128xf32, #tpu.memory_space<hbm>>, %arg3: memref<331776xi32, #tpu.memory_space<hbm>>, %arg4: memref<331776xi32, #tpu.memory_space<hbm>>, %arg5: memref<20224x128xf32, #tpu.memory_space<hbm>>, %arg6: memref<192xi32, #tpu.memory_space<vmem>>, %arg7: memref<192xi32, #tpu.memory_space<vmem>>, %arg8: memref<192xi32, #tpu.memory_space<vmem>>, %arg9: memref<192xi32, #tpu.memory_space<vmem>>, %arg10: memref<192x128xf32, #tpu.memory_space<vmem>>, %arg11: memref<192x128xf32, #tpu.memory_space<vmem>>, %arg12: memref<10112x128xf32, #tpu.memory_space<vmem_shared>>, %arg13: memref<!tpu.dma_semaphore, #tpu.memory_space<semaphore_mem>>, %arg14: memref<!tpu.dma_semaphore, #tpu.memory_space<semaphore_mem>>) attributes {dimension_semantics = [#tpu.dimension_semantics<core_parallel>, #tpu.dimension_semantics<subcore_parallel>], iteration_bounds = array<i64: 2, 16>, scalar_prefetch = 0 : i64, scratch_operands = 9 : i64, tpu.core_type = #tpu.core_type<sc_vector_subcore>, window_params = [{transform_indices = #map}, {transform_indices = #map1}, {transform_indices = #map1}, {transform_indices = #map}]} {
    %mul3A = arith.constant 2 : i32
    %mul3A_0 = arith.muli %arg1, %mul3A : i32
    %add3A = arith.addi %mul3A_0, %arg0 : i32
    %mul3A_1 = arith.constant 10368 : i32
    %mul3A_2 = arith.muli %add3A, %mul3A_1 : i32
    %broadcast_in_dim3A = arith.constant 0.000000e+00 : f32
    %broadcast_in_dim3A_3 = vector.broadcast %broadcast_in_dim3A : f32 to vector<16xf32>
    %scan3A = arith.constant 0 : i32
    %scan3A_4 = arith.constant 0 : i32
    %scan3A_5 = arith.constant 192 : i32
    %scan3A_6 = arith.addi %scan3A_4, %scan3A_5 : i32
    %scan3A_7 = arith.constant 1 : i32
    scf.for %scan3A_51 = %scan3A_4 to %scan3A_6 step %scan3A_7  : i32 {
      %swap3A = arith.index_cast %scan3A_51 : i32 to index
      %swap3A_52 = arith.constant 0 : index
      %swap3A_53 = tpu.vector_load %arg10[%swap3A, %swap3A_52] {strides = array<i32>} : memref<192x128xf32, #tpu.memory_space<vmem>>, vector<1x16xf32>,
      %swap3A_54 = vector.shape_cast %swap3A_53 : vector<1x16xf32> to vector<16xf32>
      %swap3A_55 = vector.shape_cast %broadcast_in_dim3A_3 : vector<16xf32> to vector<1x16xf32>
      tpu.vector_store %arg10[%swap3A, %swap3A_52], %swap3A_55 {strides = array<i32>} : memref<192x128xf32, #tpu.memory_space<vmem>>, vector<1x16xf32>,
      %swap3A_56 = arith.index_cast %scan3A_51 : i32 to index
      %swap3A_57 = arith.constant 16 : index
      %swap3A_58 = tpu.vector_load %arg10[%swap3A_56, %swap3A_57] {strides = array<i32>} : memref<192x128xf32, #tpu.memory_space<vmem>>, vector<1x16xf32>,
      %swap3A_59 = vector.shape_cast %swap3A_58 : vector<1x16xf32> to vector<16xf32>
      %swap3A_60 = vector.shape_cast %broadcast_in_dim3A_3 : vector<16xf32> to vector<1x16xf32>
      tpu.vector_store %arg10[%swap3A_56, %swap3A_57], %swap3A_60 {strides = array<i32>} : memref<192x128xf32, #tpu.memory_space<vmem>>, vector<1x16xf32>,
      %swap3A_61 = arith.index_cast %scan3A_51 : i32 to index
      %swap3A_62 = arith.constant 32 : index
      %swap3A_63 = tpu.vector_load %arg10[%swap3A_61, %swap3A_62] {strides = array<i32>} : memref<192x128xf32, #tpu.memory_space<vmem>>, vector<1x16xf32>,
      %swap3A_64 = vector.shape_cast %swap3A_63 : vector<1x16xf32> to vector<16xf32>
      %swap3A_65 = vector.shape_cast %broadcast_in_dim3A_3 : vector<16xf32> to vector<1x16xf32>
      tpu.vector_store %arg10[%swap3A_61, %swap3A_62], %swap3A_65 {strides = array<i32>} : memref<192x128xf32, #tpu.memory_space<vmem>>, vector<1x16xf32>,
      %swap3A_66 = arith.index_cast %scan3A_51 : i32 to index
      %swap3A_67 = arith.constant 48 : index
      %swap3A_68 = tpu.vector_load %arg10[%swap3A_66, %swap3A_67] {strides = array<i32>} : memref<192x128xf32, #tpu.memory_space<vmem>>, vector<1x16xf32>,
      %swap3A_69 = vector.shape_cast %swap3A_68 : vector<1x16xf32> to vector<16xf32>
      %swap3A_70 = vector.shape_cast %broadcast_in_dim3A_3 : vector<16xf32> to vector<1x16xf32>
      tpu.vector_store %arg10[%swap3A_66, %swap3A_67], %swap3A_70 {strides = array<i32>} : memref<192x128xf32, #tpu.memory_space<vmem>>, vector<1x16xf32>,
      %swap3A_71 = arith.index_cast %scan3A_51 : i32 to index
      %swap3A_72 = arith.constant 64 : index
      %swap3A_73 = tpu.vector_load %arg10[%swap3A_71, %swap3A_72] {strides = array<i32>} : memref<192x128xf32, #tpu.memory_space<vmem>>, vector<1x16xf32>,
      %swap3A_74 = vector.shape_cast %swap3A_73 : vector<1x16xf32> to vector<16xf32>
      %swap3A_75 = vector.shape_cast %broadcast_in_dim3A_3 : vector<16xf32> to vector<1x16xf32>
      tpu.vector_store %arg10[%swap3A_71, %swap3A_72], %swap3A_75 {strides = array<i32>} : memref<192x128xf32, #tpu.memory_space<vmem>>, vector<1x16xf32>,
      %swap3A_76 = arith.index_cast %scan3A_51 : i32 to index
      %swap3A_77 = arith.constant 80 : index
      %swap3A_78 = tpu.vector_load %arg10[%swap3A_76, %swap3A_77] {strides = array<i32>} : memref<192x128xf32, #tpu.memory_space<vmem>>, vector<1x16xf32>,
      %swap3A_79 = vector.shape_cast %swap3A_78 : vector<1x16xf32> to vector<16xf32>
      %swap3A_80 = vector.shape_cast %broadcast_in_dim3A_3 : vector<16xf32> to vector<1x16xf32>
      tpu.vector_store %arg10[%swap3A_76, %swap3A_77], %swap3A_80 {strides = array<i32>} : memref<192x128xf32, #tpu.memory_space<vmem>>, vector<1x16xf32>,
      %swap3A_81 = arith.index_cast %scan3A_51 : i32 to index
      %swap3A_82 = arith.constant 96 : index
      %swap3A_83 = tpu.vector_load %arg10[%swap3A_81, %swap3A_82] {strides = array<i32>} : memref<192x128xf32, #tpu.memory_space<vmem>>, vector<1x16xf32>,
      %swap3A_84 = vector.shape_cast %swap3A_83 : vector<1x16xf32> to vector<16xf32>
      %swap3A_85 = vector.shape_cast %broadcast_in_dim3A_3 : vector<16xf32> to vector<1x16xf32>
      tpu.vector_store %arg10[%swap3A_81, %swap3A_82], %swap3A_85 {strides = array<i32>} : memref<192x128xf32, #tpu.memory_space<vmem>>, vector<1x16xf32>,
      %swap3A_86 = arith.index_cast %scan3A_51 : i32 to index
      %swap3A_87 = arith.constant 112 : index
      %swap3A_88 = tpu.vector_load %arg10[%swap3A_86, %swap3A_87] {strides = array<i32>} : memref<192x128xf32, #tpu.memory_space<vmem>>, vector<1x16xf32>,
      %swap3A_89 = vector.shape_cast %swap3A_88 : vector<1x16xf32> to vector<16xf32>
      %swap3A_90 = vector.shape_cast %broadcast_in_dim3A_3 : vector<16xf32> to vector<1x16xf32>
      tpu.vector_store %arg10[%swap3A_86, %swap3A_87], %swap3A_90 {strides = array<i32>} : memref<192x128xf32, #tpu.memory_space<vmem>>, vector<1x16xf32>,
    }
    %scan3A_8 = arith.constant 192 : i32
    %mul3A_9 = arith.constant 632 : i32
    %mul3A_10 = arith.muli %arg1, %mul3A_9 : i32
    %add3A_11 = arith.constant 0 : i32
    %add3A_12 = arith.addi %mul3A_10, %add3A_11 : i32
    "tpu.region"() ({
      %run_scoped3A = tpu.sem_alloc : memref<!tpu.dma_semaphore, #tpu.memory_space<semaphore_mem>>
      %dma_start3A_51 = arith.constant 0 : i32
      %dma_start3A_52 = tpu.memref_slice %arg12[%add3A_12, %dma_start3A_51] : memref<10112x128xf32, #tpu.memory_space<vmem_shared>> -> memref<192x128xf32, #tpu.memory_space<vmem_shared>>
      %dma_start3A_53 = arith.constant 0 : i32
      %dma_start3A_54 = tpu.memref_slice %arg12[%add3A_12, %dma_start3A_53] : memref<10112x128xf32, #tpu.memory_space<vmem_shared>> -> memref<192x128xf32, #tpu.memory_space<vmem_shared>>
      tpu.enqueue_dma source(%arg10 : memref<192x128xf32, #tpu.memory_space<vmem>>) target(%dma_start3A_54 : memref<192x128xf32, #tpu.memory_space<vmem_shared>>) target_semaphore(%run_scoped3A : memref<!tpu.dma_semaphore, #tpu.memory_space<semaphore_mem>>)
      %dma_wait3A_55 = arith.constant 0 : i32
      %dma_wait3A_56 = tpu.memref_slice %arg12[%add3A_12, %dma_wait3A_55] : memref<10112x128xf32, #tpu.memory_space<vmem_shared>> -> memref<192x128xf32, #tpu.memory_space<vmem_shared>>
      %dma_wait3A_57 = arith.constant 0 : i32
      %dma_wait3A_58 = tpu.memref_slice %arg12[%add3A_12, %dma_wait3A_57] : memref<10112x128xf32, #tpu.memory_space<vmem_shared>> -> memref<192x128xf32, #tpu.memory_space<vmem_shared>>
      tpu.wait_dma2 semaphore(%run_scoped3A : memref<!tpu.dma_semaphore, #tpu.memory_space<semaphore_mem>>) src(%arg10 : memref<192x128xf32, #tpu.memory_space<vmem>>) dst(%dma_wait3A_58 : memref<192x128xf32, #tpu.memory_space<vmem_shared>>)
      tpu.yield
    }) : () -> ()
    %add3A_13 = arith.constant 192 : i32
    %add3A_14 = arith.addi %mul3A_10, %add3A_13 : i32
    "tpu.region"() ({
      %run_scoped3A = tpu.sem_alloc : memref<!tpu.dma_semaphore, #tpu.memory_space<semaphore_mem>>
      %dma_start3A_51 = arith.constant 0 : i32
      %dma_start3A_52 = tpu.memref_slice %arg12[%add3A_14, %dma_start3A_51] : memref<10112x128xf32, #tpu.memory_space<vmem_shared>> -> memref<192x128xf32, #tpu.memory_space<vmem_shared>>
      %dma_start3A_53 = arith.constant 0 : i32
      %dma_start3A_54 = tpu.memref_slice %arg12[%add3A_14, %dma_start3A_53] : memref<10112x128xf32, #tpu.memory_space<vmem_shared>> -> memref<192x128xf32, #tpu.memory_space<vmem_shared>>
      tpu.enqueue_dma source(%arg10 : memref<192x128xf32, #tpu.memory_space<vmem>>) target(%dma_start3A_54 : memref<192x128xf32, #tpu.memory_space<vmem_shared>>) target_semaphore(%run_scoped3A : memref<!tpu.dma_semaphore, #tpu.memory_space<semaphore_mem>>)
      %dma_wait3A_55 = arith.constant 0 : i32
      %dma_wait3A_56 = tpu.memref_slice %arg12[%add3A_14, %dma_wait3A_55] : memref<10112x128xf32, #tpu.memory_space<vmem_shared>> -> memref<192x128xf32, #tpu.memory_space<vmem_shared>>
      %dma_wait3A_57 = arith.constant 0 : i32
      %dma_wait3A_58 = tpu.memref_slice %arg12[%add3A_14, %dma_wait3A_57] : memref<10112x128xf32, #tpu.memory_space<vmem_shared>> -> memref<192x128xf32, #tpu.memory_space<vmem_shared>>
      tpu.wait_dma2 semaphore(%run_scoped3A : memref<!tpu.dma_semaphore, #tpu.memory_space<semaphore_mem>>) src(%arg10 : memref<192x128xf32, #tpu.memory_space<vmem>>) dst(%dma_wait3A_58 : memref<192x128xf32, #tpu.memory_space<vmem_shared>>)
      tpu.yield
    }) : () -> ()
    %add3A_15 = arith.constant 384 : i32
    %add3A_16 = arith.addi %mul3A_10, %add3A_15 : i32
    "tpu.region"() ({
      %run_scoped3A = tpu.sem_alloc : memref<!tpu.dma_semaphore, #tpu.memory_space<semaphore_mem>>
      %dma_start3A_51 = arith.constant 0 : i32
      %dma_start3A_52 = tpu.memref_slice %arg12[%add3A_16, %dma_start3A_51] : memref<10112x128xf32, #tpu.memory_space<vmem_shared>> -> memref<192x128xf32, #tpu.memory_space<vmem_shared>>
      %dma_start3A_53 = arith.constant 0 : i32
      %dma_start3A_54 = tpu.memref_slice %arg12[%add3A_16, %dma_start3A_53] : memref<10112x128xf32, #tpu.memory_space<vmem_shared>> -> memref<192x128xf32, #tpu.memory_space<vmem_shared>>
      tpu.enqueue_dma source(%arg10 : memref<192x128xf32, #tpu.memory_space<vmem>>) target(%dma_start3A_54 : memref<192x128xf32, #tpu.memory_space<vmem_shared>>) target_semaphore(%run_scoped3A : memref<!tpu.dma_semaphore, #tpu.memory_space<semaphore_mem>>)
      %dma_wait3A_55 = arith.constant 0 : i32
      %dma_wait3A_56 = tpu.memref_slice %arg12[%add3A_16, %dma_wait3A_55] : memref<10112x128xf32, #tpu.memory_space<vmem_shared>> -> memref<192x128xf32, #tpu.memory_space<vmem_shared>>
      %dma_wait3A_57 = arith.constant 0 : i32
      %dma_wait3A_58 = tpu.memref_slice %arg12[%add3A_16, %dma_wait3A_57] : memref<10112x128xf32, #tpu.memory_space<vmem_shared>> -> memref<192x128xf32, #tpu.memory_space<vmem_shared>>
      tpu.wait_dma2 semaphore(%run_scoped3A : memref<!tpu.dma_semaphore, #tpu.memory_space<semaphore_mem>>) src(%arg10 : memref<192x128xf32, #tpu.memory_space<vmem>>) dst(%dma_wait3A_58 : memref<192x128xf32, #tpu.memory_space<vmem_shared>>)
      tpu.yield
    }) : () -> ()
    %add3A_17 = arith.constant 576 : i32
    %add3A_18 = arith.addi %mul3A_10, %add3A_17 : i32
    "tpu.region"() ({
      %run_scoped3A = tpu.sem_alloc : memref<!tpu.dma_semaphore, #tpu.memory_space<semaphore_mem>>
      %dma_start3A_51 = arith.constant 0 : i32
      %dma_start3A_52 = arith.constant 0 : i32
      %dma_start3A_53 = tpu.memref_slice %arg10[%dma_start3A_51, %dma_start3A_52] : memref<192x128xf32, #tpu.memory_space<vmem>> -> memref<56x128xf32, #tpu.memory_space<vmem>>
      %dma_start3A_54 = arith.constant 0 : i32
      %dma_start3A_55 = tpu.memref_slice %arg12[%add3A_18, %dma_start3A_54] : memref<10112x128xf32, #tpu.memory_space<vmem_shared>> -> memref<56x128xf32, #tpu.memory_space<vmem_shared>>
      %dma_start3A_56 = arith.constant 0 : i32
      %dma_start3A_57 = tpu.memref_slice %arg12[%add3A_18, %dma_start3A_56] : memref<10112x128xf32, #tpu.memory_space<vmem_shared>> -> memref<56x128xf32, #tpu.memory_space<vmem_shared>>
      %dma_start3A_58 = arith.constant 0 : i32
      %dma_start3A_59 = arith.constant 0 : i32
      %dma_start3A_60 = tpu.memref_slice %arg10[%dma_start3A_58, %dma_start3A_59] : memref<192x128xf32, #tpu.memory_space<vmem>> -> memref<56x128xf32, #tpu.memory_space<vmem>>
      tpu.enqueue_dma source(%dma_start3A_60 : memref<56x128xf32, #tpu.memory_space<vmem>>) target(%dma_start3A_57 : memref<56x128xf32, #tpu.memory_space<vmem_shared>>) target_semaphore(%run_scoped3A : memref<!tpu.dma_semaphore, #tpu.memory_space<semaphore_mem>>)
      %dma_wait3A_61 = arith.constant 0 : i32
      %dma_wait3A_62 = arith.constant 0 : i32
      %dma_wait3A_63 = tpu.memref_slice %arg10[%dma_wait3A_61, %dma_wait3A_62] : memref<192x128xf32, #tpu.memory_space<vmem>> -> memref<56x128xf32, #tpu.memory_space<vmem>>
      %dma_wait3A_64 = arith.constant 0 : i32
      %dma_wait3A_65 = tpu.memref_slice %arg12[%add3A_18, %dma_wait3A_64] : memref<10112x128xf32, #tpu.memory_space<vmem_shared>> -> memref<56x128xf32, #tpu.memory_space<vmem_shared>>
      %dma_wait3A_66 = arith.constant 0 : i32
      %dma_wait3A_67 = tpu.memref_slice %arg12[%add3A_18, %dma_wait3A_66] : memref<10112x128xf32, #tpu.memory_space<vmem_shared>> -> memref<56x128xf32, #tpu.memory_space<vmem_shared>>
      %dma_wait3A_68 = arith.constant 0 : i32
      %dma_wait3A_69 = arith.constant 0 : i32
      %dma_wait3A_70 = tpu.memref_slice %arg10[%dma_wait3A_68, %dma_wait3A_69] : memref<192x128xf32, #tpu.memory_space<vmem>> -> memref<56x128xf32, #tpu.memory_space<vmem>>
      tpu.wait_dma2 semaphore(%run_scoped3A : memref<!tpu.dma_semaphore, #tpu.memory_space<semaphore_mem>>) src(%dma_wait3A_70 : memref<56x128xf32, #tpu.memory_space<vmem>>) dst(%dma_wait3A_67 : memref<56x128xf32, #tpu.memory_space<vmem_shared>>)
      tpu.yield
    }) : () -> ()
    %barrier3A = arith.constant 0 : index
    tpu.barrier barrier_id(%barrier3A)
    %add3A_19 = arith.constant 0 : i32
    %add3A_20 = arith.addi %mul3A_2, %add3A_19 : i32
    "tpu.region"() ({
      %run_scoped3A = tpu.sem_alloc : memref<!tpu.dma_semaphore, #tpu.memory_space<semaphore_mem>>
      %dma_start3A_51 = tpu.memref_slice %arg3[%add3A_20] : memref<331776xi32, #tpu.memory_space<hbm>> -> memref<192xi32, #tpu.memory_space<hbm>>
      %dma_start3A_52 = tpu.memref_slice %arg3[%add3A_20] : memref<331776xi32, #tpu.memory_space<hbm>> -> memref<192xi32, #tpu.memory_space<hbm>>
      tpu.enqueue_dma source(%dma_start3A_52 : memref<192xi32, #tpu.memory_space<hbm>>) target(%arg6 : memref<192xi32, #tpu.memory_space<vmem>>) target_semaphore(%run_scoped3A : memref<!tpu.dma_semaphore, #tpu.memory_space<semaphore_mem>>)
      %dma_wait3A_53 = tpu.memref_slice %arg3[%add3A_20] : memref<331776xi32, #tpu.memory_space<hbm>> -> memref<192xi32, #tpu.memory_space<hbm>>
      %dma_wait3A_54 = tpu.memref_slice %arg3[%add3A_20] : memref<331776xi32, #tpu.memory_space<hbm>> -> memref<192xi32, #tpu.memory_space<hbm>>
      tpu.wait_dma2 semaphore(%run_scoped3A : memref<!tpu.dma_semaphore, #tpu.memory_space<semaphore_mem>>) src(%dma_wait3A_54 : memref<192xi32, #tpu.memory_space<hbm>>) dst(%arg6 : memref<192xi32, #tpu.memory_space<vmem>>)
      tpu.yield
    }) : () -> ()
    "tpu.region"() ({
      %run_scoped3A = tpu.sem_alloc : memref<!tpu.dma_semaphore, #tpu.memory_space<semaphore_mem>>
      %dma_start3A_51 = tpu.memref_slice %arg4[%add3A_20] : memref<331776xi32, #tpu.memory_space<hbm>> -> memref<192xi32, #tpu.memory_space<hbm>>
      %dma_start3A_52 = tpu.memref_slice %arg4[%add3A_20] : memref<331776xi32, #tpu.memory_space<hbm>> -> memref<192xi32, #tpu.memory_space<hbm>>
      tpu.enqueue_dma source(%dma_start3A_52 : memref<192xi32, #tpu.memory_space<hbm>>) target(%arg7 : memref<192xi32, #tpu.memory_space<vmem>>) target_semaphore(%run_scoped3A : memref<!tpu.dma_semaphore, #tpu.memory_space<semaphore_mem>>)
      %dma_wait3A_53 = tpu.memref_slice %arg4[%add3A_20] : memref<331776xi32, #tpu.memory_space<hbm>> -> memref<192xi32, #tpu.memory_space<hbm>>
      %dma_wait3A_54 = tpu.memref_slice %arg4[%add3A_20] : memref<331776xi32, #tpu.memory_space<hbm>> -> memref<192xi32, #tpu.memory_space<hbm>>
      tpu.wait_dma2 semaphore(%run_scoped3A : memref<!tpu.dma_semaphore, #tpu.memory_space<semaphore_mem>>) src(%dma_wait3A_54 : memref<192xi32, #tpu.memory_space<hbm>>) dst(%arg7 : memref<192xi32, #tpu.memory_space<vmem>>)
      tpu.yield
    }) : () -> ()
    %dma_start3A = arith.constant 0 : i32
    %dma_start3A_21 = arith.constant 0 : i32
    %dma_start3A_22 = tpu.memref_slice %arg2[%dma_start3A, %dma_start3A_21] : memref<10000x128xf32, #tpu.memory_space<hbm>> -> memref<10000x128xf32, #tpu.memory_space<hbm>>
    tpu.enqueue_indirect_dma source(%dma_start3A_22 : memref<10000x128xf32, #tpu.memory_space<hbm>>) target(%arg10 : memref<192x128xf32, #tpu.memory_space<vmem>>) offsets(%arg6 : memref<192xi32, #tpu.memory_space<vmem>>) semaphore(%arg13 : memref<!tpu.dma_semaphore, #tpu.memory_space<semaphore_mem>>)
    %add3A_23 = arith.constant 192 : i32
    %add3A_24 = arith.addi %mul3A_2, %add3A_23 : i32
    "tpu.region"() ({
      %run_scoped3A = tpu.sem_alloc : memref<!tpu.dma_semaphore, #tpu.memory_space<semaphore_mem>>
      %dma_start3A_51 = tpu.memref_slice %arg3[%add3A_24] : memref<331776xi32, #tpu.memory_space<hbm>> -> memref<192xi32, #tpu.memory_space<hbm>>
      %dma_start3A_52 = tpu.memref_slice %arg3[%add3A_24] : memref<331776xi32, #tpu.memory_space<hbm>> -> memref<192xi32, #tpu.memory_space<hbm>>
      tpu.enqueue_dma source(%dma_start3A_52 : memref<192xi32, #tpu.memory_space<hbm>>) target(%arg8 : memref<192xi32, #tpu.memory_space<vmem>>) target_semaphore(%run_scoped3A : memref<!tpu.dma_semaphore, #tpu.memory_space<semaphore_mem>>)
      %dma_wait3A_53 = tpu.memref_slice %arg3[%add3A_24] : memref<331776xi32, #tpu.memory_space<hbm>> -> memref<192xi32, #tpu.memory_space<hbm>>
      %dma_wait3A_54 = tpu.memref_slice %arg3[%add3A_24] : memref<331776xi32, #tpu.memory_space<hbm>> -> memref<192xi32, #tpu.memory_space<hbm>>
      tpu.wait_dma2 semaphore(%run_scoped3A : memref<!tpu.dma_semaphore, #tpu.memory_space<semaphore_mem>>) src(%dma_wait3A_54 : memref<192xi32, #tpu.memory_space<hbm>>) dst(%arg8 : memref<192xi32, #tpu.memory_space<vmem>>)
      tpu.yield
    }) : () -> ()
    "tpu.region"() ({
      %run_scoped3A = tpu.sem_alloc : memref<!tpu.dma_semaphore, #tpu.memory_space<semaphore_mem>>
      %dma_start3A_51 = tpu.memref_slice %arg4[%add3A_24] : memref<331776xi32, #tpu.memory_space<hbm>> -> memref<192xi32, #tpu.memory_space<hbm>>
      %dma_start3A_52 = tpu.memref_slice %arg4[%add3A_24] : memref<331776xi32, #tpu.memory_space<hbm>> -> memref<192xi32, #tpu.memory_space<hbm>>
      tpu.enqueue_dma source(%dma_start3A_52 : memref<192xi32, #tpu.memory_space<hbm>>) target(%arg9 : memref<192xi32, #tpu.memory_space<vmem>>) target_semaphore(%run_scoped3A : memref<!tpu.dma_semaphore, #tpu.memory_space<semaphore_mem>>)
      %dma_wait3A_53 = tpu.memref_slice %arg4[%add3A_24] : memref<331776xi32, #tpu.memory_space<hbm>> -> memref<192xi32, #tpu.memory_space<hbm>>
      %dma_wait3A_54 = tpu.memref_slice %arg4[%add3A_24] : memref<331776xi32, #tpu.memory_space<hbm>> -> memref<192xi32, #tpu.memory_space<hbm>>
      tpu.wait_dma2 semaphore(%run_scoped3A : memref<!tpu.dma_semaphore, #tpu.memory_space<semaphore_mem>>) src(%dma_wait3A_54 : memref<192xi32, #tpu.memory_space<hbm>>) dst(%arg9 : memref<192xi32, #tpu.memory_space<vmem>>)
      tpu.yield
    }) : () -> ()
    %dma_start3A_25 = arith.constant 0 : i32
    %dma_start3A_26 = arith.constant 0 : i32
    %dma_start3A_27 = tpu.memref_slice %arg2[%dma_start3A_25, %dma_start3A_26] : memref<10000x128xf32, #tpu.memory_space<hbm>> -> memref<10000x128xf32, #tpu.memory_space<hbm>>
    tpu.enqueue_indirect_dma source(%dma_start3A_27 : memref<10000x128xf32, #tpu.memory_space<hbm>>) target(%arg11 : memref<192x128xf32, #tpu.memory_space<vmem>>) offsets(%arg8 : memref<192xi32, #tpu.memory_space<vmem>>) semaphore(%arg14 : memref<!tpu.dma_semaphore, #tpu.memory_space<semaphore_mem>>)
    %scan3A_28 = arith.constant 0 : i32
    %scan3A_29 = arith.constant 0 : i32
    %scan3A_30 = arith.constant 26 : i32
    %scan3A_31 = arith.addi %scan3A_29, %scan3A_30 : i32
    %scan3A_32 = arith.constant 1 : i32
    scf.for %scan3A_51 = %scan3A_29 to %scan3A_31 step %scan3A_32  : i32 {
      %dma_wait3A_52 = arith.constant 0 : i32
      %dma_wait3A_53 = arith.constant 0 : i32
      %dma_wait3A_54 = tpu.memref_slice %arg2[%dma_wait3A_52, %dma_wait3A_53] : memref<10000x128xf32, #tpu.memory_space<hbm>> -> memref<192x128xf32, #tpu.memory_space<hbm>>
      %dma_wait3A_55 = arith.constant 0 : i32
      %dma_wait3A_56 = arith.constant 0 : i32
      %dma_wait3A_57 = tpu.memref_slice %arg2[%dma_wait3A_55, %dma_wait3A_56] : memref<10000x128xf32, #tpu.memory_space<hbm>> -> memref<192x128xf32, #tpu.memory_space<hbm>>
      tpu.wait_dma2 semaphore(%arg13 : memref<!tpu.dma_semaphore, #tpu.memory_space<semaphore_mem>>) src(%dma_wait3A_57 : memref<192x128xf32, #tpu.memory_space<hbm>>) dst(%arg10 : memref<192x128xf32, #tpu.memory_space<vmem>>)
      "tpu.region"() ({
        %run_scoped3A = tpu.sem_alloc : memref<!tpu.dma_semaphore, #tpu.memory_space<semaphore_mem>>
        %dma_start3A_88 = arith.constant 0 : i32
        %dma_start3A_89 = arith.constant 0 : i32
        %dma_start3A_90 = tpu.memref_slice %arg12[%dma_start3A_88, %dma_start3A_89] : memref<10112x128xf32, #tpu.memory_space<vmem_shared>> -> memref<10112x128xf32, #tpu.memory_space<vmem_shared>>
        tpu.enqueue_indirect_dma source(%arg10 : memref<192x128xf32, #tpu.memory_space<vmem>>) target(%dma_start3A_90 : memref<10112x128xf32, #tpu.memory_space<vmem_shared>>) offsets(%arg7 : memref<192xi32, #tpu.memory_space<vmem>>) semaphore(%run_scoped3A : memref<!tpu.dma_semaphore, #tpu.memory_space<semaphore_mem>>) {add = true}
        %dma_wait3A_91 = arith.constant 0 : i32
        %dma_wait3A_92 = arith.constant 0 : i32
        %dma_wait3A_93 = tpu.memref_slice %arg12[%dma_wait3A_91, %dma_wait3A_92] : memref<10112x128xf32, #tpu.memory_space<vmem_shared>> -> memref<10112x128xf32, #tpu.memory_space<vmem_shared>>
        tpu.wait_indirect_dma semaphore(%run_scoped3A : memref<!tpu.dma_semaphore, #tpu.memory_space<semaphore_mem>>) src(%arg10 : memref<192x128xf32, #tpu.memory_space<vmem>>) dst(%dma_wait3A_93 : memref<10112x128xf32, #tpu.memory_space<vmem_shared>>)
        tpu.yield
      }) : () -> ()
      %mul3A_58 = arith.constant 2 : i32
      %mul3A_59 = arith.muli %scan3A_51, %mul3A_58 : i32
      %add3A_60 = arith.constant 0 : i32
      %add3A_61 = arith.addi %mul3A_59, %add3A_60 : i32
      %add3A_62 = arith.constant 2 : i32
      %add3A_63 = arith.addi %add3A_61, %add3A_62 : i32
      %mul3A_64 = arith.constant 192 : i32
      %mul3A_65 = arith.muli %add3A_63, %mul3A_64 : i32
      %add3A_66 = arith.addi %mul3A_2, %mul3A_65 : i32
      "tpu.region"() ({
        %run_scoped3A = tpu.sem_alloc : memref<!tpu.dma_semaphore, #tpu.memory_space<semaphore_mem>>
        %dma_start3A_88 = tpu.memref_slice %arg3[%add3A_66] : memref<331776xi32, #tpu.memory_space<hbm>> -> memref<192xi32, #tpu.memory_space<hbm>>
        %dma_start3A_89 = tpu.memref_slice %arg3[%add3A_66] : memref<331776xi32, #tpu.memory_space<hbm>> -> memref<192xi32, #tpu.memory_space<hbm>>
        tpu.enqueue_dma source(%dma_start3A_89 : memref<192xi32, #tpu.memory_space<hbm>>) target(%arg6 : memref<192xi32, #tpu.memory_space<vmem>>) target_semaphore(%run_scoped3A : memref<!tpu.dma_semaphore, #tpu.memory_space<semaphore_mem>>)
        %dma_wait3A_90 = tpu.memref_slice %arg3[%add3A_66] : memref<331776xi32, #tpu.memory_space<hbm>> -> memref<192xi32, #tpu.memory_space<hbm>>
        %dma_wait3A_91 = tpu.memref_slice %arg3[%add3A_66] : memref<331776xi32, #tpu.memory_space<hbm>> -> memref<192xi32, #tpu.memory_space<hbm>>
        tpu.wait_dma2 semaphore(%run_scoped3A : memref<!tpu.dma_semaphore, #tpu.memory_space<semaphore_mem>>) src(%dma_wait3A_91 : memref<192xi32, #tpu.memory_space<hbm>>) dst(%arg6 : memref<192xi32, #tpu.memory_space<vmem>>)
        tpu.yield
      }) : () -> ()
      "tpu.region"() ({
        %run_scoped3A = tpu.sem_alloc : memref<!tpu.dma_semaphore, #tpu.memory_space<semaphore_mem>>
        %dma_start3A_88 = tpu.memref_slice %arg4[%add3A_66] : memref<331776xi32, #tpu.memory_space<hbm>> -> memref<192xi32, #tpu.memory_space<hbm>>
        %dma_start3A_89 = tpu.memref_slice %arg4[%add3A_66] : memref<331776xi32, #tpu.memory_space<hbm>> -> memref<192xi32, #tpu.memory_space<hbm>>
        tpu.enqueue_dma source(%dma_start3A_89 : memref<192xi32, #tpu.memory_space<hbm>>) target(%arg7 : memref<192xi32, #tpu.memory_space<vmem>>) target_semaphore(%run_scoped3A : memref<!tpu.dma_semaphore, #tpu.memory_space<semaphore_mem>>)
        %dma_wait3A_90 = tpu.memref_slice %arg4[%add3A_66] : memref<331776xi32, #tpu.memory_space<hbm>> -> memref<192xi32, #tpu.memory_space<hbm>>
        %dma_wait3A_91 = tpu.memref_slice %arg4[%add3A_66] : memref<331776xi32, #tpu.memory_space<hbm>> -> memref<192xi32, #tpu.memory_space<hbm>>
        tpu.wait_dma2 semaphore(%run_scoped3A : memref<!tpu.dma_semaphore, #tpu.memory_space<semaphore_mem>>) src(%dma_wait3A_91 : memref<192xi32, #tpu.memory_space<hbm>>) dst(%arg7 : memref<192xi32, #tpu.memory_space<vmem>>)
        tpu.yield
      }) : () -> ()
      %dma_start3A_67 = arith.constant 0 : i32
      %dma_start3A_68 = arith.constant 0 : i32
      %dma_start3A_69 = tpu.memref_slice %arg2[%dma_start3A_67, %dma_start3A_68] : memref<10000x128xf32, #tpu.memory_space<hbm>> -> memref<10000x128xf32, #tpu.memory_space<hbm>>
      tpu.enqueue_indirect_dma source(%dma_start3A_69 : memref<10000x128xf32, #tpu.memory_space<hbm>>) target(%arg10 : memref<192x128xf32, #tpu.memory_space<vmem>>) offsets(%arg6 : memref<192xi32, #tpu.memory_space<vmem>>) semaphore(%arg13 : memref<!tpu.dma_semaphore, #tpu.memory_space<semaphore_mem>>)
      %dma_wait3A_70 = arith.constant 0 : i32
      %dma_wait3A_71 = arith.constant 0 : i32
      %dma_wait3A_72 = tpu.memref_slice %arg2[%dma_wait3A_70, %dma_wait3A_71] : memref<10000x128xf32, #tpu.memory_space<hbm>> -> memref<192x128xf32, #tpu.memory_space<hbm>>
      %dma_wait3A_73 = arith.constant 0 : i32
      %dma_wait3A_74 = arith.constant 0 : i32
      %dma_wait3A_75 = tpu.memref_slice %arg2[%dma_wait3A_73, %dma_wait3A_74] : memref<10000x128xf32, #tpu.memory_space<hbm>> -> memref<192x128xf32, #tpu.memory_space<hbm>>
      tpu.wait_dma2 semaphore(%arg14 : memref<!tpu.dma_semaphore, #tpu.memory_space<semaphore_mem>>) src(%dma_wait3A_75 : memref<192x128xf32, #tpu.memory_space<hbm>>) dst(%arg11 : memref<192x128xf32, #tpu.memory_space<vmem>>)
      "tpu.region"() ({
        %run_scoped3A = tpu.sem_alloc : memref<!tpu.dma_semaphore, #tpu.memory_space<semaphore_mem>>
        %dma_start3A_88 = arith.constant 0 : i32
        %dma_start3A_89 = arith.constant 0 : i32
        %dma_start3A_90 = tpu.memref_slice %arg12[%dma_start3A_88, %dma_start3A_89] : memref<10112x128xf32, #tpu.memory_space<vmem_shared>> -> memref<10112x128xf32, #tpu.memory_space<vmem_shared>>
        tpu.enqueue_indirect_dma source(%arg11 : memref<192x128xf32, #tpu.memory_space<vmem>>) target(%dma_start3A_90 : memref<10112x128xf32, #tpu.memory_space<vmem_shared>>) offsets(%arg9 : memref<192xi32, #tpu.memory_space<vmem>>) semaphore(%run_scoped3A : memref<!tpu.dma_semaphore, #tpu.memory_space<semaphore_mem>>) {add = true}
        %dma_wait3A_91 = arith.constant 0 : i32
        %dma_wait3A_92 = arith.constant 0 : i32
        %dma_wait3A_93 = tpu.memref_slice %arg12[%dma_wait3A_91, %dma_wait3A_92] : memref<10112x128xf32, #tpu.memory_space<vmem_shared>> -> memref<10112x128xf32, #tpu.memory_space<vmem_shared>>
        tpu.wait_indirect_dma semaphore(%run_scoped3A : memref<!tpu.dma_semaphore, #tpu.memory_space<semaphore_mem>>) src(%arg11 : memref<192x128xf32, #tpu.memory_space<vmem>>) dst(%dma_wait3A_93 : memref<10112x128xf32, #tpu.memory_space<vmem_shared>>)
        tpu.yield
      }) : () -> ()
      %mul3A_76 = arith.constant 2 : i32
      %mul3A_77 = arith.muli %scan3A_51, %mul3A_76 : i32
      %add3A_78 = arith.constant 1 : i32
      %add3A_79 = arith.addi %mul3A_77, %add3A_78 : i32
      %add3A_80 = arith.constant 2 : i32
      %add3A_81 = arith.addi %add3A_79, %add3A_80 : i32
      %mul3A_82 = arith.constant 192 : i32
      %mul3A_83 = arith.muli %add3A_81, %mul3A_82 : i32
      %add3A_84 = arith.addi %mul3A_2, %mul3A_83 : i32
      "tpu.region"() ({
        %run_scoped3A = tpu.sem_alloc : memref<!tpu.dma_semaphore, #tpu.memory_space<semaphore_mem>>
        %dma_start3A_88 = tpu.memref_slice %arg3[%add3A_84] : memref<331776xi32, #tpu.memory_space<hbm>> -> memref<192xi32, #tpu.memory_space<hbm>>
        %dma_start3A_89 = tpu.memref_slice %arg3[%add3A_84] : memref<331776xi32, #tpu.memory_space<hbm>> -> memref<192xi32, #tpu.memory_space<hbm>>
        tpu.enqueue_dma source(%dma_start3A_89 : memref<192xi32, #tpu.memory_space<hbm>>) target(%arg8 : memref<192xi32, #tpu.memory_space<vmem>>) target_semaphore(%run_scoped3A : memref<!tpu.dma_semaphore, #tpu.memory_space<semaphore_mem>>)
        %dma_wait3A_90 = tpu.memref_slice %arg3[%add3A_84] : memref<331776xi32, #tpu.memory_space<hbm>> -> memref<192xi32, #tpu.memory_space<hbm>>
        %dma_wait3A_91 = tpu.memref_slice %arg3[%add3A_84] : memref<331776xi32, #tpu.memory_space<hbm>> -> memref<192xi32, #tpu.memory_space<hbm>>
        tpu.wait_dma2 semaphore(%run_scoped3A : memref<!tpu.dma_semaphore, #tpu.memory_space<semaphore_mem>>) src(%dma_wait3A_91 : memref<192xi32, #tpu.memory_space<hbm>>) dst(%arg8 : memref<192xi32, #tpu.memory_space<vmem>>)
        tpu.yield
      }) : () -> ()
      "tpu.region"() ({
        %run_scoped3A = tpu.sem_alloc : memref<!tpu.dma_semaphore, #tpu.memory_space<semaphore_mem>>
        %dma_start3A_88 = tpu.memref_slice %arg4[%add3A_84] : memref<331776xi32, #tpu.memory_space<hbm>> -> memref<192xi32, #tpu.memory_space<hbm>>
        %dma_start3A_89 = tpu.memref_slice %arg4[%add3A_84] : memref<331776xi32, #tpu.memory_space<hbm>> -> memref<192xi32, #tpu.memory_space<hbm>>
        tpu.enqueue_dma source(%dma_start3A_89 : memref<192xi32, #tpu.memory_space<hbm>>) target(%arg9 : memref<192xi32, #tpu.memory_space<vmem>>) target_semaphore(%run_scoped3A : memref<!tpu.dma_semaphore, #tpu.memory_space<semaphore_mem>>)
        %dma_wait3A_90 = tpu.memref_slice %arg4[%add3A_84] : memref<331776xi32, #tpu.memory_space<hbm>> -> memref<192xi32, #tpu.memory_space<hbm>>
        %dma_wait3A_91 = tpu.memref_slice %arg4[%add3A_84] : memref<331776xi32, #tpu.memory_space<hbm>> -> memref<192xi32, #tpu.memory_space<hbm>>
        tpu.wait_dma2 semaphore(%run_scoped3A : memref<!tpu.dma_semaphore, #tpu.memory_space<semaphore_mem>>) src(%dma_wait3A_91 : memref<192xi32, #tpu.memory_space<hbm>>) dst(%arg9 : memref<192xi32, #tpu.memory_space<vmem>>)
        tpu.yield
      }) : () -> ()
      %dma_start3A_85 = arith.constant 0 : i32
      %dma_start3A_86 = arith.constant 0 : i32
      %dma_start3A_87 = tpu.memref_slice %arg2[%dma_start3A_85, %dma_start3A_86] : memref<10000x128xf32, #tpu.memory_space<hbm>> -> memref<10000x128xf32, #tpu.memory_space<hbm>>
      tpu.enqueue_indirect_dma source(%dma_start3A_87 : memref<10000x128xf32, #tpu.memory_space<hbm>>) target(%arg11 : memref<192x128xf32, #tpu.memory_space<vmem>>) offsets(%arg8 : memref<192xi32, #tpu.memory_space<vmem>>) semaphore(%arg14 : memref<!tpu.dma_semaphore, #tpu.memory_space<semaphore_mem>>)
    }
    %scan3A_33 = arith.constant 26 : i32
    %dma_wait3A = arith.constant 0 : i32
    %dma_wait3A_34 = arith.constant 0 : i32
    %dma_wait3A_35 = tpu.memref_slice %arg2[%dma_wait3A, %dma_wait3A_34] : memref<10000x128xf32, #tpu.memory_space<hbm>> -> memref<192x128xf32, #tpu.memory_space<hbm>>
    %dma_wait3A_36 = arith.constant 0 : i32
    %dma_wait3A_37 = arith.constant 0 : i32
    %dma_wait3A_38 = tpu.memref_slice %arg2[%dma_wait3A_36, %dma_wait3A_37] : memref<10000x128xf32, #tpu.memory_space<hbm>> -> memref<192x128xf32, #tpu.memory_space<hbm>>
    tpu.wait_dma2 semaphore(%arg13 : memref<!tpu.dma_semaphore, #tpu.memory_space<semaphore_mem>>) src(%dma_wait3A_38 : memref<192x128xf32, #tpu.memory_space<hbm>>) dst(%arg10 : memref<192x128xf32, #tpu.memory_space<vmem>>)
    "tpu.region"() ({
      %run_scoped3A = tpu.sem_alloc : memref<!tpu.dma_semaphore, #tpu.memory_space<semaphore_mem>>
      %dma_start3A_51 = arith.constant 0 : i32
      %dma_start3A_52 = arith.constant 0 : i32
      %dma_start3A_53 = tpu.memref_slice %arg12[%dma_start3A_51, %dma_start3A_52] : memref<10112x128xf32, #tpu.memory_space<vmem_shared>> -> memref<10112x128xf32, #tpu.memory_space<vmem_shared>>
      tpu.enqueue_indirect_dma source(%arg10 : memref<192x128xf32, #tpu.memory_space<vmem>>) target(%dma_start3A_53 : memref<10112x128xf32, #tpu.memory_space<vmem_shared>>) offsets(%arg7 : memref<192xi32, #tpu.memory_space<vmem>>) semaphore(%run_scoped3A : memref<!tpu.dma_semaphore, #tpu.memory_space<semaphore_mem>>) {add = true}
      %dma_wait3A_54 = arith.constant 0 : i32
      %dma_wait3A_55 = arith.constant 0 : i32
      %dma_wait3A_56 = tpu.memref_slice %arg12[%dma_wait3A_54, %dma_wait3A_55] : memref<10112x128xf32, #tpu.memory_space<vmem_shared>> -> memref<10112x128xf32, #tpu.memory_space<vmem_shared>>
      tpu.wait_indirect_dma semaphore(%run_scoped3A : memref<!tpu.dma_semaphore, #tpu.memory_space<semaphore_mem>>) src(%arg10 : memref<192x128xf32, #tpu.memory_space<vmem>>) dst(%dma_wait3A_56 : memref<10112x128xf32, #tpu.memory_space<vmem_shared>>)
      tpu.yield
    }) : () -> ()
    %dma_wait3A_39 = arith.constant 0 : i32
    %dma_wait3A_40 = arith.constant 0 : i32
    %dma_wait3A_41 = tpu.memref_slice %arg2[%dma_wait3A_39, %dma_wait3A_40] : memref<10000x128xf32, #tpu.memory_space<hbm>> -> memref<192x128xf32, #tpu.memory_space<hbm>>
    %dma_wait3A_42 = arith.constant 0 : i32
    %dma_wait3A_43 = arith.constant 0 : i32
    %dma_wait3A_44 = tpu.memref_slice %arg2[%dma_wait3A_42, %dma_wait3A_43] : memref<10000x128xf32, #tpu.memory_space<hbm>> -> memref<192x128xf32, #tpu.memory_space<hbm>>
    tpu.wait_dma2 semaphore(%arg14 : memref<!tpu.dma_semaphore, #tpu.memory_space<semaphore_mem>>) src(%dma_wait3A_44 : memref<192x128xf32, #tpu.memory_space<hbm>>) dst(%arg11 : memref<192x128xf32, #tpu.memory_space<vmem>>)
    "tpu.region"() ({
      %run_scoped3A = tpu.sem_alloc : memref<!tpu.dma_semaphore, #tpu.memory_space<semaphore_mem>>
      %dma_start3A_51 = arith.constant 0 : i32
      %dma_start3A_52 = arith.constant 0 : i32
      %dma_start3A_53 = tpu.memref_slice %arg12[%dma_start3A_51, %dma_start3A_52] : memref<10112x128xf32, #tpu.memory_space<vmem_shared>> -> memref<10112x128xf32, #tpu.memory_space<vmem_shared>>
      tpu.enqueue_indirect_dma source(%arg11 : memref<192x128xf32, #tpu.memory_space<vmem>>) target(%dma_start3A_53 : memref<10112x128xf32, #tpu.memory_space<vmem_shared>>) offsets(%arg9 : memref<192xi32, #tpu.memory_space<vmem>>) semaphore(%run_scoped3A : memref<!tpu.dma_semaphore, #tpu.memory_space<semaphore_mem>>) {add = true}
      %dma_wait3A_54 = arith.constant 0 : i32
      %dma_wait3A_55 = arith.constant 0 : i32
      %dma_wait3A_56 = tpu.memref_slice %arg12[%dma_wait3A_54, %dma_wait3A_55] : memref<10112x128xf32, #tpu.memory_space<vmem_shared>> -> memref<10112x128xf32, #tpu.memory_space<vmem_shared>>
      tpu.wait_indirect_dma semaphore(%run_scoped3A : memref<!tpu.dma_semaphore, #tpu.memory_space<semaphore_mem>>) src(%arg11 : memref<192x128xf32, #tpu.memory_space<vmem>>) dst(%dma_wait3A_56 : memref<10112x128xf32, #tpu.memory_space<vmem_shared>>)
      tpu.yield
    }) : () -> ()
    %barrier3A_45 = arith.constant 0 : index
    tpu.barrier barrier_id(%barrier3A_45)
    %mul3A_46 = arith.constant 10112 : i32
    %mul3A_47 = arith.muli %arg0, %mul3A_46 : i32
    %mul3A_48 = arith.constant 632 : i32
    %mul3A_49 = arith.muli %arg1, %mul3A_48 : i32
    %add3A_50 = arith.addi %mul3A_47, %mul3A_49 : i32
    "tpu.region"() ({
      %run_scoped3A = tpu.sem_alloc : memref<!tpu.dma_semaphore, #tpu.memory_space<semaphore_mem>>
      %dma_start3A_51 = arith.constant 0 : i32
      %dma_start3A_52 = tpu.memref_slice %arg5[%add3A_50, %dma_start3A_51] : memref<20224x128xf32, #tpu.memory_space<hbm>> -> memref<632x128xf32, #tpu.memory_space<hbm>>
      %dma_start3A_53 = arith.constant 0 : i32
      %dma_start3A_54 = tpu.memref_slice %arg12[%mul3A_10, %dma_start3A_53] : memref<10112x128xf32, #tpu.memory_space<vmem_shared>> -> memref<632x128xf32, #tpu.memory_space<vmem_shared>>
      tpu.enqueue_dma source(%dma_start3A_54 : memref<632x128xf32, #tpu.memory_space<vmem_shared>>) target(%dma_start3A_52 : memref<632x128xf32, #tpu.memory_space<hbm>>) target_semaphore(%run_scoped3A : memref<!tpu.dma_semaphore, #tpu.memory_space<semaphore_mem>>)
      %dma_wait3A_55 = arith.constant 0 : i32
      %dma_wait3A_56 = tpu.memref_slice %arg5[%add3A_50, %dma_wait3A_55] : memref<20224x128xf32, #tpu.memory_space<hbm>> -> memref<632x128xf32, #tpu.memory_space<hbm>>
      %dma_wait3A_57 = arith.constant 0 : i32
      %dma_wait3A_58 = tpu.memref_slice %arg12[%mul3A_10, %dma_wait3A_57] : memref<10112x128xf32, #tpu.memory_space<vmem_shared>> -> memref<632x128xf32, #tpu.memory_space<vmem_shared>>
      tpu.wait_dma2 semaphore(%run_scoped3A : memref<!tpu.dma_semaphore, #tpu.memory_space<semaphore_mem>>) src(%dma_wait3A_58 : memref<632x128xf32, #tpu.memory_space<vmem_shared>>) dst(%dma_wait3A_56 : memref<632x128xf32, #tpu.memory_space<hbm>>)
      tpu.yield
    }) : () -> ()
    return
  }
}

#map = affine_map<(d0, d1) -> (0, 0)>
#map1 = affine_map<(d0, d1) -> (0)>
module attributes {stable_mosaic.version = 14 : i64} {
  func.func @_sc_body(%arg0: i32, %arg1: i32, %arg2: memref<10000x128xf32, #tpu.memory_space<hbm>>, %arg3: memref<331776xi32, #tpu.memory_space<hbm>>, %arg4: memref<331776xi32, #tpu.memory_space<hbm>>, %arg5: memref<20224x128xf32, #tpu.memory_space<hbm>>, %arg6: memref<192xi32, #tpu.memory_space<vmem>>, %arg7: memref<192xi32, #tpu.memory_space<vmem>>, %arg8: memref<192xi32, #tpu.memory_space<vmem>>, %arg9: memref<192xi32, #tpu.memory_space<vmem>>, %arg10: memref<192x128xf32, #tpu.memory_space<vmem>>, %arg11: memref<192x128xf32, #tpu.memory_space<vmem>>, %arg12: memref<10112x128xf32, #tpu.memory_space<vmem_shared>>, %arg13: memref<!tpu.dma_semaphore, #tpu.memory_space<semaphore_mem>>, %arg14: memref<!tpu.dma_semaphore, #tpu.memory_space<semaphore_mem>>) attributes {dimension_semantics = [#tpu.dimension_semantics<core_parallel>, #tpu.dimension_semantics<subcore_parallel>], iteration_bounds = array<i64: 2, 16>, scalar_prefetch = 0 : i64, scratch_operands = 9 : i64, tpu.core_type = #tpu.core_type<sc_vector_subcore>, window_params = [{transform_indices = #map}, {transform_indices = #map1}, {transform_indices = #map1}, {transform_indices = #map}]} {
    %mul3A = arith.constant 2 : i32
    %mul3A_0 = arith.muli %arg1, %mul3A : i32
    %add3A = arith.addi %mul3A_0, %arg0 : i32
    %mul3A_1 = arith.constant 10368 : i32
    %mul3A_2 = arith.muli %add3A, %mul3A_1 : i32
    %broadcast_in_dim3A = arith.constant 0.000000e+00 : f32
    %broadcast_in_dim3A_3 = vector.broadcast %broadcast_in_dim3A : f32 to vector<16xf32>
    %scan3A = arith.constant 0 : i32
    %scan3A_4 = arith.constant 0 : i32
    %scan3A_5 = arith.constant 192 : i32
    %scan3A_6 = arith.addi %scan3A_4, %scan3A_5 : i32
    %scan3A_7 = arith.constant 1 : i32
    scf.for %scan3A_51 = %scan3A_4 to %scan3A_6 step %scan3A_7  : i32 {
      %swap3A = arith.index_cast %scan3A_51 : i32 to index
      %swap3A_52 = arith.constant 0 : index
      %swap3A_53 = tpu.vector_load %arg10[%swap3A, %swap3A_52] {strides = array<i32>} : memref<192x128xf32, #tpu.memory_space<vmem>>, vector<1x16xf32>,
      %swap3A_54 = vector.shape_cast %swap3A_53 : vector<1x16xf32> to vector<16xf32>
      %swap3A_55 = vector.shape_cast %broadcast_in_dim3A_3 : vector<16xf32> to vector<1x16xf32>
      tpu.vector_store %arg10[%swap3A, %swap3A_52], %swap3A_55 {strides = array<i32>} : memref<192x128xf32, #tpu.memory_space<vmem>>, vector<1x16xf32>,
      %swap3A_56 = arith.index_cast %scan3A_51 : i32 to index
      %swap3A_57 = arith.constant 16 : index
      %swap3A_58 = tpu.vector_load %arg10[%swap3A_56, %swap3A_57] {strides = array<i32>} : memref<192x128xf32, #tpu.memory_space<vmem>>, vector<1x16xf32>,
      %swap3A_59 = vector.shape_cast %swap3A_58 : vector<1x16xf32> to vector<16xf32>
      %swap3A_60 = vector.shape_cast %broadcast_in_dim3A_3 : vector<16xf32> to vector<1x16xf32>
      tpu.vector_store %arg10[%swap3A_56, %swap3A_57], %swap3A_60 {strides = array<i32>} : memref<192x128xf32, #tpu.memory_space<vmem>>, vector<1x16xf32>,
      %swap3A_61 = arith.index_cast %scan3A_51 : i32 to index
      %swap3A_62 = arith.constant 32 : index
      %swap3A_63 = tpu.vector_load %arg10[%swap3A_61, %swap3A_62] {strides = array<i32>} : memref<192x128xf32, #tpu.memory_space<vmem>>, vector<1x16xf32>,
      %swap3A_64 = vector.shape_cast %swap3A_63 : vector<1x16xf32> to vector<16xf32>
      %swap3A_65 = vector.shape_cast %broadcast_in_dim3A_3 : vector<16xf32> to vector<1x16xf32>
      tpu.vector_store %arg10[%swap3A_61, %swap3A_62], %swap3A_65 {strides = array<i32>} : memref<192x128xf32, #tpu.memory_space<vmem>>, vector<1x16xf32>,
      %swap3A_66 = arith.index_cast %scan3A_51 : i32 to index
      %swap3A_67 = arith.constant 48 : index
      %swap3A_68 = tpu.vector_load %arg10[%swap3A_66, %swap3A_67] {strides = array<i32>} : memref<192x128xf32, #tpu.memory_space<vmem>>, vector<1x16xf32>,
      %swap3A_69 = vector.shape_cast %swap3A_68 : vector<1x16xf32> to vector<16xf32>
      %swap3A_70 = vector.shape_cast %broadcast_in_dim3A_3 : vector<16xf32> to vector<1x16xf32>
      tpu.vector_store %arg10[%swap3A_66, %swap3A_67], %swap3A_70 {strides = array<i32>} : memref<192x128xf32, #tpu.memory_space<vmem>>, vector<1x16xf32>,
      %swap3A_71 = arith.index_cast %scan3A_51 : i32 to index
      %swap3A_72 = arith.constant 64 : index
      %swap3A_73 = tpu.vector_load %arg10[%swap3A_71, %swap3A_72] {strides = array<i32>} : memref<192x128xf32, #tpu.memory_space<vmem>>, vector<1x16xf32>,
      %swap3A_74 = vector.shape_cast %swap3A_73 : vector<1x16xf32> to vector<16xf32>
      %swap3A_75 = vector.shape_cast %broadcast_in_dim3A_3 : vector<16xf32> to vector<1x16xf32>
      tpu.vector_store %arg10[%swap3A_71, %swap3A_72], %swap3A_75 {strides = array<i32>} : memref<192x128xf32, #tpu.memory_space<vmem>>, vector<1x16xf32>,
      %swap3A_76 = arith.index_cast %scan3A_51 : i32 to index
      %swap3A_77 = arith.constant 80 : index
      %swap3A_78 = tpu.vector_load %arg10[%swap3A_76, %swap3A_77] {strides = array<i32>} : memref<192x128xf32, #tpu.memory_space<vmem>>, vector<1x16xf32>,
      %swap3A_79 = vector.shape_cast %swap3A_78 : vector<1x16xf32> to vector<16xf32>
      %swap3A_80 = vector.shape_cast %broadcast_in_dim3A_3 : vector<16xf32> to vector<1x16xf32>
      tpu.vector_store %arg10[%swap3A_76, %swap3A_77], %swap3A_80 {strides = array<i32>} : memref<192x128xf32, #tpu.memory_space<vmem>>, vector<1x16xf32>,
      %swap3A_81 = arith.index_cast %scan3A_51 : i32 to index
      %swap3A_82 = arith.constant 96 : index
      %swap3A_83 = tpu.vector_load %arg10[%swap3A_81, %swap3A_82] {strides = array<i32>} : memref<192x128xf32, #tpu.memory_space<vmem>>, vector<1x16xf32>,
      %swap3A_84 = vector.shape_cast %swap3A_83 : vector<1x16xf32> to vector<16xf32>
      %swap3A_85 = vector.shape_cast %broadcast_in_dim3A_3 : vector<16xf32> to vector<1x16xf32>
      tpu.vector_store %arg10[%swap3A_81, %swap3A_82], %swap3A_85 {strides = array<i32>} : memref<192x128xf32, #tpu.memory_space<vmem>>, vector<1x16xf32>,
      %swap3A_86 = arith.index_cast %scan3A_51 : i32 to index
      %swap3A_87 = arith.constant 112 : index
      %swap3A_88 = tpu.vector_load %arg10[%swap3A_86, %swap3A_87] {strides = array<i32>} : memref<192x128xf32, #tpu.memory_space<vmem>>, vector<1x16xf32>,
      %swap3A_89 = vector.shape_cast %swap3A_88 : vector<1x16xf32> to vector<16xf32>
      %swap3A_90 = vector.shape_cast %broadcast_in_dim3A_3 : vector<16xf32> to vector<1x16xf32>
      tpu.vector_store %arg10[%swap3A_86, %swap3A_87], %swap3A_90 {strides = array<i32>} : memref<192x128xf32, #tpu.memory_space<vmem>>, vector<1x16xf32>,
    }
    %scan3A_8 = arith.constant 192 : i32
    %mul3A_9 = arith.constant 632 : i32
    %mul3A_10 = arith.muli %arg1, %mul3A_9 : i32
    %add3A_11 = arith.constant 0 : i32
    %add3A_12 = arith.addi %mul3A_10, %add3A_11 : i32
    "tpu.region"() ({
      %run_scoped3A = tpu.sem_alloc : memref<!tpu.dma_semaphore, #tpu.memory_space<semaphore_mem>>
      %dma_start3A_51 = arith.constant 0 : i32
      %dma_start3A_52 = tpu.memref_slice %arg12[%add3A_12, %dma_start3A_51] : memref<10112x128xf32, #tpu.memory_space<vmem_shared>> -> memref<192x128xf32, #tpu.memory_space<vmem_shared>>
      %dma_start3A_53 = arith.constant 0 : i32
      %dma_start3A_54 = tpu.memref_slice %arg12[%add3A_12, %dma_start3A_53] : memref<10112x128xf32, #tpu.memory_space<vmem_shared>> -> memref<192x128xf32, #tpu.memory_space<vmem_shared>>
      tpu.enqueue_dma source(%arg10 : memref<192x128xf32, #tpu.memory_space<vmem>>) target(%dma_start3A_54 : memref<192x128xf32, #tpu.memory_space<vmem_shared>>) target_semaphore(%run_scoped3A : memref<!tpu.dma_semaphore, #tpu.memory_space<semaphore_mem>>)
      %dma_wait3A_55 = arith.constant 0 : i32
      %dma_wait3A_56 = tpu.memref_slice %arg12[%add3A_12, %dma_wait3A_55] : memref<10112x128xf32, #tpu.memory_space<vmem_shared>> -> memref<192x128xf32, #tpu.memory_space<vmem_shared>>
      %dma_wait3A_57 = arith.constant 0 : i32
      %dma_wait3A_58 = tpu.memref_slice %arg12[%add3A_12, %dma_wait3A_57] : memref<10112x128xf32, #tpu.memory_space<vmem_shared>> -> memref<192x128xf32, #tpu.memory_space<vmem_shared>>
      tpu.wait_dma2 semaphore(%run_scoped3A : memref<!tpu.dma_semaphore, #tpu.memory_space<semaphore_mem>>) src(%arg10 : memref<192x128xf32, #tpu.memory_space<vmem>>) dst(%dma_wait3A_58 : memref<192x128xf32, #tpu.memory_space<vmem_shared>>)
      tpu.yield
    }) : () -> ()
    %add3A_13 = arith.constant 192 : i32
    %add3A_14 = arith.addi %mul3A_10, %add3A_13 : i32
    "tpu.region"() ({
      %run_scoped3A = tpu.sem_alloc : memref<!tpu.dma_semaphore, #tpu.memory_space<semaphore_mem>>
      %dma_start3A_51 = arith.constant 0 : i32
      %dma_start3A_52 = tpu.memref_slice %arg12[%add3A_14, %dma_start3A_51] : memref<10112x128xf32, #tpu.memory_space<vmem_shared>> -> memref<192x128xf32, #tpu.memory_space<vmem_shared>>
      %dma_start3A_53 = arith.constant 0 : i32
      %dma_start3A_54 = tpu.memref_slice %arg12[%add3A_14, %dma_start3A_53] : memref<10112x128xf32, #tpu.memory_space<vmem_shared>> -> memref<192x128xf32, #tpu.memory_space<vmem_shared>>
      tpu.enqueue_dma source(%arg10 : memref<192x128xf32, #tpu.memory_space<vmem>>) target(%dma_start3A_54 : memref<192x128xf32, #tpu.memory_space<vmem_shared>>) target_semaphore(%run_scoped3A : memref<!tpu.dma_semaphore, #tpu.memory_space<semaphore_mem>>)
      %dma_wait3A_55 = arith.constant 0 : i32
      %dma_wait3A_56 = tpu.memref_slice %arg12[%add3A_14, %dma_wait3A_55] : memref<10112x128xf32, #tpu.memory_space<vmem_shared>> -> memref<192x128xf32, #tpu.memory_space<vmem_shared>>
      %dma_wait3A_57 = arith.constant 0 : i32
      %dma_wait3A_58 = tpu.memref_slice %arg12[%add3A_14, %dma_wait3A_57] : memref<10112x128xf32, #tpu.memory_space<vmem_shared>> -> memref<192x128xf32, #tpu.memory_space<vmem_shared>>
      tpu.wait_dma2 semaphore(%run_scoped3A : memref<!tpu.dma_semaphore, #tpu.memory_space<semaphore_mem>>) src(%arg10 : memref<192x128xf32, #tpu.memory_space<vmem>>) dst(%dma_wait3A_58 : memref<192x128xf32, #tpu.memory_space<vmem_shared>>)
      tpu.yield
    }) : () -> ()
    %add3A_15 = arith.constant 384 : i32
    %add3A_16 = arith.addi %mul3A_10, %add3A_15 : i32
    "tpu.region"() ({
      %run_scoped3A = tpu.sem_alloc : memref<!tpu.dma_semaphore, #tpu.memory_space<semaphore_mem>>
      %dma_start3A_51 = arith.constant 0 : i32
      %dma_start3A_52 = tpu.memref_slice %arg12[%add3A_16, %dma_start3A_51] : memref<10112x128xf32, #tpu.memory_space<vmem_shared>> -> memref<192x128xf32, #tpu.memory_space<vmem_shared>>
      %dma_start3A_53 = arith.constant 0 : i32
      %dma_start3A_54 = tpu.memref_slice %arg12[%add3A_16, %dma_start3A_53] : memref<10112x128xf32, #tpu.memory_space<vmem_shared>> -> memref<192x128xf32, #tpu.memory_space<vmem_shared>>
      tpu.enqueue_dma source(%arg10 : memref<192x128xf32, #tpu.memory_space<vmem>>) target(%dma_start3A_54 : memref<192x128xf32, #tpu.memory_space<vmem_shared>>) target_semaphore(%run_scoped3A : memref<!tpu.dma_semaphore, #tpu.memory_space<semaphore_mem>>)
      %dma_wait3A_55 = arith.constant 0 : i32
      %dma_wait3A_56 = tpu.memref_slice %arg12[%add3A_16, %dma_wait3A_55] : memref<10112x128xf32, #tpu.memory_space<vmem_shared>> -> memref<192x128xf32, #tpu.memory_space<vmem_shared>>
      %dma_wait3A_57 = arith.constant 0 : i32
      %dma_wait3A_58 = tpu.memref_slice %arg12[%add3A_16, %dma_wait3A_57] : memref<10112x128xf32, #tpu.memory_space<vmem_shared>> -> memref<192x128xf32, #tpu.memory_space<vmem_shared>>
      tpu.wait_dma2 semaphore(%run_scoped3A : memref<!tpu.dma_semaphore, #tpu.memory_space<semaphore_mem>>) src(%arg10 : memref<192x128xf32, #tpu.memory_space<vmem>>) dst(%dma_wait3A_58 : memref<192x128xf32, #tpu.memory_space<vmem_shared>>)
      tpu.yield
    }) : () -> ()
    %add3A_17 = arith.constant 576 : i32
    %add3A_18 = arith.addi %mul3A_10, %add3A_17 : i32
    "tpu.region"() ({
      %run_scoped3A = tpu.sem_alloc : memref<!tpu.dma_semaphore, #tpu.memory_space<semaphore_mem>>
      %dma_start3A_51 = arith.constant 0 : i32
      %dma_start3A_52 = arith.constant 0 : i32
      %dma_start3A_53 = tpu.memref_slice %arg10[%dma_start3A_51, %dma_start3A_52] : memref<192x128xf32, #tpu.memory_space<vmem>> -> memref<56x128xf32, #tpu.memory_space<vmem>>
      %dma_start3A_54 = arith.constant 0 : i32
      %dma_start3A_55 = tpu.memref_slice %arg12[%add3A_18, %dma_start3A_54] : memref<10112x128xf32, #tpu.memory_space<vmem_shared>> -> memref<56x128xf32, #tpu.memory_space<vmem_shared>>
      %dma_start3A_56 = arith.constant 0 : i32
      %dma_start3A_57 = tpu.memref_slice %arg12[%add3A_18, %dma_start3A_56] : memref<10112x128xf32, #tpu.memory_space<vmem_shared>> -> memref<56x128xf32, #tpu.memory_space<vmem_shared>>
      %dma_start3A_58 = arith.constant 0 : i32
      %dma_start3A_59 = arith.constant 0 : i32
      %dma_start3A_60 = tpu.memref_slice %arg10[%dma_start3A_58, %dma_start3A_59] : memref<192x128xf32, #tpu.memory_space<vmem>> -> memref<56x128xf32, #tpu.memory_space<vmem>>
      tpu.enqueue_dma source(%dma_start3A_60 : memref<56x128xf32, #tpu.memory_space<vmem>>) target(%dma_start3A_57 : memref<56x128xf32, #tpu.memory_space<vmem_shared>>) target_semaphore(%run_scoped3A : memref<!tpu.dma_semaphore, #tpu.memory_space<semaphore_mem>>)
      %dma_wait3A_61 = arith.constant 0 : i32
      %dma_wait3A_62 = arith.constant 0 : i32
      %dma_wait3A_63 = tpu.memref_slice %arg10[%dma_wait3A_61, %dma_wait3A_62] : memref<192x128xf32, #tpu.memory_space<vmem>> -> memref<56x128xf32, #tpu.memory_space<vmem>>
      %dma_wait3A_64 = arith.constant 0 : i32
      %dma_wait3A_65 = tpu.memref_slice %arg12[%add3A_18, %dma_wait3A_64] : memref<10112x128xf32, #tpu.memory_space<vmem_shared>> -> memref<56x128xf32, #tpu.memory_space<vmem_shared>>
      %dma_wait3A_66 = arith.constant 0 : i32
      %dma_wait3A_67 = tpu.memref_slice %arg12[%add3A_18, %dma_wait3A_66] : memref<10112x128xf32, #tpu.memory_space<vmem_shared>> -> memref<56x128xf32, #tpu.memory_space<vmem_shared>>
      %dma_wait3A_68 = arith.constant 0 : i32
      %dma_wait3A_69 = arith.constant 0 : i32
      %dma_wait3A_70 = tpu.memref_slice %arg10[%dma_wait3A_68, %dma_wait3A_69] : memref<192x128xf32, #tpu.memory_space<vmem>> -> memref<56x128xf32, #tpu.memory_space<vmem>>
      tpu.wait_dma2 semaphore(%run_scoped3A : memref<!tpu.dma_semaphore, #tpu.memory_space<semaphore_mem>>) src(%dma_wait3A_70 : memref<56x128xf32, #tpu.memory_space<vmem>>) dst(%dma_wait3A_67 : memref<56x128xf32, #tpu.memory_space<vmem_shared>>)
      tpu.yield
    }) : () -> ()
    %barrier3A = arith.constant 0 : index
    tpu.barrier barrier_id(%barrier3A)
    %add3A_19 = arith.constant 0 : i32
    %add3A_20 = arith.addi %mul3A_2, %add3A_19 : i32
    "tpu.region"() ({
      %run_scoped3A = tpu.sem_alloc : memref<!tpu.dma_semaphore, #tpu.memory_space<semaphore_mem>>
      %dma_start3A_51 = tpu.memref_slice %arg3[%add3A_20] : memref<331776xi32, #tpu.memory_space<hbm>> -> memref<192xi32, #tpu.memory_space<hbm>>
      %dma_start3A_52 = tpu.memref_slice %arg3[%add3A_20] : memref<331776xi32, #tpu.memory_space<hbm>> -> memref<192xi32, #tpu.memory_space<hbm>>
      tpu.enqueue_dma source(%dma_start3A_52 : memref<192xi32, #tpu.memory_space<hbm>>) target(%arg6 : memref<192xi32, #tpu.memory_space<vmem>>) target_semaphore(%run_scoped3A : memref<!tpu.dma_semaphore, #tpu.memory_space<semaphore_mem>>)
      %dma_wait3A_53 = tpu.memref_slice %arg3[%add3A_20] : memref<331776xi32, #tpu.memory_space<hbm>> -> memref<192xi32, #tpu.memory_space<hbm>>
      %dma_wait3A_54 = tpu.memref_slice %arg3[%add3A_20] : memref<331776xi32, #tpu.memory_space<hbm>> -> memref<192xi32, #tpu.memory_space<hbm>>
      tpu.wait_dma2 semaphore(%run_scoped3A : memref<!tpu.dma_semaphore, #tpu.memory_space<semaphore_mem>>) src(%dma_wait3A_54 : memref<192xi32, #tpu.memory_space<hbm>>) dst(%arg6 : memref<192xi32, #tpu.memory_space<vmem>>)
      tpu.yield
    }) : () -> ()
    "tpu.region"() ({
      %run_scoped3A = tpu.sem_alloc : memref<!tpu.dma_semaphore, #tpu.memory_space<semaphore_mem>>
      %dma_start3A_51 = tpu.memref_slice %arg4[%add3A_20] : memref<331776xi32, #tpu.memory_space<hbm>> -> memref<192xi32, #tpu.memory_space<hbm>>
      %dma_start3A_52 = tpu.memref_slice %arg4[%add3A_20] : memref<331776xi32, #tpu.memory_space<hbm>> -> memref<192xi32, #tpu.memory_space<hbm>>
      tpu.enqueue_dma source(%dma_start3A_52 : memref<192xi32, #tpu.memory_space<hbm>>) target(%arg7 : memref<192xi32, #tpu.memory_space<vmem>>) target_semaphore(%run_scoped3A : memref<!tpu.dma_semaphore, #tpu.memory_space<semaphore_mem>>)
      %dma_wait3A_53 = tpu.memref_slice %arg4[%add3A_20] : memref<331776xi32, #tpu.memory_space<hbm>> -> memref<192xi32, #tpu.memory_space<hbm>>
      %dma_wait3A_54 = tpu.memref_slice %arg4[%add3A_20] : memref<331776xi32, #tpu.memory_space<hbm>> -> memref<192xi32, #tpu.memory_space<hbm>>
      tpu.wait_dma2 semaphore(%run_scoped3A : memref<!tpu.dma_semaphore, #tpu.memory_space<semaphore_mem>>) src(%dma_wait3A_54 : memref<192xi32, #tpu.memory_space<hbm>>) dst(%arg7 : memref<192xi32, #tpu.memory_space<vmem>>)
      tpu.yield
    }) : () -> ()
    %dma_start3A = arith.constant 0 : i32
    %dma_start3A_21 = arith.constant 0 : i32
    %dma_start3A_22 = tpu.memref_slice %arg2[%dma_start3A, %dma_start3A_21] : memref<10000x128xf32, #tpu.memory_space<hbm>> -> memref<10000x128xf32, #tpu.memory_space<hbm>>
    tpu.enqueue_indirect_dma source(%dma_start3A_22 : memref<10000x128xf32, #tpu.memory_space<hbm>>) target(%arg10 : memref<192x128xf32, #tpu.memory_space<vmem>>) offsets(%arg6 : memref<192xi32, #tpu.memory_space<vmem>>) semaphore(%arg13 : memref<!tpu.dma_semaphore, #tpu.memory_space<semaphore_mem>>)
    %add3A_23 = arith.constant 192 : i32
    %add3A_24 = arith.addi %mul3A_2, %add3A_23 : i32
    "tpu.region"() ({
      %run_scoped3A = tpu.sem_alloc : memref<!tpu.dma_semaphore, #tpu.memory_space<semaphore_mem>>
      %dma_start3A_51 = tpu.memref_slice %arg3[%add3A_24] : memref<331776xi32, #tpu.memory_space<hbm>> -> memref<192xi32, #tpu.memory_space<hbm>>
      %dma_start3A_52 = tpu.memref_slice %arg3[%add3A_24] : memref<331776xi32, #tpu.memory_space<hbm>> -> memref<192xi32, #tpu.memory_space<hbm>>
      tpu.enqueue_dma source(%dma_start3A_52 : memref<192xi32, #tpu.memory_space<hbm>>) target(%arg8 : memref<192xi32, #tpu.memory_space<vmem>>) target_semaphore(%run_scoped3A : memref<!tpu.dma_semaphore, #tpu.memory_space<semaphore_mem>>)
      %dma_wait3A_53 = tpu.memref_slice %arg3[%add3A_24] : memref<331776xi32, #tpu.memory_space<hbm>> -> memref<192xi32, #tpu.memory_space<hbm>>
      %dma_wait3A_54 = tpu.memref_slice %arg3[%add3A_24] : memref<331776xi32, #tpu.memory_space<hbm>> -> memref<192xi32, #tpu.memory_space<hbm>>
      tpu.wait_dma2 semaphore(%run_scoped3A : memref<!tpu.dma_semaphore, #tpu.memory_space<semaphore_mem>>) src(%dma_wait3A_54 : memref<192xi32, #tpu.memory_space<hbm>>) dst(%arg8 : memref<192xi32, #tpu.memory_space<vmem>>)
      tpu.yield
    }) : () -> ()
    "tpu.region"() ({
      %run_scoped3A = tpu.sem_alloc : memref<!tpu.dma_semaphore, #tpu.memory_space<semaphore_mem>>
      %dma_start3A_51 = tpu.memref_slice %arg4[%add3A_24] : memref<331776xi32, #tpu.memory_space<hbm>> -> memref<192xi32, #tpu.memory_space<hbm>>
      %dma_start3A_52 = tpu.memref_slice %arg4[%add3A_24] : memref<331776xi32, #tpu.memory_space<hbm>> -> memref<192xi32, #tpu.memory_space<hbm>>
      tpu.enqueue_dma source(%dma_start3A_52 : memref<192xi32, #tpu.memory_space<hbm>>) target(%arg9 : memref<192xi32, #tpu.memory_space<vmem>>) target_semaphore(%run_scoped3A : memref<!tpu.dma_semaphore, #tpu.memory_space<semaphore_mem>>)
      %dma_wait3A_53 = tpu.memref_slice %arg4[%add3A_24] : memref<331776xi32, #tpu.memory_space<hbm>> -> memref<192xi32, #tpu.memory_space<hbm>>
      %dma_wait3A_54 = tpu.memref_slice %arg4[%add3A_24] : memref<331776xi32, #tpu.memory_space<hbm>> -> memref<192xi32, #tpu.memory_space<hbm>>
      tpu.wait_dma2 semaphore(%run_scoped3A : memref<!tpu.dma_semaphore, #tpu.memory_space<semaphore_mem>>) src(%dma_wait3A_54 : memref<192xi32, #tpu.memory_space<hbm>>) dst(%arg9 : memref<192xi32, #tpu.memory_space<vmem>>)
      tpu.yield
    }) : () -> ()
    %dma_start3A_25 = arith.constant 0 : i32
    %dma_start3A_26 = arith.constant 0 : i32
    %dma_start3A_27 = tpu.memref_slice %arg2[%dma_start3A_25, %dma_start3A_26] : memref<10000x128xf32, #tpu.memory_space<hbm>> -> memref<10000x128xf32, #tpu.memory_space<hbm>>
    tpu.enqueue_indirect_dma source(%dma_start3A_27 : memref<10000x128xf32, #tpu.memory_space<hbm>>) target(%arg11 : memref<192x128xf32, #tpu.memory_space<vmem>>) offsets(%arg8 : memref<192xi32, #tpu.memory_space<vmem>>) semaphore(%arg14 : memref<!tpu.dma_semaphore, #tpu.memory_space<semaphore_mem>>)
    %scan3A_28 = arith.constant 0 : i32
    %scan3A_29 = arith.constant 0 : i32
    %scan3A_30 = arith.constant 26 : i32
    %scan3A_31 = arith.addi %scan3A_29, %scan3A_30 : i32
    %scan3A_32 = arith.constant 1 : i32
    scf.for %scan3A_51 = %scan3A_29 to %scan3A_31 step %scan3A_32  : i32 {
      %dma_wait3A_52 = arith.constant 0 : i32
      %dma_wait3A_53 = arith.constant 0 : i32
      %dma_wait3A_54 = tpu.memref_slice %arg2[%dma_wait3A_52, %dma_wait3A_53] : memref<10000x128xf32, #tpu.memory_space<hbm>> -> memref<192x128xf32, #tpu.memory_space<hbm>>
      %dma_wait3A_55 = arith.constant 0 : i32
      %dma_wait3A_56 = arith.constant 0 : i32
      %dma_wait3A_57 = tpu.memref_slice %arg2[%dma_wait3A_55, %dma_wait3A_56] : memref<10000x128xf32, #tpu.memory_space<hbm>> -> memref<192x128xf32, #tpu.memory_space<hbm>>
      tpu.wait_dma2 semaphore(%arg13 : memref<!tpu.dma_semaphore, #tpu.memory_space<semaphore_mem>>) src(%dma_wait3A_57 : memref<192x128xf32, #tpu.memory_space<hbm>>) dst(%arg10 : memref<192x128xf32, #tpu.memory_space<vmem>>)
      "tpu.region"() ({
        %run_scoped3A = tpu.sem_alloc : memref<!tpu.dma_semaphore, #tpu.memory_space<semaphore_mem>>
        %dma_start3A_88 = arith.constant 0 : i32
        %dma_start3A_89 = arith.constant 0 : i32
        %dma_start3A_90 = tpu.memref_slice %arg12[%dma_start3A_88, %dma_start3A_89] : memref<10112x128xf32, #tpu.memory_space<vmem_shared>> -> memref<10112x128xf32, #tpu.memory_space<vmem_shared>>
        tpu.enqueue_indirect_dma source(%arg10 : memref<192x128xf32, #tpu.memory_space<vmem>>) target(%dma_start3A_90 : memref<10112x128xf32, #tpu.memory_space<vmem_shared>>) offsets(%arg7 : memref<192xi32, #tpu.memory_space<vmem>>) semaphore(%run_scoped3A : memref<!tpu.dma_semaphore, #tpu.memory_space<semaphore_mem>>) {add = true}
        %dma_wait3A_91 = arith.constant 0 : i32
        %dma_wait3A_92 = arith.constant 0 : i32
        %dma_wait3A_93 = tpu.memref_slice %arg12[%dma_wait3A_91, %dma_wait3A_92] : memref<10112x128xf32, #tpu.memory_space<vmem_shared>> -> memref<10112x128xf32, #tpu.memory_space<vmem_shared>>
        tpu.wait_indirect_dma semaphore(%run_scoped3A : memref<!tpu.dma_semaphore, #tpu.memory_space<semaphore_mem>>) src(%arg10 : memref<192x128xf32, #tpu.memory_space<vmem>>) dst(%dma_wait3A_93 : memref<10112x128xf32, #tpu.memory_space<vmem_shared>>)
        tpu.yield
      }) : () -> ()
      %mul3A_58 = arith.constant 2 : i32
      %mul3A_59 = arith.muli %scan3A_51, %mul3A_58 : i32
      %add3A_60 = arith.constant 0 : i32
      %add3A_61 = arith.addi %mul3A_59, %add3A_60 : i32
      %add3A_62 = arith.constant 2 : i32
      %add3A_63 = arith.addi %add3A_61, %add3A_62 : i32
      %mul3A_64 = arith.constant 192 : i32
      %mul3A_65 = arith.muli %add3A_63, %mul3A_64 : i32
      %add3A_66 = arith.addi %mul3A_2, %mul3A_65 : i32
      "tpu.region"() ({
        %run_scoped3A = tpu.sem_alloc : memref<!tpu.dma_semaphore, #tpu.memory_space<semaphore_mem>>
        %dma_start3A_88 = tpu.memref_slice %arg3[%add3A_66] : memref<331776xi32, #tpu.memory_space<hbm>> -> memref<192xi32, #tpu.memory_space<hbm>>
        %dma_start3A_89 = tpu.memref_slice %arg3[%add3A_66] : memref<331776xi32, #tpu.memory_space<hbm>> -> memref<192xi32, #tpu.memory_space<hbm>>
        tpu.enqueue_dma source(%dma_start3A_89 : memref<192xi32, #tpu.memory_space<hbm>>) target(%arg6 : memref<192xi32, #tpu.memory_space<vmem>>) target_semaphore(%run_scoped3A : memref<!tpu.dma_semaphore, #tpu.memory_space<semaphore_mem>>)
        %dma_wait3A_90 = tpu.memref_slice %arg3[%add3A_66] : memref<331776xi32, #tpu.memory_space<hbm>> -> memref<192xi32, #tpu.memory_space<hbm>>
        %dma_wait3A_91 = tpu.memref_slice %arg3[%add3A_66] : memref<331776xi32, #tpu.memory_space<hbm>> -> memref<192xi32, #tpu.memory_space<hbm>>
        tpu.wait_dma2 semaphore(%run_scoped3A : memref<!tpu.dma_semaphore, #tpu.memory_space<semaphore_mem>>) src(%dma_wait3A_91 : memref<192xi32, #tpu.memory_space<hbm>>) dst(%arg6 : memref<192xi32, #tpu.memory_space<vmem>>)
        tpu.yield
      }) : () -> ()
      "tpu.region"() ({
        %run_scoped3A = tpu.sem_alloc : memref<!tpu.dma_semaphore, #tpu.memory_space<semaphore_mem>>
        %dma_start3A_88 = tpu.memref_slice %arg4[%add3A_66] : memref<331776xi32, #tpu.memory_space<hbm>> -> memref<192xi32, #tpu.memory_space<hbm>>
        %dma_start3A_89 = tpu.memref_slice %arg4[%add3A_66] : memref<331776xi32, #tpu.memory_space<hbm>> -> memref<192xi32, #tpu.memory_space<hbm>>
        tpu.enqueue_dma source(%dma_start3A_89 : memref<192xi32, #tpu.memory_space<hbm>>) target(%arg7 : memref<192xi32, #tpu.memory_space<vmem>>) target_semaphore(%run_scoped3A : memref<!tpu.dma_semaphore, #tpu.memory_space<semaphore_mem>>)
        %dma_wait3A_90 = tpu.memref_slice %arg4[%add3A_66] : memref<331776xi32, #tpu.memory_space<hbm>> -> memref<192xi32, #tpu.memory_space<hbm>>
        %dma_wait3A_91 = tpu.memref_slice %arg4[%add3A_66] : memref<331776xi32, #tpu.memory_space<hbm>> -> memref<192xi32, #tpu.memory_space<hbm>>
        tpu.wait_dma2 semaphore(%run_scoped3A : memref<!tpu.dma_semaphore, #tpu.memory_space<semaphore_mem>>) src(%dma_wait3A_91 : memref<192xi32, #tpu.memory_space<hbm>>) dst(%arg7 : memref<192xi32, #tpu.memory_space<vmem>>)
        tpu.yield
      }) : () -> ()
      %dma_start3A_67 = arith.constant 0 : i32
      %dma_start3A_68 = arith.constant 0 : i32
      %dma_start3A_69 = tpu.memref_slice %arg2[%dma_start3A_67, %dma_start3A_68] : memref<10000x128xf32, #tpu.memory_space<hbm>> -> memref<10000x128xf32, #tpu.memory_space<hbm>>
      tpu.enqueue_indirect_dma source(%dma_start3A_69 : memref<10000x128xf32, #tpu.memory_space<hbm>>) target(%arg10 : memref<192x128xf32, #tpu.memory_space<vmem>>) offsets(%arg6 : memref<192xi32, #tpu.memory_space<vmem>>) semaphore(%arg13 : memref<!tpu.dma_semaphore, #tpu.memory_space<semaphore_mem>>)
      %dma_wait3A_70 = arith.constant 0 : i32
      %dma_wait3A_71 = arith.constant 0 : i32
      %dma_wait3A_72 = tpu.memref_slice %arg2[%dma_wait3A_70, %dma_wait3A_71] : memref<10000x128xf32, #tpu.memory_space<hbm>> -> memref<192x128xf32, #tpu.memory_space<hbm>>
      %dma_wait3A_73 = arith.constant 0 : i32
      %dma_wait3A_74 = arith.constant 0 : i32
      %dma_wait3A_75 = tpu.memref_slice %arg2[%dma_wait3A_73, %dma_wait3A_74] : memref<10000x128xf32, #tpu.memory_space<hbm>> -> memref<192x128xf32, #tpu.memory_space<hbm>>
      tpu.wait_dma2 semaphore(%arg14 : memref<!tpu.dma_semaphore, #tpu.memory_space<semaphore_mem>>) src(%dma_wait3A_75 : memref<192x128xf32, #tpu.memory_space<hbm>>) dst(%arg11 : memref<192x128xf32, #tpu.memory_space<vmem>>)
      "tpu.region"() ({
        %run_scoped3A = tpu.sem_alloc : memref<!tpu.dma_semaphore, #tpu.memory_space<semaphore_mem>>
        %dma_start3A_88 = arith.constant 0 : i32
        %dma_start3A_89 = arith.constant 0 : i32
        %dma_start3A_90 = tpu.memref_slice %arg12[%dma_start3A_88, %dma_start3A_89] : memref<10112x128xf32, #tpu.memory_space<vmem_shared>> -> memref<10112x128xf32, #tpu.memory_space<vmem_shared>>
        tpu.enqueue_indirect_dma source(%arg11 : memref<192x128xf32, #tpu.memory_space<vmem>>) target(%dma_start3A_90 : memref<10112x128xf32, #tpu.memory_space<vmem_shared>>) offsets(%arg9 : memref<192xi32, #tpu.memory_space<vmem>>) semaphore(%run_scoped3A : memref<!tpu.dma_semaphore, #tpu.memory_space<semaphore_mem>>) {add = true}
        %dma_wait3A_91 = arith.constant 0 : i32
        %dma_wait3A_92 = arith.constant 0 : i32
        %dma_wait3A_93 = tpu.memref_slice %arg12[%dma_wait3A_91, %dma_wait3A_92] : memref<10112x128xf32, #tpu.memory_space<vmem_shared>> -> memref<10112x128xf32, #tpu.memory_space<vmem_shared>>
        tpu.wait_indirect_dma semaphore(%run_scoped3A : memref<!tpu.dma_semaphore, #tpu.memory_space<semaphore_mem>>) src(%arg11 : memref<192x128xf32, #tpu.memory_space<vmem>>) dst(%dma_wait3A_93 : memref<10112x128xf32, #tpu.memory_space<vmem_shared>>)
        tpu.yield
      }) : () -> ()
      %mul3A_76 = arith.constant 2 : i32
      %mul3A_77 = arith.muli %scan3A_51, %mul3A_76 : i32
      %add3A_78 = arith.constant 1 : i32
      %add3A_79 = arith.addi %mul3A_77, %add3A_78 : i32
      %add3A_80 = arith.constant 2 : i32
      %add3A_81 = arith.addi %add3A_79, %add3A_80 : i32
      %mul3A_82 = arith.constant 192 : i32
      %mul3A_83 = arith.muli %add3A_81, %mul3A_82 : i32
      %add3A_84 = arith.addi %mul3A_2, %mul3A_83 : i32
      "tpu.region"() ({
        %run_scoped3A = tpu.sem_alloc : memref<!tpu.dma_semaphore, #tpu.memory_space<semaphore_mem>>
        %dma_start3A_88 = tpu.memref_slice %arg3[%add3A_84] : memref<331776xi32, #tpu.memory_space<hbm>> -> memref<192xi32, #tpu.memory_space<hbm>>
        %dma_start3A_89 = tpu.memref_slice %arg3[%add3A_84] : memref<331776xi32, #tpu.memory_space<hbm>> -> memref<192xi32, #tpu.memory_space<hbm>>
        tpu.enqueue_dma source(%dma_start3A_89 : memref<192xi32, #tpu.memory_space<hbm>>) target(%arg8 : memref<192xi32, #tpu.memory_space<vmem>>) target_semaphore(%run_scoped3A : memref<!tpu.dma_semaphore, #tpu.memory_space<semaphore_mem>>)
        %dma_wait3A_90 = tpu.memref_slice %arg3[%add3A_84] : memref<331776xi32, #tpu.memory_space<hbm>> -> memref<192xi32, #tpu.memory_space<hbm>>
        %dma_wait3A_91 = tpu.memref_slice %arg3[%add3A_84] : memref<331776xi32, #tpu.memory_space<hbm>> -> memref<192xi32, #tpu.memory_space<hbm>>
        tpu.wait_dma2 semaphore(%run_scoped3A : memref<!tpu.dma_semaphore, #tpu.memory_space<semaphore_mem>>) src(%dma_wait3A_91 : memref<192xi32, #tpu.memory_space<hbm>>) dst(%arg8 : memref<192xi32, #tpu.memory_space<vmem>>)
        tpu.yield
      }) : () -> ()
      "tpu.region"() ({
        %run_scoped3A = tpu.sem_alloc : memref<!tpu.dma_semaphore, #tpu.memory_space<semaphore_mem>>
        %dma_start3A_88 = tpu.memref_slice %arg4[%add3A_84] : memref<331776xi32, #tpu.memory_space<hbm>> -> memref<192xi32, #tpu.memory_space<hbm>>
        %dma_start3A_89 = tpu.memref_slice %arg4[%add3A_84] : memref<331776xi32, #tpu.memory_space<hbm>> -> memref<192xi32, #tpu.memory_space<hbm>>
        tpu.enqueue_dma source(%dma_start3A_89 : memref<192xi32, #tpu.memory_space<hbm>>) target(%arg9 : memref<192xi32, #tpu.memory_space<vmem>>) target_semaphore(%run_scoped3A : memref<!tpu.dma_semaphore, #tpu.memory_space<semaphore_mem>>)
        %dma_wait3A_90 = tpu.memref_slice %arg4[%add3A_84] : memref<331776xi32, #tpu.memory_space<hbm>> -> memref<192xi32, #tpu.memory_space<hbm>>
        %dma_wait3A_91 = tpu.memref_slice %arg4[%add3A_84] : memref<331776xi32, #tpu.memory_space<hbm>> -> memref<192xi32, #tpu.memory_space<hbm>>
        tpu.wait_dma2 semaphore(%run_scoped3A : memref<!tpu.dma_semaphore, #tpu.memory_space<semaphore_mem>>) src(%dma_wait3A_91 : memref<192xi32, #tpu.memory_space<hbm>>) dst(%arg9 : memref<192xi32, #tpu.memory_space<vmem>>)
        tpu.yield
      }) : () -> ()
      %dma_start3A_85 = arith.constant 0 : i32
      %dma_start3A_86 = arith.constant 0 : i32
      %dma_start3A_87 = tpu.memref_slice %arg2[%dma_start3A_85, %dma_start3A_86] : memref<10000x128xf32, #tpu.memory_space<hbm>> -> memref<10000x128xf32, #tpu.memory_space<hbm>>
      tpu.enqueue_indirect_dma source(%dma_start3A_87 : memref<10000x128xf32, #tpu.memory_space<hbm>>) target(%arg11 : memref<192x128xf32, #tpu.memory_space<vmem>>) offsets(%arg8 : memref<192xi32, #tpu.memory_space<vmem>>) semaphore(%arg14 : memref<!tpu.dma_semaphore, #tpu.memory_space<semaphore_mem>>)
    }
    %scan3A_33 = arith.constant 26 : i32
    %dma_wait3A = arith.constant 0 : i32
    %dma_wait3A_34 = arith.constant 0 : i32
    %dma_wait3A_35 = tpu.memref_slice %arg2[%dma_wait3A, %dma_wait3A_34] : memref<10000x128xf32, #tpu.memory_space<hbm>> -> memref<192x128xf32, #tpu.memory_space<hbm>>
    %dma_wait3A_36 = arith.constant 0 : i32
    %dma_wait3A_37 = arith.constant 0 : i32
    %dma_wait3A_38 = tpu.memref_slice %arg2[%dma_wait3A_36, %dma_wait3A_37] : memref<10000x128xf32, #tpu.memory_space<hbm>> -> memref<192x128xf32, #tpu.memory_space<hbm>>
    tpu.wait_dma2 semaphore(%arg13 : memref<!tpu.dma_semaphore, #tpu.memory_space<semaphore_mem>>) src(%dma_wait3A_38 : memref<192x128xf32, #tpu.memory_space<hbm>>) dst(%arg10 : memref<192x128xf32, #tpu.memory_space<vmem>>)
    "tpu.region"() ({
      %run_scoped3A = tpu.sem_alloc : memref<!tpu.dma_semaphore, #tpu.memory_space<semaphore_mem>>
      %dma_start3A_51 = arith.constant 0 : i32
      %dma_start3A_52 = arith.constant 0 : i32
      %dma_start3A_53 = tpu.memref_slice %arg12[%dma_start3A_51, %dma_start3A_52] : memref<10112x128xf32, #tpu.memory_space<vmem_shared>> -> memref<10112x128xf32, #tpu.memory_space<vmem_shared>>
      tpu.enqueue_indirect_dma source(%arg10 : memref<192x128xf32, #tpu.memory_space<vmem>>) target(%dma_start3A_53 : memref<10112x128xf32, #tpu.memory_space<vmem_shared>>) offsets(%arg7 : memref<192xi32, #tpu.memory_space<vmem>>) semaphore(%run_scoped3A : memref<!tpu.dma_semaphore, #tpu.memory_space<semaphore_mem>>) {add = true}
      %dma_wait3A_54 = arith.constant 0 : i32
      %dma_wait3A_55 = arith.constant 0 : i32
      %dma_wait3A_56 = tpu.memref_slice %arg12[%dma_wait3A_54, %dma_wait3A_55] : memref<10112x128xf32, #tpu.memory_space<vmem_shared>> -> memref<10112x128xf32, #tpu.memory_space<vmem_shared>>
      tpu.wait_indirect_dma semaphore(%run_scoped3A : memref<!tpu.dma_semaphore, #tpu.memory_space<semaphore_mem>>) src(%arg10 : memref<192x128xf32, #tpu.memory_space<vmem>>) dst(%dma_wait3A_56 : memref<10112x128xf32, #tpu.memory_space<vmem_shared>>)
      tpu.yield
    }) : () -> ()
    %dma_wait3A_39 = arith.constant 0 : i32
    %dma_wait3A_40 = arith.constant 0 : i32
    %dma_wait3A_41 = tpu.memref_slice %arg2[%dma_wait3A_39, %dma_wait3A_40] : memref<10000x128xf32, #tpu.memory_space<hbm>> -> memref<192x128xf32, #tpu.memory_space<hbm>>
    %dma_wait3A_42 = arith.constant 0 : i32
    %dma_wait3A_43 = arith.constant 0 : i32
    %dma_wait3A_44 = tpu.memref_slice %arg2[%dma_wait3A_42, %dma_wait3A_43] : memref<10000x128xf32, #tpu.memory_space<hbm>> -> memref<192x128xf32, #tpu.memory_space<hbm>>
    tpu.wait_dma2 semaphore(%arg14 : memref<!tpu.dma_semaphore, #tpu.memory_space<semaphore_mem>>) src(%dma_wait3A_44 : memref<192x128xf32, #tpu.memory_space<hbm>>) dst(%arg11 : memref<192x128xf32, #tpu.memory_space<vmem>>)
    "tpu.region"() ({
      %run_scoped3A = tpu.sem_alloc : memref<!tpu.dma_semaphore, #tpu.memory_space<semaphore_mem>>
      %dma_start3A_51 = arith.constant 0 : i32
      %dma_start3A_52 = arith.constant 0 : i32
      %dma_start3A_53 = tpu.memref_slice %arg12[%dma_start3A_51, %dma_start3A_52] : memref<10112x128xf32, #tpu.memory_space<vmem_shared>> -> memref<10112x128xf32, #tpu.memory_space<vmem_shared>>
      tpu.enqueue_indirect_dma source(%arg11 : memref<192x128xf32, #tpu.memory_space<vmem>>) target(%dma_start3A_53 : memref<10112x128xf32, #tpu.memory_space<vmem_shared>>) offsets(%arg9 : memref<192xi32, #tpu.memory_space<vmem>>) semaphore(%run_scoped3A : memref<!tpu.dma_semaphore, #tpu.memory_space<semaphore_mem>>) {add = true}
      %dma_wait3A_54 = arith.constant 0 : i32
      %dma_wait3A_55 = arith.constant 0 : i32
      %dma_wait3A_56 = tpu.memref_slice %arg12[%dma_wait3A_54, %dma_wait3A_55] : memref<10112x128xf32, #tpu.memory_space<vmem_shared>> -> memref<10112x128xf32, #tpu.memory_space<vmem_shared>>
      tpu.wait_indirect_dma semaphore(%run_scoped3A : memref<!tpu.dma_semaphore, #tpu.memory_space<semaphore_mem>>) src(%arg11 : memref<192x128xf32, #tpu.memory_space<vmem>>) dst(%dma_wait3A_56 : memref<10112x128xf32, #tpu.memory_space<vmem_shared>>)
      tpu.yield
    }) : () -> ()
    %barrier3A_45 = arith.constant 0 : index
    tpu.barrier barrier_id(%barrier3A_45)
    %mul3A_46 = arith.constant 10112 : i32
    %mul3A_47 = arith.muli %arg0, %mul3A_46 : i32
    %mul3A_48 = arith.constant 632 : i32
    %mul3A_49 = arith.muli %arg1, %mul3A_48 : i32
    %add3A_50 = arith.addi %mul3A_47, %mul3A_49 : i32
    "tpu.region"() ({
      %run_scoped3A = tpu.sem_alloc : memref<!tpu.dma_semaphore, #tpu.memory_space<semaphore_mem>>
      %dma_start3A_51 = arith.constant 0 : i32
      %dma_start3A_52 = tpu.memref_slice %arg5[%add3A_50, %dma_start3A_51] : memref<20224x128xf32, #tpu.memory_space<hbm>> -> memref<632x128xf32, #tpu.memory_space<hbm>>
      %dma_start3A_53 = arith.constant 0 : i32
      %dma_start3A_54 = tpu.memref_slice %arg12[%mul3A_10, %dma_start3A_53] : memref<10112x128xf32, #tpu.memory_space<vmem_shared>> -> memref<632x128xf32, #tpu.memory_space<vmem_shared>>
      tpu.enqueue_dma source(%dma_start3A_54 : memref<632x128xf32, #tpu.memory_space<vmem_shared>>) target(%dma_start3A_52 : memref<632x128xf32, #tpu.memory_space<hbm>>) target_semaphore(%run_scoped3A : memref<!tpu.dma_semaphore, #tpu.memory_space<semaphore_mem>>)
      %dma_wait3A_55 = arith.constant 0 : i32
      %dma_wait3A_56 = tpu.memref_slice %arg5[%add3A_50, %dma_wait3A_55] : memref<20224x128xf32, #tpu.memory_space<hbm>> -> memref<632x128xf32, #tpu.memory_space<hbm>>
      %dma_wait3A_57 = arith.constant 0 : i32
      %dma_wait3A_58 = tpu.memref_slice %arg12[%mul3A_10, %dma_wait3A_57] : memref<10112x128xf32, #tpu.memory_space<vmem_shared>> -> memref<632x128xf32, #tpu.memory_space<vmem_shared>>
      tpu.wait_dma2 semaphore(%run_scoped3A : memref<!tpu.dma_semaphore, #tpu.memory_space<semaphore_mem>>) src(%dma_wait3A_58 : memref<632x128xf32, #tpu.memory_space<vmem_shared>>) dst(%dma_wait3A_56 : memref<632x128xf32, #tpu.memory_space<hbm>>)
      tpu.yield
    }) : () -> ()
    return
  }
}

module attributes {stable_mosaic.version = 14 : i64} {
  func.func @_dense_body(%arg0: i32, %arg1: memref<2000x128xf32, #tpu.memory_space<vmem>>, %arg2: memref<2x2000x128xf32, #tpu.memory_space<vmem>>, %arg3: memref<2x2000x128xf32, #tpu.memory_space<vmem>>, %arg4: memref<144x128xf32, #tpu.memory_space<vmem>>, %arg5: memref<1x128xf32, #tpu.memory_space<vmem>>, %arg6: memref<128x128xf32, #tpu.memory_space<vmem>>, %arg7: memref<1x128xf32, #tpu.memory_space<vmem>>, %arg8: memref<128x128xf32, #tpu.memory_space<vmem>>, %arg9: memref<1x128xf32, #tpu.memory_space<vmem>>, %arg10: memref<2000x128xf32, #tpu.memory_space<vmem>>) attributes {dimension_semantics = [#tpu.dimension_semantics<arbitrary>], iteration_bounds = array<i64: 5>, scalar_prefetch = 0 : i64, scratch_operands = 0 : i64, tpu.core_type = #tpu.core_type<tc>, window_params = [{transform_indices = @transform_0, window_bounds = array<i64: 2000, 128>}, {transform_indices = @transform_1, window_bounds = array<i64: 2, 2000, 128>}, {transform_indices = @transform_2, window_bounds = array<i64: 2, 2000, 128>}, {pipeline_mode = #tpu.pipeline_mode<synchronous>, transform_indices = @transform_3, window_bounds = array<i64: 144, 128>}, {pipeline_mode = #tpu.pipeline_mode<synchronous>, transform_indices = @transform_4, window_bounds = array<i64: 1, 128>}, {pipeline_mode = #tpu.pipeline_mode<synchronous>, transform_indices = @transform_5, window_bounds = array<i64: 128, 128>}, {pipeline_mode = #tpu.pipeline_mode<synchronous>, transform_indices = @transform_6, window_bounds = array<i64: 1, 128>}, {pipeline_mode = #tpu.pipeline_mode<synchronous>, transform_indices = @transform_7, window_bounds = array<i64: 128, 128>}, {pipeline_mode = #tpu.pipeline_mode<synchronous>, transform_indices = @transform_8, window_bounds = array<i64: 1, 128>}, {transform_indices = @transform_9, window_bounds = array<i64: 2000, 128>}]} {
    %get3A = arith.constant 0 : index
    %get3A_0 = arith.constant 0 : index
    %get3A_1 = arith.constant 0 : index
    %get3A_2 = vector.load %arg2[%get3A, %get3A_0, %get3A_1] : memref<2x2000x128xf32, #tpu.memory_space<vmem>>, vector<1x2000x128xf32>
    %get3A_3 = vector.shape_cast %get3A_2 : vector<1x2000x128xf32> to vector<2000x128xf32>
    %get3A_4 = arith.constant 1 : index
    %get3A_5 = arith.constant 0 : index
    %get3A_6 = arith.constant 0 : index
    %get3A_7 = vector.load %arg2[%get3A_4, %get3A_5, %get3A_6] : memref<2x2000x128xf32, #tpu.memory_space<vmem>>, vector<1x2000x128xf32>
    %get3A_8 = vector.shape_cast %get3A_7 : vector<1x2000x128xf32> to vector<2000x128xf32>
    %add3A = arith.addf %get3A_3, %get3A_8 : vector<2000x128xf32>
    %get3A_9 = arith.constant 0 : index
    %get3A_10 = arith.constant 0 : index
    %get3A_11 = arith.constant 0 : index
    %get3A_12 = vector.load %arg3[%get3A_9, %get3A_10, %get3A_11] : memref<2x2000x128xf32, #tpu.memory_space<vmem>>, vector<1x2000x128xf32>
    %get3A_13 = vector.shape_cast %get3A_12 : vector<1x2000x128xf32> to vector<2000x128xf32>
    %get3A_14 = arith.constant 1 : index
    %get3A_15 = arith.constant 0 : index
    %get3A_16 = arith.constant 0 : index
    %get3A_17 = vector.load %arg3[%get3A_14, %get3A_15, %get3A_16] : memref<2x2000x128xf32, #tpu.memory_space<vmem>>, vector<1x2000x128xf32>
    %get3A_18 = vector.shape_cast %get3A_17 : vector<1x2000x128xf32> to vector<2000x128xf32>
    %add3A_19 = arith.addf %get3A_13, %get3A_18 : vector<2000x128xf32>
    %slice3A = vector.extract_strided_slice %add3A_19 {offsets = [0, 32], sizes = [2000, 1], strides = [1, 1]} : vector<2000x128xf32> to vector<2000x1xf32>
    %slice3A_20 = vector.extract_strided_slice %add3A_19 {offsets = [0, 0], sizes = [2000, 16], strides = [1, 1]} : vector<2000x128xf32> to vector<2000x16xf32>
    %get3A_21 = arith.constant 0 : index
    %get3A_22 = arith.constant 0 : index
    %get3A_23 = vector.load %arg4[%get3A_21, %get3A_22] : memref<144x128xf32, #tpu.memory_space<vmem>>, vector<144x128xf32>
    %slice3A_24 = vector.extract_strided_slice %get3A_23 {offsets = [0, 0], sizes = [128, 128], strides = [1, 1]} : vector<144x128xf32> to vector<128x128xf32>
    %dot_general3A = arith.constant dense<0.000000e+00> : vector<2000x128xf32>
    %dot_general3A_25 = tpu.matmul %add3A, %slice3A_24, %dot_general3A {dimension_numbers = #tpu.dot_dimension_numbers<[1], [0], [0], [1], [0, 0, 1, 1], [], []>, precision = #tpu.contract_precision<fp32>, transpose_lhs_hint = false} : vector<2000x128xf32>, vector<128x128xf32>, vector<2000x128xf32> -> vector<2000x128xf32>
    %slice3A_26 = vector.extract_strided_slice %get3A_23 {offsets = [128, 0], sizes = [16, 128], strides = [1, 1]} : vector<144x128xf32> to vector<16x128xf32>
    %dot_general3A_27 = arith.constant dense<0.000000e+00> : vector<2000x128xf32>
    %dot_general3A_28 = tpu.matmul %slice3A_20, %slice3A_26, %dot_general3A_27 {dimension_numbers = #tpu.dot_dimension_numbers<[1], [0], [0], [1], [0, 0, 1, 1], [], []>, precision = #tpu.contract_precision<fp32>, transpose_lhs_hint = false} : vector<2000x16xf32>, vector<16x128xf32>, vector<2000x128xf32> -> vector<2000x128xf32>
    %add3A_29 = arith.addf %dot_general3A_25, %dot_general3A_28 : vector<2000x128xf32>
    %get3A_30 = arith.constant 0 : index
    %get3A_31 = arith.constant 0 : index
    %get3A_32 = vector.load %arg5[%get3A_30, %get3A_31] : memref<1x128xf32, #tpu.memory_space<vmem>>, vector<1x128xf32>
    %mul3A = vector.broadcast %slice3A : vector<2000x1xf32> to vector<2000x128xf32>
    %mul3A_33 = vector.broadcast %get3A_32 : vector<1x128xf32> to vector<2000x128xf32>
    %mul3A_34 = arith.mulf %mul3A, %mul3A_33 : vector<2000x128xf32>
    %add3A_35 = arith.addf %add3A_29, %mul3A_34 : vector<2000x128xf32>
    %max3A = arith.constant 1.000000e+00 : f32
    %max3A_36 = vector.broadcast %max3A : f32 to vector<2000x1xf32>
    %max3A_37 = arith.maximumf %slice3A, %max3A_36 : vector<2000x1xf32>
    %div3A = vector.broadcast %max3A_37 : vector<2000x1xf32> to vector<2000x128xf32>
    %div3A_38 = arith.divf %add3A_35, %div3A : vector<2000x128xf32>
    %get3A_39 = arith.constant 0 : index
    %get3A_40 = arith.constant 0 : index
    %get3A_41 = vector.load %arg1[%get3A_39, %get3A_40] : memref<2000x128xf32, #tpu.memory_space<vmem>>, vector<2000x128xf32>
    %get3A_42 = arith.constant 0 : index
    %get3A_43 = arith.constant 0 : index
    %get3A_44 = vector.load %arg6[%get3A_42, %get3A_43] : memref<128x128xf32, #tpu.memory_space<vmem>>, vector<128x128xf32>
    %dot_general3A_45 = arith.constant dense<0.000000e+00> : vector<2000x128xf32>
    %dot_general3A_46 = tpu.matmul %get3A_41, %get3A_44, %dot_general3A_45 {dimension_numbers = #tpu.dot_dimension_numbers<[1], [0], [0], [1], [0, 0, 1, 1], [], []>, precision = #tpu.contract_precision<fp32>, transpose_lhs_hint = false} : vector<2000x128xf32>, vector<128x128xf32>, vector<2000x128xf32> -> vector<2000x128xf32>
    %get3A_47 = arith.constant 0 : index
    %get3A_48 = arith.constant 0 : index
    %get3A_49 = vector.load %arg7[%get3A_47, %get3A_48] : memref<1x128xf32, #tpu.memory_space<vmem>>, vector<1x128xf32>
    %add3A_50 = vector.broadcast %get3A_49 : vector<1x128xf32> to vector<2000x128xf32>
    %add3A_51 = arith.addf %dot_general3A_46, %add3A_50 : vector<2000x128xf32>
    %get3A_52 = arith.constant 0 : index
    %get3A_53 = arith.constant 0 : index
    %get3A_54 = vector.load %arg8[%get3A_52, %get3A_53] : memref<128x128xf32, #tpu.memory_space<vmem>>, vector<128x128xf32>
    %dot_general3A_55 = arith.constant dense<0.000000e+00> : vector<2000x128xf32>
    %dot_general3A_56 = tpu.matmul %div3A_38, %get3A_54, %dot_general3A_55 {dimension_numbers = #tpu.dot_dimension_numbers<[1], [0], [0], [1], [0, 0, 1, 1], [], []>, precision = #tpu.contract_precision<fp32>, transpose_lhs_hint = false} : vector<2000x128xf32>, vector<128x128xf32>, vector<2000x128xf32> -> vector<2000x128xf32>
    %add3A_57 = arith.addf %add3A_51, %dot_general3A_56 : vector<2000x128xf32>
    %get3A_58 = arith.constant 0 : index
    %get3A_59 = arith.constant 0 : index
    %get3A_60 = vector.load %arg9[%get3A_58, %get3A_59] : memref<1x128xf32, #tpu.memory_space<vmem>>, vector<1x128xf32>
    %add3A_61 = vector.broadcast %get3A_60 : vector<1x128xf32> to vector<2000x128xf32>
    %add3A_62 = arith.addf %add3A_57, %add3A_61 : vector<2000x128xf32>
    %max3A_63 = arith.constant 0.000000e+00 : f32
    %max3A_64 = vector.broadcast %max3A_63 : f32 to vector<2000x128xf32>
    %max3A_65 = arith.maximumf %add3A_62, %max3A_64 : vector<2000x128xf32>
    %swap3A = arith.constant 0 : index
    %swap3A_66 = arith.constant 0 : index
    %swap3A_67 = vector.load %arg10[%swap3A, %swap3A_66] : memref<2000x128xf32, #tpu.memory_space<vmem>>, vector<2000x128xf32>
    tpu.vector_store %arg10[%swap3A, %swap3A_66], %max3A_65 {strides = array<i32>} : memref<2000x128xf32, #tpu.memory_space<vmem>>, vector<2000x128xf32>,
    return
  }
  func.func @transform_0(%arg0: i32) -> (i32, i32) {
    %c0_i32 = arith.constant 0 : i32
    %c0_i32_0 = arith.constant 0 : i32
    return %arg0, %c0_i32 : i32, i32
  }
  func.func @transform_1(%arg0: i32) -> (i32, i32, i32) {
    %c0_i32 = arith.constant 0 : i32
    %c0_i32_0 = arith.constant 0 : i32
    %c0_i32_1 = arith.constant 0 : i32
    return %c0_i32, %arg0, %c0_i32_0 : i32, i32, i32
  }
  func.func @transform_2(%arg0: i32) -> (i32, i32, i32) {
    %c0_i32 = arith.constant 0 : i32
    %c0_i32_0 = arith.constant 0 : i32
    %c0_i32_1 = arith.constant 0 : i32
    return %c0_i32, %arg0, %c0_i32_0 : i32, i32, i32
  }
  func.func @transform_3(%arg0: i32) -> (i32, i32) {
    %c0_i32 = arith.constant 0 : i32
    %c0_i32_0 = arith.constant 0 : i32
    %c0_i32_1 = arith.constant 0 : i32
    return %c0_i32, %c0_i32_0 : i32, i32
  }
  func.func @transform_4(%arg0: i32) -> (i32, i32) {
    %c0_i32 = arith.constant 0 : i32
    %c0_i32_0 = arith.constant 0 : i32
    %c0_i32_1 = arith.constant 0 : i32
    return %c0_i32, %c0_i32_0 : i32, i32
  }
  func.func @transform_5(%arg0: i32) -> (i32, i32) {
    %c0_i32 = arith.constant 0 : i32
    %c0_i32_0 = arith.constant 0 : i32
    %c0_i32_1 = arith.constant 0 : i32
    return %c0_i32, %c0_i32_0 : i32, i32
  }
  func.func @transform_6(%arg0: i32) -> (i32, i32) {
    %c0_i32 = arith.constant 0 : i32
    %c0_i32_0 = arith.constant 0 : i32
    %c0_i32_1 = arith.constant 0 : i32
    return %c0_i32, %c0_i32_0 : i32, i32
  }
  func.func @transform_7(%arg0: i32) -> (i32, i32) {
    %c0_i32 = arith.constant 0 : i32
    %c0_i32_0 = arith.constant 0 : i32
    %c0_i32_1 = arith.constant 0 : i32
    return %c0_i32, %c0_i32_0 : i32, i32
  }
  func.func @transform_8(%arg0: i32) -> (i32, i32) {
    %c0_i32 = arith.constant 0 : i32
    %c0_i32_0 = arith.constant 0 : i32
    %c0_i32_1 = arith.constant 0 : i32
    return %c0_i32, %c0_i32_0 : i32, i32
  }
  func.func @transform_9(%arg0: i32) -> (i32, i32) {
    %c0_i32 = arith.constant 0 : i32
    %c0_i32_0 = arith.constant 0 : i32
    return %arg0, %c0_i32 : i32, i32
  }
}

module attributes {stable_mosaic.version = 14 : i64} {
  func.func @_reltab_body(%arg0: memref<16x16xf32, #tpu.memory_space<vmem>>, %arg1: memref<16x16xf32, #tpu.memory_space<vmem>>, %arg2: memref<1024x128xf32, #tpu.memory_space<vmem>>) attributes {dimension_semantics = [], scalar_prefetch = 0 : i64, scratch_operands = 0 : i64, tpu.core_type = #tpu.core_type<tc>} {
    %get3A = arith.constant 0 : index
    %get3A_0 = arith.constant 0 : index
    %get3A_1 = vector.load %arg0[%get3A, %get3A_0] : memref<16x16xf32, #tpu.memory_space<vmem>>, vector<16x16xf32>
    %get3A_2 = arith.constant 0 : index
    %get3A_3 = arith.constant 0 : index
    %get3A_4 = vector.load %arg1[%get3A_2, %get3A_3] : memref<16x16xf32, #tpu.memory_space<vmem>>, vector<16x16xf32>
    %broadcast_in_dim3A = arith.constant 1.000000e+00 : f32
    %broadcast_in_dim3A_5 = vector.broadcast %broadcast_in_dim3A : f32 to vector<16x1xf32>
    %broadcast_in_dim3A_6 = arith.constant 0.000000e+00 : f32
    %broadcast_in_dim3A_7 = vector.broadcast %broadcast_in_dim3A_6 : f32 to vector<16x95xf32>
    %concatenate3A = tpu.concatenate %get3A_1, %get3A_4, %broadcast_in_dim3A_5, %broadcast_in_dim3A_7 in 1 : vector<16x16xf32>, vector<16x16xf32>, vector<16x1xf32>, vector<16x95xf32> -> vector<16x128xf32>
    %broadcast_in_dim3A_8 = vector.shape_cast %concatenate3A : vector<16x128xf32> to vector<1x16x128xf32>
    %broadcast_in_dim3A_9 = vector.shape_cast %broadcast_in_dim3A_8 : vector<1x16x128xf32> to vector<1x16x128xf32>
    %broadcast_in_dim3A_10 = vector.broadcast %broadcast_in_dim3A_9 : vector<1x16x128xf32> to vector<64x16x128xf32>
    %reshape3A = vector.shape_cast %broadcast_in_dim3A_10 : vector<64x16x128xf32> to vector<1024x128xf32>
    %swap3A = arith.constant 0 : index
    %swap3A_11 = arith.constant 0 : index
    %swap3A_12 = vector.load %arg2[%swap3A, %swap3A_11] : memref<1024x128xf32, #tpu.memory_space<vmem>>, vector<1024x128xf32>
    tpu.vector_store %arg2[%swap3A, %swap3A_11], %reshape3A {strides = array<i32>} : memref<1024x128xf32, #tpu.memory_space<vmem>>, vector<1024x128xf32>,
    return
  }
}

module attributes {stable_mosaic.version = 14 : i64} {
  func.func @_dense_body(%arg0: i32, %arg1: memref<2000x128xf32, #tpu.memory_space<vmem>>, %arg2: memref<2x2000x128xf32, #tpu.memory_space<vmem>>, %arg3: memref<2x2000x128xf32, #tpu.memory_space<vmem>>, %arg4: memref<144x128xf32, #tpu.memory_space<vmem>>, %arg5: memref<1x128xf32, #tpu.memory_space<vmem>>, %arg6: memref<128x128xf32, #tpu.memory_space<vmem>>, %arg7: memref<1x128xf32, #tpu.memory_space<vmem>>, %arg8: memref<128x128xf32, #tpu.memory_space<vmem>>, %arg9: memref<1x128xf32, #tpu.memory_space<vmem>>, %arg10: memref<2000x128xf32, #tpu.memory_space<vmem>>) attributes {dimension_semantics = [#tpu.dimension_semantics<arbitrary>], iteration_bounds = array<i64: 5>, scalar_prefetch = 0 : i64, scratch_operands = 0 : i64, tpu.core_type = #tpu.core_type<tc>, window_params = [{transform_indices = @transform_0, window_bounds = array<i64: 2000, 128>}, {transform_indices = @transform_1, window_bounds = array<i64: 2, 2000, 128>}, {transform_indices = @transform_2, window_bounds = array<i64: 2, 2000, 128>}, {pipeline_mode = #tpu.pipeline_mode<synchronous>, transform_indices = @transform_3, window_bounds = array<i64: 144, 128>}, {pipeline_mode = #tpu.pipeline_mode<synchronous>, transform_indices = @transform_4, window_bounds = array<i64: 1, 128>}, {pipeline_mode = #tpu.pipeline_mode<synchronous>, transform_indices = @transform_5, window_bounds = array<i64: 128, 128>}, {pipeline_mode = #tpu.pipeline_mode<synchronous>, transform_indices = @transform_6, window_bounds = array<i64: 1, 128>}, {pipeline_mode = #tpu.pipeline_mode<synchronous>, transform_indices = @transform_7, window_bounds = array<i64: 128, 128>}, {pipeline_mode = #tpu.pipeline_mode<synchronous>, transform_indices = @transform_8, window_bounds = array<i64: 1, 128>}, {transform_indices = @transform_9, window_bounds = array<i64: 2000, 128>}]} {
    %get3A = arith.constant 0 : index
    %get3A_0 = arith.constant 0 : index
    %get3A_1 = arith.constant 0 : index
    %get3A_2 = vector.load %arg2[%get3A, %get3A_0, %get3A_1] : memref<2x2000x128xf32, #tpu.memory_space<vmem>>, vector<1x2000x128xf32>
    %get3A_3 = vector.shape_cast %get3A_2 : vector<1x2000x128xf32> to vector<2000x128xf32>
    %get3A_4 = arith.constant 1 : index
    %get3A_5 = arith.constant 0 : index
    %get3A_6 = arith.constant 0 : index
    %get3A_7 = vector.load %arg2[%get3A_4, %get3A_5, %get3A_6] : memref<2x2000x128xf32, #tpu.memory_space<vmem>>, vector<1x2000x128xf32>
    %get3A_8 = vector.shape_cast %get3A_7 : vector<1x2000x128xf32> to vector<2000x128xf32>
    %add3A = arith.addf %get3A_3, %get3A_8 : vector<2000x128xf32>
    %get3A_9 = arith.constant 0 : index
    %get3A_10 = arith.constant 0 : index
    %get3A_11 = arith.constant 0 : index
    %get3A_12 = vector.load %arg3[%get3A_9, %get3A_10, %get3A_11] : memref<2x2000x128xf32, #tpu.memory_space<vmem>>, vector<1x2000x128xf32>
    %get3A_13 = vector.shape_cast %get3A_12 : vector<1x2000x128xf32> to vector<2000x128xf32>
    %get3A_14 = arith.constant 1 : index
    %get3A_15 = arith.constant 0 : index
    %get3A_16 = arith.constant 0 : index
    %get3A_17 = vector.load %arg3[%get3A_14, %get3A_15, %get3A_16] : memref<2x2000x128xf32, #tpu.memory_space<vmem>>, vector<1x2000x128xf32>
    %get3A_18 = vector.shape_cast %get3A_17 : vector<1x2000x128xf32> to vector<2000x128xf32>
    %add3A_19 = arith.addf %get3A_13, %get3A_18 : vector<2000x128xf32>
    %slice3A = vector.extract_strided_slice %add3A_19 {offsets = [0, 32], sizes = [2000, 1], strides = [1, 1]} : vector<2000x128xf32> to vector<2000x1xf32>
    %slice3A_20 = vector.extract_strided_slice %add3A_19 {offsets = [0, 16], sizes = [2000, 16], strides = [1, 1]} : vector<2000x128xf32> to vector<2000x16xf32>
    %get3A_21 = arith.constant 0 : index
    %get3A_22 = arith.constant 0 : index
    %get3A_23 = vector.load %arg4[%get3A_21, %get3A_22] : memref<144x128xf32, #tpu.memory_space<vmem>>, vector<144x128xf32>
    %slice3A_24 = vector.extract_strided_slice %get3A_23 {offsets = [0, 0], sizes = [128, 128], strides = [1, 1]} : vector<144x128xf32> to vector<128x128xf32>
    %dot_general3A = arith.constant dense<0.000000e+00> : vector<2000x128xf32>
    %dot_general3A_25 = tpu.matmul %add3A, %slice3A_24, %dot_general3A {dimension_numbers = #tpu.dot_dimension_numbers<[1], [0], [0], [1], [0, 0, 1, 1], [], []>, precision = #tpu.contract_precision<fp32>, transpose_lhs_hint = false} : vector<2000x128xf32>, vector<128x128xf32>, vector<2000x128xf32> -> vector<2000x128xf32>
    %slice3A_26 = vector.extract_strided_slice %get3A_23 {offsets = [128, 0], sizes = [16, 128], strides = [1, 1]} : vector<144x128xf32> to vector<16x128xf32>
    %dot_general3A_27 = arith.constant dense<0.000000e+00> : vector<2000x128xf32>
    %dot_general3A_28 = tpu.matmul %slice3A_20, %slice3A_26, %dot_general3A_27 {dimension_numbers = #tpu.dot_dimension_numbers<[1], [0], [0], [1], [0, 0, 1, 1], [], []>, precision = #tpu.contract_precision<fp32>, transpose_lhs_hint = false} : vector<2000x16xf32>, vector<16x128xf32>, vector<2000x128xf32> -> vector<2000x128xf32>
    %add3A_29 = arith.addf %dot_general3A_25, %dot_general3A_28 : vector<2000x128xf32>
    %get3A_30 = arith.constant 0 : index
    %get3A_31 = arith.constant 0 : index
    %get3A_32 = vector.load %arg5[%get3A_30, %get3A_31] : memref<1x128xf32, #tpu.memory_space<vmem>>, vector<1x128xf32>
    %mul3A = vector.broadcast %slice3A : vector<2000x1xf32> to vector<2000x128xf32>
    %mul3A_33 = vector.broadcast %get3A_32 : vector<1x128xf32> to vector<2000x128xf32>
    %mul3A_34 = arith.mulf %mul3A, %mul3A_33 : vector<2000x128xf32>
    %add3A_35 = arith.addf %add3A_29, %mul3A_34 : vector<2000x128xf32>
    %max3A = arith.constant 1.000000e+00 : f32
    %max3A_36 = vector.broadcast %max3A : f32 to vector<2000x1xf32>
    %max3A_37 = arith.maximumf %slice3A, %max3A_36 : vector<2000x1xf32>
    %div3A = vector.broadcast %max3A_37 : vector<2000x1xf32> to vector<2000x128xf32>
    %div3A_38 = arith.divf %add3A_35, %div3A : vector<2000x128xf32>
    %get3A_39 = arith.constant 0 : index
    %get3A_40 = arith.constant 0 : index
    %get3A_41 = vector.load %arg1[%get3A_39, %get3A_40] : memref<2000x128xf32, #tpu.memory_space<vmem>>, vector<2000x128xf32>
    %get3A_42 = arith.constant 0 : index
    %get3A_43 = arith.constant 0 : index
    %get3A_44 = vector.load %arg6[%get3A_42, %get3A_43] : memref<128x128xf32, #tpu.memory_space<vmem>>, vector<128x128xf32>
    %dot_general3A_45 = arith.constant dense<0.000000e+00> : vector<2000x128xf32>
    %dot_general3A_46 = tpu.matmul %get3A_41, %get3A_44, %dot_general3A_45 {dimension_numbers = #tpu.dot_dimension_numbers<[1], [0], [0], [1], [0, 0, 1, 1], [], []>, precision = #tpu.contract_precision<fp32>, transpose_lhs_hint = false} : vector<2000x128xf32>, vector<128x128xf32>, vector<2000x128xf32> -> vector<2000x128xf32>
    %get3A_47 = arith.constant 0 : index
    %get3A_48 = arith.constant 0 : index
    %get3A_49 = vector.load %arg7[%get3A_47, %get3A_48] : memref<1x128xf32, #tpu.memory_space<vmem>>, vector<1x128xf32>
    %add3A_50 = vector.broadcast %get3A_49 : vector<1x128xf32> to vector<2000x128xf32>
    %add3A_51 = arith.addf %dot_general3A_46, %add3A_50 : vector<2000x128xf32>
    %get3A_52 = arith.constant 0 : index
    %get3A_53 = arith.constant 0 : index
    %get3A_54 = vector.load %arg8[%get3A_52, %get3A_53] : memref<128x128xf32, #tpu.memory_space<vmem>>, vector<128x128xf32>
    %dot_general3A_55 = arith.constant dense<0.000000e+00> : vector<2000x128xf32>
    %dot_general3A_56 = tpu.matmul %div3A_38, %get3A_54, %dot_general3A_55 {dimension_numbers = #tpu.dot_dimension_numbers<[1], [0], [0], [1], [0, 0, 1, 1], [], []>, precision = #tpu.contract_precision<fp32>, transpose_lhs_hint = false} : vector<2000x128xf32>, vector<128x128xf32>, vector<2000x128xf32> -> vector<2000x128xf32>
    %add3A_57 = arith.addf %add3A_51, %dot_general3A_56 : vector<2000x128xf32>
    %get3A_58 = arith.constant 0 : index
    %get3A_59 = arith.constant 0 : index
    %get3A_60 = vector.load %arg9[%get3A_58, %get3A_59] : memref<1x128xf32, #tpu.memory_space<vmem>>, vector<1x128xf32>
    %add3A_61 = vector.broadcast %get3A_60 : vector<1x128xf32> to vector<2000x128xf32>
    %add3A_62 = arith.addf %add3A_57, %add3A_61 : vector<2000x128xf32>
    %max3A_63 = arith.constant 0.000000e+00 : f32
    %max3A_64 = vector.broadcast %max3A_63 : f32 to vector<2000x128xf32>
    %max3A_65 = arith.maximumf %add3A_62, %max3A_64 : vector<2000x128xf32>
    %swap3A = arith.constant 0 : index
    %swap3A_66 = arith.constant 0 : index
    %swap3A_67 = vector.load %arg10[%swap3A, %swap3A_66] : memref<2000x128xf32, #tpu.memory_space<vmem>>, vector<2000x128xf32>
    tpu.vector_store %arg10[%swap3A, %swap3A_66], %max3A_65 {strides = array<i32>} : memref<2000x128xf32, #tpu.memory_space<vmem>>, vector<2000x128xf32>,
    return
  }
  func.func @transform_0(%arg0: i32) -> (i32, i32) {
    %c0_i32 = arith.constant 0 : i32
    %c0_i32_0 = arith.constant 0 : i32
    return %arg0, %c0_i32 : i32, i32
  }
  func.func @transform_1(%arg0: i32) -> (i32, i32, i32) {
    %c0_i32 = arith.constant 0 : i32
    %c0_i32_0 = arith.constant 0 : i32
    %c0_i32_1 = arith.constant 0 : i32
    return %c0_i32, %arg0, %c0_i32_0 : i32, i32, i32
  }
  func.func @transform_2(%arg0: i32) -> (i32, i32, i32) {
    %c0_i32 = arith.constant 0 : i32
    %c0_i32_0 = arith.constant 0 : i32
    %c0_i32_1 = arith.constant 0 : i32
    return %c0_i32, %arg0, %c0_i32_0 : i32, i32, i32
  }
  func.func @transform_3(%arg0: i32) -> (i32, i32) {
    %c0_i32 = arith.constant 0 : i32
    %c0_i32_0 = arith.constant 0 : i32
    %c0_i32_1 = arith.constant 0 : i32
    return %c0_i32, %c0_i32_0 : i32, i32
  }
  func.func @transform_4(%arg0: i32) -> (i32, i32) {
    %c0_i32 = arith.constant 0 : i32
    %c0_i32_0 = arith.constant 0 : i32
    %c0_i32_1 = arith.constant 0 : i32
    return %c0_i32, %c0_i32_0 : i32, i32
  }
  func.func @transform_5(%arg0: i32) -> (i32, i32) {
    %c0_i32 = arith.constant 0 : i32
    %c0_i32_0 = arith.constant 0 : i32
    %c0_i32_1 = arith.constant 0 : i32
    return %c0_i32, %c0_i32_0 : i32, i32
  }
  func.func @transform_6(%arg0: i32) -> (i32, i32) {
    %c0_i32 = arith.constant 0 : i32
    %c0_i32_0 = arith.constant 0 : i32
    %c0_i32_1 = arith.constant 0 : i32
    return %c0_i32, %c0_i32_0 : i32, i32
  }
  func.func @transform_7(%arg0: i32) -> (i32, i32) {
    %c0_i32 = arith.constant 0 : i32
    %c0_i32_0 = arith.constant 0 : i32
    %c0_i32_1 = arith.constant 0 : i32
    return %c0_i32, %c0_i32_0 : i32, i32
  }
  func.func @transform_8(%arg0: i32) -> (i32, i32) {
    %c0_i32 = arith.constant 0 : i32
    %c0_i32_0 = arith.constant 0 : i32
    %c0_i32_1 = arith.constant 0 : i32
    return %c0_i32, %c0_i32_0 : i32, i32
  }
  func.func @transform_9(%arg0: i32) -> (i32, i32) {
    %c0_i32 = arith.constant 0 : i32
    %c0_i32_0 = arith.constant 0 : i32
    return %arg0, %c0_i32 : i32, i32
  }
}

</mosaic_0001>

<sc_bundles>
// kernel: kernel.11.cloned.1.call-start
scs
__scs_entry_jumppad:
0x0: {  	(pc) =	sbr.rel $0x88, $3  }
0x1: {  	(tag) =	ssettag $0x0;
	lr =	simm.s32 $0x1  }
0x2: {  	[smem:$0x3F8F] =	sst lr;
	_ =	strace $0xD0000000  }
0x3: {  	_ = 	snop  }
0x4: {  	_ = 	snop  }
0x5: {  	_ = 	snop  }
0x6: {  	_ = 	snop  }
0x7: {  	_ = 	snop  }
__scs_overlays_trampoline_lowered:
0x8: {  	[smem:$0x3F9E] =	sst s0  }
0x9: {  	[smem:$0x3F9F] =	sst s1  }
0xa: {  	[smem:$0x3FA0] =	sst s2  }
0xb: {  	[smem:$0x3FA1] =	sst s3  }
0xc: {  	[smem:$0x3FA2] =	sst s4  }
0xd: {  	[smem:$0x3FA3] =	sst s5  }
0xe: {  	[smem:$0x3FA4] =	sst s6  }
0xf: {  	[smem:$0x3FA5] =	sst s7  }
0x10: {  	[smem:$0x3FA6] =	sst s8  }
0x11: {  	[smem:$0x3FA7] =	sst s9;
	s0 =	simm.s32 @!p0 $0x0  }
0x12: {  	s1 =	sld [smem:$0x3F8D];
	s0 =	simm.s32 @p0 $0x1  }
0x13: {  	[smem:$0x3FA8] =	sst s0;
	s0 =	simm.s32 @!p1 $0x0  }
0x14: {  	s2 =	sld [smem:$0x3F8C];
	s0 =	simm.s32 @p1 $0x1  }
0x15: {  	[smem:$0x3FA9] =	sst s0;
	s0 =	simm.s32 @!p2 $0x0  }
0x16: {  	s3 =	sld [smem:$0x3FDB];
	s0 =	simm.s32 @p2 $0x1  }
0x17: {  	s4 =	simm.s32 $0x1BF5;
	[smem:$0x3FAB] =	sst s0  }
0x18: {  	s0 =	sld [smem:$0x3F8E];
	_ =	swait.ge [sflag:s4], $0x0  }
0x19: {  	s7 =	sld [smem:$0x3F8F]  }
0x1a: {  	s8 =	sadd.s32 $0xFFFFE003, lr  }
0x1b: {  	s9 =	sadd.s32 $0xFFFFFEF7, lr;
	s5 =	simm.s32 $0xFFFFFFFF;
	p2 =	slt.u32 s8, $0xFFFFF086  }
0x1c: {  	p1 =	slt.u32 s9, $0xF7A;
	s5 =	simm.s32 @!p2 $0x0  }
0x1d: {  	s5 =	simm.s32 @p1 $0x1;
	p0 =	seq.s32 s7, s2  }
0x1e: {  	s7 =	smul.u32 @!p0 $0xF7A, s2;
	p2 =	seq.s32 @!p0 s5, $0x0  }
0x1f: {  	s9 =	smul.u32 $0xF7A, s1;
	s8 =	simm.s32 @!p0 $0x1BF5;
	p2 =	por !p2, p0  }
0x20: {  	[sflag:s8] =	ssyncset.s32 @!p0 $0xFFFFF086;
	s6 =	sadd.s32 @!p0 s3, s7;
	s7 =	simm.s32 @!p0 $0x108  }
0x21: {  	s3 =	sadd.s32 s3, s9;
	s6 =	sadd.s32 @!p0 $0x88, s6;
	s7 =	simm.s32 @p2 $0x1082  }
0x22: {  	[simem:s7], [sflag:s8] =	dma.local @!p0 [hbm:s6], $0xF7A  }
0x23: {  	s9 =	sor.u32 $0xD0000000, s2;
	s6 =	simm.s32 $0x108;
	_ =	swait.ge @!p0 [sflag:s8], $0x0  }
0x24: {  	s3 =	sadd.s32 $0x88, s3;
	s6 =	simm.s32 @!p1 $0x1082;
	[sflag:s4] =	ssyncset.s32 $0xFFFFF086  }
0x25: {  	[simem:s6], [sflag:s4] =	dma.local [hbm:s3], $0xF7A  }
0x26: {  	[smem:$0x3F8F] =	sst s1;
	(tag) =	ssettag s2;
	_ =	strace s9  }
0x27: {  	s1 =	sld [smem:$0x3F9F]  }
0x28: {  	s2 =	sld [smem:$0x3FA0]  }
0x29: {  	s4 =	sld [smem:$0x3FA2]  }
0x2a: {  	p0 =	seq.s32 s5, $0x0;
	s5 =	sld [smem:$0x3FA3]  }
0x2b: {  	s6 =	sld [smem:$0x3FA4]  }
0x2c: {  	s7 =	sld [smem:$0x3FA5]  }
0x2d: {  	s3 =	simm.s32 $0x108;
	s8 =	sld [smem:$0x3FA6]  }
0x2e: {  	s3 =	simm.s32 @!p0 $0x1082;
	s9 =	sld [smem:$0x3FA7]  }
0x2f: {  	lr =	sadd.s32 s0, s3;
	s0 =	sld [smem:$0x3F9E]  }
0x30: {  	s3 =	sld [smem:$0x3FA1]  }
0x31: {  	[smem:$0x3FAA] =	sst s10  }
0x32: {  	s10 =	sld [smem:$0x3FA8];
	_ =	sdelay $0x3  }
0x33: {  	p0 =	seq.s32 s10, $0x1;
	s10 =	sld [smem:$0x3FAA];
	_ =	sdelay $0x3  }
0x34: {  	[smem:$0x3FAA] =	sst s10  }
0x35: {  	s10 =	sld [smem:$0x3FA9];
	_ =	sdelay $0x3  }
0x36: {  	p1 =	seq.s32 s10, $0x1;
	s10 =	sld [smem:$0x3FAA];
	_ =	sdelay $0x3  }
0x37: {  	[smem:$0x3FAA] =	sst s10  }
0x38: {  	s10 =	sld [smem:$0x3FAB]  }
0x39: {  	_ = 	snop;
	(pc) =	sbr.ind lr, $3  }
0x3a: {  	_ = 	snop  }
0x3b: {  	_ = 	snop  }
0x3c: {  	p2 =	seq.s32 s10, $0x1;
	s10 =	sld [smem:$0x3FAA]  }
0x3d: {  	_ =	shalt  }
0x3e: {  	_ =	shalt  }
0x3f: {  	_ =	shalt  }
0x40: {  	_ =	shalt  }
0x41: {  	_ =	shalt  }
0x42: {  	_ =	shalt  }
0x43: {  	_ =	shalt  }
0x44: {  	_ =	shalt  }
0x45: {  	_ =	shalt  }
0x46: {  	_ =	shalt  }
0x47: {  	_ =	shalt  }
0x48: {  	_ =	shalt  }
0x49: {  	_ =	shalt  }
0x4a: {  	_ =	shalt  }
0x4b: {  	_ =	shalt  }
0x4c: {  	_ =	shalt  }
0x4d: {  	_ =	shalt  }
0x4e: {  	_ =	shalt  }
0x4f: {  	_ =	shalt  }
0x50: {  	_ =	shalt  }
0x51: {  	_ =	shalt  }
0x52: {  	_ =	shalt  }
0x53: {  	_ =	shalt  }
0x54: {  	_ =	shalt  }
0x55: {  	_ =	shalt  }
0x56: {  	_ =	shalt  }
0x57: {  	_ =	shalt  }
0x58: {  	_ =	shalt  }
0x59: {  	_ =	shalt  }
0x5a: {  	_ =	shalt  }
0x5b: {  	_ =	shalt  }
0x5c: {  	_ =	shalt  }
0x5d: {  	_ =	shalt  }
0x5e: {  	_ =	shalt  }
0x5f: {  	_ =	shalt  }
0x60: {  	_ =	shalt  }
0x61: {  	_ =	shalt  }
0x62: {  	_ =	shalt  }
0x63: {  	_ =	shalt  }
0x64: {  	_ =	shalt  }
0x65: {  	_ =	shalt  }
0x66: {  	_ =	shalt  }
0x67: {  	_ =	shalt  }
0x68: {  	_ =	shalt  }
0x69: {  	_ =	shalt  }
0x6a: {  	_ =	shalt  }
0x6b: {  	_ =	shalt  }
0x6c: {  	_ =	shalt  }
0x6d: {  	_ =	shalt  }
0x6e: {  	_ =	shalt  }
0x6f: {  	_ =	shalt  }
0x70: {  	_ =	shalt  }
0x71: {  	_ =	shalt  }
0x72: {  	_ =	shalt  }
0x73: {  	_ =	shalt  }
0x74: {  	_ =	shalt  }
0x75: {  	_ =	shalt  }
0x76: {  	_ =	shalt  }
0x77: {  	_ =	shalt  }
0x78: {  	_ =	shalt  }
0x79: {  	_ =	shalt  }
0x7a: {  	_ =	shalt  }
0x7b: {  	_ =	shalt  }
0x7c: {  	_ =	shalt  }
0x7d: {  	_ =	shalt  }
0x7e: {  	_ =	shalt  }
0x7f: {  	_ =	shalt  }
0x80: {  	_ =	shalt  }
0x81: {  	_ =	shalt  }
0x82: {  	_ =	shalt  }
0x83: {  	_ =	shalt  }
0x84: {  	_ =	shalt  }
0x85: {  	_ =	shalt  }
0x86: {  	_ =	shalt  }
0x87: {  	_ =	shalt  }
.Lfunc_end0:
.L_simem_size_0:
called_computation.1_lowered:
.L_overlay_start_0:
0x88: {  	s2 =	sld [smem:$0x3FD9]  }
0x89: {  	s3 =	sld [smem:$0x3FFE];
	_ =	sdelay $0x1  }
0x8a: {  	s1 =	srdreg.scid  }
0x8b: {  	s0 =	sand.u32 $0x1, s1  }
0x8c: {  	s17 =	sshll.u32 s0, $0xA;
	s2 =	sadd.s32 s3, s2  }
0x8d: {  	s2 =	sadd.s32 s2, s17  }
0x8e: {  	[smem:$0x3FB6] =	sst s2  }
0x8f: {  	_ = 	snop  }
0x90: {  	s2 =	sld [smem:$0x3FD0];
	(tm) =	ssettm $0x1  }
0x91: {  	s18 =	sld [smem:$0x3FFB];
	_ =	sdelay $0x3  }
0x92: {  	_ =	strace s18  }
0x93: {  	s3 =	sld [smem:$0x3FFC];
	_ =	sdelay $0x3  }
0x94: {  	_ =	strace s3  }
0x95: {  	s3 =	sld [smem:$0x3FFD];
	_ =	sdelay $0x3  }
0x96: {  	_ =	strace s3  }
0x97: {  	_ =	strace $0x8FFFFFFF  }
0x98: {  	s19 =	sld [smem:$0x3FDB];
	_ =	sdelay $0x1  }
0x99: {  	s4 =	simm.s32 $_scs_section_size  }
0x9a: {  	s5 =	simm.s32 $_size__tile_overlayer_lowered;
	s6 =	simm.s32 $_tile_overlayer_lowered  }
0x9b: {  	s22 =	simm.s32 $0x1BFF;
	s21 =	sshll.u32 s6, $0x1;
	s3 =	sadd.s32 s4, s19  }
0x9c: {  	s7 =	simm.s32 $0x0;
	s20 =	sshll.u32 s5, $0x1;
	s5 =	sadd.s32 s21, s3  }
0x9d: {  	[timem:s7], [sflag:s22] =	dma.local [hbm:s5], s20  }
0x9e: {  	_ =	swait.ge [sflag:s22], s20  }
0x9f: {  	s4 =	ssub.s32 $0x0, s20;
	[sflag:s22] =	ssyncset.done $0x0  }
0xa0: {  	[sflag:s22] =	ssyncadd.s32 s4;
	_ =	sdelay $0x1  }
0xa1: {  	s23 =	simm.s32 $0x1B8B  }
0xa2: {  	_ =	swait.ge [sflag:s23], $0x1  }
0xa3: {  	[sflag:s23] =	ssyncset.done $0x0  }
0xa4: {  	s25 =	simm.s32 $0x1B8E;
	s24 =	sld [smem:$0x3FFE];
	[sflag:s23] =	ssyncadd.s32 $0xFFFFFFFF  }
0xa5: {  	s26 =	simm.s32 $execute0_lowered;
	[smem:$0x3FD2] =	sst s25  }
0xa6: {  	s5 =	sshll.u32 s26, $0x1;
	_ =	strace $0x80000046;
	[dreg:$0x1] =	wrdreg $0xFFFFFFFF  }
0xa7: {  	s28 =	simm.s32 $_size_execute0_lowered;
	s3 =	sadd.s32 s3, s5;
	[dreg:$0x0] =	wrdreg $0x0  }
0xa8: {  	s5 =	sshll.u32 s28, $0x1;
	[dreg:$0x2] =	wrdreg s3  }
0xa9: {  	[dreg:$0x3] =	wrdreg s5  }
0xaa: {  	[dreg:$0x4] =	wrdreg $0xC0  }
0xab: {  	_ =	task [dreg:s7], $0x5FFFF  }
0xac: {  	[dreg:$0x1] =	wrdreg $0xFFFFFFFF  }
0xad: {  	[dreg:$0x0] =	wrdreg $0x60  }
0xae: {  	[dreg:$0x2] =	wrdreg s24  }
0xaf: {  	[dreg:$0x3] =	wrdreg s2  }
0xb0: {  	[dreg:$0x4] =	wrdreg $0xC4000  }
0xb1: {  	[dreg:$0x5] =	wrdreg $0xA  }
0xb2: {  	_ =	task.clear_ibuf [dreg:s7], $0x6FFFF;
	_ =	strace $0x90000046  }
0xb3: {  	s29 =	simm.s32 $0xA;
	_ =	strace $0x80000048  }
0xb4: {  	_ =	swait.ge [sflag:s29], $0x1  }
0xb5: {  	[sflag:s29] =	ssyncadd.s32 $0xFFFFFFFF  }
0xb6: {  	_ =	strace $0x90000048  }
0xb7: {  	_ =	sfence  }
0xb8: {  	s30 =	sld [smem:$0x0];
	_ =	sdelay $0x2  }
0xb9: {  	s31 =	sshll.u32 s1, $0xD;
	s1 =	sshrl.u32 s1, $0x2  }
0xba: {  	s3 =	sand.u32 $0x4000, s31;
	s1 =	sadd.s32 s1, s30  }
0xbb: {  	s0 =	sor.u32 s3, s0;
	s1 =	sshll.u32 s1, $0x11  }
0xbc: {  	s0 =	sor.u32 s1, s0  }
0xbd: {  	s0 =	sadd.s32 $0x8F2B, s0  }
0xbe: {  	[sflag:s0] =	ssyncadd.remote.s32 $0x1  }
0xbf: {  	_ =	sfence.sel $0xFFFF  }
0xc0: {  	[dreg:$0x0] =	wrdreg $0xFFFFFFFF;
	(pc) =	sbr.abs _section_cstart, $3  }
0xc1: {  	[dreg:$0x1] =	wrdreg $0xFFFFFFFF  }
0xc2: {  	_ =	task.clear_ibuf [dreg:s7], $0x2FFFF;
	_ =	strace $0x9FFFFFFF  }
0xc3: {  	(tm) =	ssettm $0x7FFFFFFF  }
tec
execute0_lowered:
.L_overlay_start_1:
0x0: {  	(tag) =	ssettag $0x1  }
0x1: {  	s0 =	rddreg [dreg:$0x0]  }
0x2: {  	s1 =	rddreg [dreg:$0x1]  }
0x3: {  	s3 =	rddreg [dreg:$0x2];
	s4 =	simm.s32 $0x0  }
0x4: {  	s5 =	srdreg.scid;
	s2 =	stileid.u32;
	s20 =	simm.s32 $0x400  }
0x5: {  	s21 =	simm.s32 $0x3;
	s28 =	simm.s32 $0x1;
	s7 =	smul.u32 $0x2780, s2  }
0x6: {  	s29 =	simm.s32 $0x2;
	s30 =	simm.s32 $0x0;
	s23 =	smul.u32 $0x4F000, s2  }
0x7: {  	[smem:$0x7FF] =	sst s4;
	s8 =	sand.u32 $0x1, s5;
	s12 =	smul.u32 $0x5100, s2  }
0x8: {  	s5 =	sadd.s32 $0x3E00, s0;
	s10 =	sshll.u32 s2, $0x1;
	s9 =	smul.u32 $0x27800, s8  }
0x9: {  	s6 =	sadd.s32 $0x7E00, s0;
	s22 =	sor.u32 s8, s10;
	s13 =	smul.u32 $0x2880, s8  }
0xa: {  	_ =	strace $0x80000047;
	s24 =	ssub.s32 $0x2, s8;
	s11 =	smul.u32 $0x2880, s22  }
0xb: {  	s25 =	sshrl.u32 s24, $0x1;
	s10 =	sshrl.u32 s23, $0x2;
	s22 =	simm.s32 $0x100  }
0xc: {  	s23 =	simm.s32 $0xC0;
	s7 =	sadd.s32 s7, s9;
	s16 =	ssub.s32 s24, s25  }
0xd: {  	s19 =	sadd.s32 s13, s12;
	s24 =	simm.s32 $0x200;
	s25 =	simm.s32 $0x300  }
0xe: {  	s0 =	sadd.s32 s7, s0;
	s7 =	sadd.s32 s10, s3;
	s14 =	sshrl.u32 s11, $0x3  }
0xf: {  	s15 =	sadd.s32 $0x240, s19;
	s16 =	smax.u32 s16, $0x1;
	s19 =	sadd.s32 $0x180, s19  }
0x10: {  	s26 =	sadd.s32 $0x6000, s7;
	s31 =	sadd.s32 $0xC000, s7;
	s10 =	sadd.s32 $0x12000, s7  }
0x11: {  	s11 =	sadd.s32 s1, s14;
	s12 =	sadd.s32 s6, s14;
	s14 =	sadd.s32 $0x18, s14  }
0x12: {  	s18 =	sshrl.u32 s15, $0x3;
	s15 =	sadd.s32 $0x12000, s0;
	[dreg:$0x4] =	wrdreg s26  }
0x13: {  	[dreg:$0x5] =	wrdreg s31;
	s13 =	sadd.s32 s1, s14;
	s14 =	sadd.s32 s6, s14  }
0x14: {  	v0 =	vimm.f32 $0.0e+00;
	s17 =	sadd.s32 s18, s6;
	s18 =	sadd.s32 s18, s1;
	s26 =	simm.s32 $0x6400  }
.LBB2_1:
0x15: {  	s0 =	simm.s32 $0x0;
	s31 =	simm.s32 $0x200  }
.LBB2_2:
0x16: {  	p0 =	sne.s32 s31, $0x17E00;
	[tilespmem:s0+$0x470] =	vst v0  }
0x17: {  	[tilespmem:s0+$0x400] =	vst v0  }
0x18: {  	[tilespmem:s0+$0x410] =	vst v0  }
.Ltmp0:
0x19: {  	[tilespmem:s0+$0x420] =	vst v0;
	(pc) =	sbr.rel @p0 .LBB2_2-.Ltmp0, $4  }
0x1a: {  	[tilespmem:s0+$0x430] =	vst v0  }
0x1b: {  	[tilespmem:s0+$0x440] =	vst v0  }
0x1c: {  	[tilespmem:s0+$0x450] =	vst v0  }
0x1d: {  	[tilespmem:s0+$0x460] =	vst v0;
	s0 =	sshra.s32 s31, $0x2;
	s31 =	sadd.s32 $0x200, s31  }
0x1e: {  	[tilespmem:s0+$0x470] =	vst v0  }
0x1f: {  	[tilespmem:s0+$0x400] =	vst v0  }
0x20: {  	[tilespmem:s0+$0x410] =	vst v0  }
0x21: {  	[tilespmem:s0+$0x420] =	vst v0  }
0x22: {  	[tilespmem:s0+$0x430] =	vst v0  }
0x23: {  	[tilespmem:s0+$0x440] =	vst v0  }
0x24: {  	[tilespmem:s0+$0x450] =	vst v0  }
0x25: {  	[tilespmem:s0+$0x460] =	vst v0  }
0x26: {  	[spmem:s7] =	stream.linear.scatter [tilespmem:s20], [sflag:$0x3], $0x6000, $0x38;
	v63 =	vld [tilespmem:$0x0]  }
0x27: {  	_ =	swait.ge [sflag:s21], $0x6000  }
0x28: {  	[sflag:s21] =	ssyncset.done $0x0  }
0x29: {  	s2 =	rddreg [dreg:$0x4];
	[sflag:s21] =	ssyncadd.s32 $0xFFFFA000  }
0x2a: {  	[spmem:s2] =	stream.linear.scatter [tilespmem:s20], [sflag:$0x3], $0x6000, $0x38;
	v63 =	vld [tilespmem:$0x0]  }
0x2b: {  	_ =	swait.ge [sflag:s21], $0x6000  }
0x2c: {  	[sflag:s21] =	ssyncset.done $0x0  }
0x2d: {  	s8 =	rddreg [dreg:$0x5];
	[sflag:s21] =	ssyncadd.s32 $0xFFFFA000  }
0x2e: {  	[spmem:s8] =	stream.linear.scatter [tilespmem:s20], [sflag:$0x3], $0x6000, $0x38;
	v63 =	vld [tilespmem:$0x0]  }
0x2f: {  	_ =	swait.ge [sflag:s21], $0x6000  }
0x30: {  	[sflag:s21] =	ssyncset.done $0x0  }
0x31: {  	[sflag:s21] =	ssyncadd.s32 $0xFFFFA000  }
0x32: {  	[spmem:s10] =	stream.linear.scatter [tilespmem:s20], [sflag:$0x3], $0x1C00, $0x38;
	v63 =	vld [tilespmem:$0x0]  }
0x33: {  	_ =	swait.ge [sflag:s21], $0x1C00  }
0x34: {  	[sflag:s21] =	ssyncset.done $0x0  }
0x35: {  	[sflag:s21] =	ssyncadd.s32 $0xFFFFE400  }
0x36: {  	s9 =	simm.s32 $0x0;
	[bflag:$0x0] =	sbarrier.arrive $0xFFFF  }
0x37: {  	[tilespmem:s9], [sflag:$0x3] =	stream.linear.gather [hbm4b:s11+s9], $0xC0, $0x38;
	v63 =	vld [tilespmem:$0x0]  }
0x38: {  	_ =	swait.ge [sflag:s21], $0xC0  }
0x39: {  	[sflag:s21] =	ssyncset.done $0x0  }
0x3a: {  	[sflag:s21] =	ssyncadd.s32 $0xFFFFFF40  }
0x3b: {  	[tilespmem:s22], [sflag:$0x3] =	stream.linear.gather [hbm4b:s12+s9], $0xC0, $0x38;
	v63 =	vld [tilespmem:$0x0]  }
0x3c: {  	_ =	swait.ge [sflag:s21], $0xC0  }
0x3d: {  	[sflag:s21] =	ssyncset.done $0x0  }
0x3e: {  	[sflag:s21] =	ssyncadd.s32 $0xFFFFFF40  }
0x3f: {  	[tilespmem:s20], [sflag:$0x1] =	stream.indirect.gather [hbm4b:s5+s23], $0x80, s9, s23, $0xb8;
	v63 =	vld [tilespmem:$0x0]  }
0x40: {  	_ = 	snop  }
0x41: {  	[tilespmem:s24], [sflag:$0x3] =	stream.linear.gather [hbm4b:s13+s9], $0xC0, $0x38;
	v63 =	vld [tilespmem:$0x0]  }
0x42: {  	_ =	swait.ge [sflag:s21], $0xC0  }
0x43: {  	[sflag:s21] =	ssyncset.done $0x0  }
0x44: {  	[sflag:s21] =	ssyncadd.s32 $0xFFFFFF40  }
0x45: {  	[tilespmem:s25], [sflag:$0x3] =	stream.linear.gather [hbm4b:s14+s9], $0xC0, $0x38;
	v63 =	vld [tilespmem:$0x0]  }
0x46: {  	_ =	swait.ge [sflag:s21], $0xC0  }
0x47: {  	[sflag:s21] =	ssyncset.done $0x0  }
0x48: {  	[sflag:s21] =	ssyncadd.s32 $0xFFFFFF40  }
0x49: {  	[tilespmem:s26], [sflag:$0x2] =	stream.indirect.gather [hbm4b:s5+s23], $0x80, s24, s23, $0xb8;
	v63 =	vld [tilespmem:$0x0]  }
0x4a: {  	_ =	swait.ge [sflag:s28], $0x6000  }
0x4b: {  	[sflag:s28] =	ssyncset.done $0x0  }
0x4c: {  	[sflag:s28] =	ssyncadd.s32 $0xFFFFA000  }
0x4d: {  	[spmem:s3] =	stream.indirect.scatter.add.f32 [tilespmem:s20], [sflag:$0x3], $0x80, s22, s23, $0xb8;
	v63 =	vld [tilespmem:$0x0]  }
0x4e: {  	_ =	swait.ge [sflag:s21], $0x6000  }
0x4f: {  	s2 =	sshrl.u32 s19, $0x3;
	[sflag:s21] =	ssyncset.done $0x0  }
0x50: {  	s31 =	sadd.s32 s1, s2;
	[sflag:s21] =	ssyncadd.s32 $0xFFFFA000  }
0x51: {  	[tilespmem:s4], [sflag:$0x3] =	stream.linear.gather [hbm4b:s31+s4], $0xC0, $0x38;
	v63 =	vld [tilespmem:$0x0]  }
0x52: {  	_ =	swait.ge [sflag:s21], $0xC0  }
0x53: {  	[sflag:s21] =	ssyncset.done $0x0  }
0x54: {  	s0 =	sadd.s32 s6, s2;
	[sflag:s21] =	ssyncadd.s32 $0xFFFFFF40  }
0x55: {  	[tilespmem:s22], [sflag:$0x3] =	stream.linear.gather [hbm4b:s0+s4], $0xC0, $0x38;
	v63 =	vld [tilespmem:$0x0]  }
0x56: {  	_ =	swait.ge [sflag:s21], $0xC0  }
0x57: {  	[sflag:s21] =	ssyncset.done $0x0  }
0x58: {  	[sflag:s21] =	ssyncadd.s32 $0xFFFFFF40  }
0x59: {  	[tilespmem:s20], [sflag:$0x1] =	stream.indirect.gather [hbm4b:s5+s23], $0x80, s4, s23, $0xb8;
	v63 =	vld [tilespmem:$0x0]  }
0x5a: {  	_ =	swait.ge [sflag:s29], $0x6000  }
0x5b: {  	[sflag:s29] =	ssyncset.done $0x0  }
0x5c: {  	[sflag:s29] =	ssyncadd.s32 $0xFFFFA000  }
0x5d: {  	[spmem:s3] =	stream.indirect.scatter.add.f32 [tilespmem:s26], [sflag:$0x3], $0x80, s25, s23, $0xb8;
	v63 =	vld [tilespmem:$0x0]  }
0x5e: {  	_ =	swait.ge [sflag:s21], $0x6000  }
0x5f: {  	[sflag:s21] =	ssyncset.done $0x0  }
0x60: {  	s8 =	sadd.s32 $0x0, s18;
	[sflag:s21] =	ssyncadd.s32 $0xFFFFA000  }
0x61: {  	[tilespmem:s24], [sflag:$0x3] =	stream.linear.gather [hbm4b:s8+s4], $0xC0, $0x38;
	v63 =	vld [tilespmem:$0x0]  }
0x62: {  	_ =	swait.ge [sflag:s21], $0xC0  }
0x63: {  	[sflag:s21] =	ssyncset.done $0x0  }
0x64: {  	s9 =	sadd.s32 $0x0, s17;
	[sflag:s21] =	ssyncadd.s32 $0xFFFFFF40  }
0x65: {  	[tilespmem:s25], [sflag:$0x3] =	stream.linear.gather [hbm4b:s9+s4], $0xC0, $0x38;
	v63 =	vld [tilespmem:$0x0]  }
0x66: {  	_ =	swait.ge [sflag:s21], $0xC0  }
0x67: {  	[sflag:s21] =	ssyncset.done $0x0  }
0x68: {  	s31 =	simm.s32 $0x30;
	s0 =	sadd.s32 $0x180, s19;
	[sflag:s21] =	ssyncadd.s32 $0xFFFFFF40  }
.LBB2_4:
0x69: {  	[tilespmem:s26], [sflag:$0x2] =	stream.indirect.gather [hbm4b:s5+s23], $0x80, s24, s23, $0xb8;
	v63 =	vld [tilespmem:$0x0]  }
0x6a: {  	s2 =	smov.u32 s31  }
0x6b: {  	p0 =	sne.s32 s31, $0x4B0;
	s31 =	sadd.s32 $0x30, s31;
	_ =	swait.ge [sflag:s28], $0x6000  }
0x6c: {  	[sflag:s28] =	ssyncset.done $0x0  }
0x6d: {  	[sflag:s28] =	ssyncadd.s32 $0xFFFFA000  }
0x6e: {  	[spmem:s3] =	stream.indirect.scatter.add.f32 [tilespmem:s20], [sflag:$0x3], $0x80, s22, s23, $0xb8;
	v63 =	vld [tilespmem:$0x0]  }
0x6f: {  	_ =	swait.ge [sflag:s21], $0x6000  }
0x70: {  	s8 =	sshrl.u32 s0, $0x3;
	[sflag:s21] =	ssyncset.done $0x0  }
0x71: {  	s9 =	sadd.s32 s1, s8;
	[sflag:s21] =	ssyncadd.s32 $0xFFFFA000  }
0x72: {  	[tilespmem:s4], [sflag:$0x3] =	stream.linear.gather [hbm4b:s9+s4], $0xC0, $0x38;
	v63 =	vld [tilespmem:$0x0]  }
0x73: {  	_ =	swait.ge [sflag:s21], $0xC0  }
0x74: {  	[sflag:s21] =	ssyncset.done $0x0  }
0x75: {  	s8 =	sadd.s32 s6, s8;
	[sflag:s21] =	ssyncadd.s32 $0xFFFFFF40  }
0x76: {  	[tilespmem:s22], [sflag:$0x3] =	stream.linear.gather [hbm4b:s8+s4], $0xC0, $0x38;
	v63 =	vld [tilespmem:$0x0]  }
0x77: {  	_ =	swait.ge [sflag:s21], $0xC0  }
0x78: {  	[sflag:s21] =	ssyncset.done $0x0  }
0x79: {  	[sflag:s21] =	ssyncadd.s32 $0xFFFFFF40  }
0x7a: {  	[tilespmem:s20], [sflag:$0x1] =	stream.indirect.gather [hbm4b:s5+s23], $0x80, s4, s23, $0xb8;
	v63 =	vld [tilespmem:$0x0]  }
0x7b: {  	_ =	swait.ge [sflag:s29], $0x6000  }
0x7c: {  	[sflag:s29] =	ssyncset.done $0x0  }
0x7d: {  	[sflag:s29] =	ssyncadd.s32 $0xFFFFA000  }
0x7e: {  	[spmem:s3] =	stream.indirect.scatter.add.f32 [tilespmem:s26], [sflag:$0x3], $0x80, s25, s23, $0xb8;
	v63 =	vld [tilespmem:$0x0]  }
0x7f: {  	_ =	swait.ge [sflag:s21], $0x6000  }
0x80: {  	[sflag:s21] =	ssyncset.done $0x0  }
0x81: {  	s8 =	sadd.s32 s2, s18;
	[sflag:s21] =	ssyncadd.s32 $0xFFFFA000  }
0x82: {  	[tilespmem:s24], [sflag:$0x3] =	stream.linear.gather [hbm4b:s8+s4], $0xC0, $0x38;
	v63 =	vld [tilespmem:$0x0]  }
0x83: {  	_ =	swait.ge [sflag:s21], $0xC0  }
0x84: {  	[sflag:s21] =	ssyncset.done $0x0  }
.Ltmp1:
0x85: {  	s2 =	sadd.s32 s2, s17;
	[sflag:s21] =	ssyncadd.s32 $0xFFFFFF40;
	(pc) =	sbr.rel @p0 .LBB2_4-.Ltmp1, $4  }
0x86: {  	[tilespmem:s25], [sflag:$0x3] =	stream.linear.gather [hbm4b:s2+s4], $0xC0, $0x38;
	v63 =	vld [tilespmem:$0x0]  }
0x87: {  	_ =	swait.ge [sflag:s21], $0xC0  }
0x88: {  	[sflag:s21] =	ssyncset.done $0x0  }
0x89: {  	s0 =	sadd.s32 $0x180, s0;
	[sflag:s21] =	ssyncadd.s32 $0xFFFFFF40  }
0x8a: {  	[tilespmem:s26], [sflag:$0x2] =	stream.indirect.gather [hbm4b:s5+s23], $0x80, s24, s23, $0xb8;
	v63 =	vld [tilespmem:$0x0]  }
0x8b: {  	_ =	swait.ge [sflag:s28], $0x6000  }
0x8c: {  	[sflag:s28] =	ssyncset.done $0x0  }
0x8d: {  	[sflag:s28] =	ssyncadd.s32 $0xFFFFA000  }
0x8e: {  	[spmem:s3] =	stream.indirect.scatter.add.f32 [tilespmem:s20], [sflag:$0x3], $0x80, s22, s23, $0xb8;
	v63 =	vld [tilespmem:$0x0]  }
0x8f: {  	_ =	swait.ge [sflag:s21], $0x6000  }
0x90: {  	[sflag:s21] =	ssyncset.done $0x0  }
0x91: {  	[sflag:s21] =	ssyncadd.s32 $0xFFFFA000  }
0x92: {  	_ =	swait.ge [sflag:s29], $0x6000  }
0x93: {  	[sflag:s29] =	ssyncset.done $0x0  }
0x94: {  	[sflag:s29] =	ssyncadd.s32 $0xFFFFA000  }
0x95: {  	[spmem:s3] =	stream.indirect.scatter.add.f32 [tilespmem:s26], [sflag:$0x3], $0x80, s25, s23, $0xb8;
	v63 =	vld [tilespmem:$0x0]  }
0x96: {  	s0 =	stileid.u32;
	_ =	swait.ge [sflag:s21], $0x6000  }
0x97: {  	s2 =	sshrl.u32 s7, $0x3;
	s30 =	sadd.s32 $0x1, s30;
	[sflag:s21] =	ssyncset.done $0x0  }
0x98: {  	s0 =	sshll.u32 s0, $0x6;
	p0 =	sne.s32 s30, s16;
	[sflag:s21] =	ssyncadd.s32 $0xFFFFA000  }
.Ltmp2:
0x99: {  	s0 =	sor.u32 $0x1C03, s0;
	[bflag:$0x0] =	sbarrier.arrive $0xFFFF;
	(pc) =	sbr.rel @p0 .LBB2_1-.Ltmp2, $4  }
0x9a: {  	[hbm:s15], [sflag:s0] =	dma.local [spmem:s2], $0x2780  }
0x9b: {  	_ =	swait.ge [sflag:s21], $0x2780  }
0x9c: {  	[sflag:s21] =	ssyncset.done $0x0  }
0x9d: {  	[sflag:s21] =	ssyncadd.s32 $0xFFFFD880  }
0x9e: {  	_ =	sfence.sel $0x180000  }
0x9f: {  	[bflag:$0x0] =	sbarrier.arrive $0xFFFF  }
0xa0: {  	_ =	strace $0x90000047  }
0xa1: {  	s0 =	stileid.u32;
	[bflag:$0x2] =	sbarrier.arrive $0xFFFF  }
0xa2: {  	p0 =	sne.s32 s0, $0x0;
	s0 =	rddreg [dreg:$0x3]  }
0xa3: {  	s0 =	sadd.s32 @!p0 $0x100000, s0  }
0xa4: {  	[sflag:s0] =	ssyncadd.tile.s32 @!p0 $0x1;
	_ =	shalt  }
.Lfunc_end2:
_tile_overlayer_lowered:
.L_overlay_start_2:
0xa5: {  	(tag) =	ssettag $0x2  }
0xa6: {  	s0 =	rddreg [dreg:$0x0];
	s2 =	stileid.u32  }
0xa7: {  	s1 =	rddreg [dreg:$0x1];
	p0 =	sne.s32 s2, $0x0  }
0xa8: {  	s3 =	rddreg [dreg:$0x2];
	[bflag:$0x3] =	sbarrier.arrive $0xFFFF;
	s2 =	simm.s32 @!p0 $0x1C03  }
0xa9: {  	[timem:s3], [sflag:s2] =	dma.local @!p0 [hbm:s0], s1  }
0xaa: {  	s0 =	simm.s32 @!p0 $0x3  }
0xab: {  	_ =	swait.ge @!p0 [sflag:s0], s1  }
0xac: {  	s1 =	ssub.s32 @!p0 $0x0, s1;
	[sflag:s0] =	ssyncset.done @!p0 $0x0  }
0xad: {  	[sflag:s0] =	ssyncadd.s32 @!p0 s1  }
0xae: {  	[bflag:$0x3] =	sbarrier.arrive $0xFFFF  }
0xaf: {  	_ =	shalt  }

// kernel: kernel.14.cloned.1.call-start
scs
__scs_entry_jumppad:
0x0: {  	(pc) =	sbr.rel $0x88, $3  }
0x1: {  	(tag) =	ssettag $0x0;
	lr =	simm.s32 $0x1  }
0x2: {  	[smem:$0x3F8F] =	sst lr;
	_ =	strace $0xD0000000  }
0x3: {  	_ = 	snop  }
0x4: {  	_ = 	snop  }
0x5: {  	_ = 	snop  }
0x6: {  	_ = 	snop  }
0x7: {  	_ = 	snop  }
__scs_overlays_trampoline_lowered:
0x8: {  	[smem:$0x3F9E] =	sst s0  }
0x9: {  	[smem:$0x3F9F] =	sst s1  }
0xa: {  	[smem:$0x3FA0] =	sst s2  }
0xb: {  	[smem:$0x3FA1] =	sst s3  }
0xc: {  	[smem:$0x3FA2] =	sst s4  }
0xd: {  	[smem:$0x3FA3] =	sst s5  }
0xe: {  	[smem:$0x3FA4] =	sst s6  }
0xf: {  	[smem:$0x3FA5] =	sst s7  }
0x10: {  	[smem:$0x3FA6] =	sst s8  }
0x11: {  	[smem:$0x3FA7] =	sst s9;
	s0 =	simm.s32 @!p0 $0x0  }
0x12: {  	s1 =	sld [smem:$0x3F8D];
	s0 =	simm.s32 @p0 $0x1  }
0x13: {  	[smem:$0x3FA8] =	sst s0;
	s0 =	simm.s32 @!p1 $0x0  }
0x14: {  	s2 =	sld [smem:$0x3F8C];
	s0 =	simm.s32 @p1 $0x1  }
0x15: {  	[smem:$0x3FA9] =	sst s0;
	s0 =	simm.s32 @!p2 $0x0  }
0x16: {  	s3 =	sld [smem:$0x3FDB];
	s0 =	simm.s32 @p2 $0x1  }
0x17: {  	s4 =	simm.s32 $0x1BF5;
	[smem:$0x3FAB] =	sst s0  }
0x18: {  	s0 =	sld [smem:$0x3F8E];
	_ =	swait.ge [sflag:s4], $0x0  }
0x19: {  	s7 =	sld [smem:$0x3F8F]  }
0x1a: {  	s8 =	sadd.s32 $0xFFFFE003, lr  }
0x1b: {  	s9 =	sadd.s32 $0xFFFFFEF7, lr;
	s5 =	simm.s32 $0xFFFFFFFF;
	p2 =	slt.u32 s8, $0xFFFFF086  }
0x1c: {  	p1 =	slt.u32 s9, $0xF7A;
	s5 =	simm.s32 @!p2 $0x0  }
0x1d: {  	s5 =	simm.s32 @p1 $0x1;
	p0 =	seq.s32 s7, s2  }
0x1e: {  	s7 =	smul.u32 @!p0 $0xF7A, s2;
	p2 =	seq.s32 @!p0 s5, $0x0  }
0x1f: {  	s9 =	smul.u32 $0xF7A, s1;
	s8 =	simm.s32 @!p0 $0x1BF5;
	p2 =	por !p2, p0  }
0x20: {  	[sflag:s8] =	ssyncset.s32 @!p0 $0xFFFFF086;
	s6 =	sadd.s32 @!p0 s3, s7;
	s7 =	simm.s32 @!p0 $0x108  }
0x21: {  	s3 =	sadd.s32 s3, s9;
	s6 =	sadd.s32 @!p0 $0x88, s6;
	s7 =	simm.s32 @p2 $0x1082  }
0x22: {  	[simem:s7], [sflag:s8] =	dma.local @!p0 [hbm:s6], $0xF7A  }
0x23: {  	s9 =	sor.u32 $0xD0000000, s2;
	s6 =	simm.s32 $0x108;
	_ =	swait.ge @!p0 [sflag:s8], $0x0  }
0x24: {  	s3 =	sadd.s32 $0x88, s3;
	s6 =	simm.s32 @!p1 $0x1082;
	[sflag:s4] =	ssyncset.s32 $0xFFFFF086  }
0x25: {  	[simem:s6], [sflag:s4] =	dma.local [hbm:s3], $0xF7A  }
0x26: {  	[smem:$0x3F8F] =	sst s1;
	(tag) =	ssettag s2;
	_ =	strace s9  }
0x27: {  	s1 =	sld [smem:$0x3F9F]  }
0x28: {  	s2 =	sld [smem:$0x3FA0]  }
0x29: {  	s4 =	sld [smem:$0x3FA2]  }
0x2a: {  	p0 =	seq.s32 s5, $0x0;
	s5 =	sld [smem:$0x3FA3]  }
0x2b: {  	s6 =	sld [smem:$0x3FA4]  }
0x2c: {  	s7 =	sld [smem:$0x3FA5]  }
0x2d: {  	s3 =	simm.s32 $0x108;
	s8 =	sld [smem:$0x3FA6]  }
0x2e: {  	s3 =	simm.s32 @!p0 $0x1082;
	s9 =	sld [smem:$0x3FA7]  }
0x2f: {  	lr =	sadd.s32 s0, s3;
	s0 =	sld [smem:$0x3F9E]  }
0x30: {  	s3 =	sld [smem:$0x3FA1]  }
0x31: {  	[smem:$0x3FAA] =	sst s10  }
0x32: {  	s10 =	sld [smem:$0x3FA8];
	_ =	sdelay $0x3  }
0x33: {  	p0 =	seq.s32 s10, $0x1;
	s10 =	sld [smem:$0x3FAA];
	_ =	sdelay $0x3  }
0x34: {  	[smem:$0x3FAA] =	sst s10  }
0x35: {  	s10 =	sld [smem:$0x3FA9];
	_ =	sdelay $0x3  }
0x36: {  	p1 =	seq.s32 s10, $0x1;
	s10 =	sld [smem:$0x3FAA];
	_ =	sdelay $0x3  }
0x37: {  	[smem:$0x3FAA] =	sst s10  }
0x38: {  	s10 =	sld [smem:$0x3FAB]  }
0x39: {  	_ = 	snop;
	(pc) =	sbr.ind lr, $3  }
0x3a: {  	_ = 	snop  }
0x3b: {  	_ = 	snop  }
0x3c: {  	p2 =	seq.s32 s10, $0x1;
	s10 =	sld [smem:$0x3FAA]  }
0x3d: {  	_ =	shalt  }
0x3e: {  	_ =	shalt  }
0x3f: {  	_ =	shalt  }
0x40: {  	_ =	shalt  }
0x41: {  	_ =	shalt  }
0x42: {  	_ =	shalt  }
0x43: {  	_ =	shalt  }
0x44: {  	_ =	shalt  }
0x45: {  	_ =	shalt  }
0x46: {  	_ =	shalt  }
0x47: {  	_ =	shalt  }
0x48: {  	_ =	shalt  }
0x49: {  	_ =	shalt  }
0x4a: {  	_ =	shalt  }
0x4b: {  	_ =	shalt  }
0x4c: {  	_ =	shalt  }
0x4d: {  	_ =	shalt  }
0x4e: {  	_ =	shalt  }
0x4f: {  	_ =	shalt  }
0x50: {  	_ =	shalt  }
0x51: {  	_ =	shalt  }
0x52: {  	_ =	shalt  }
0x53: {  	_ =	shalt  }
0x54: {  	_ =	shalt  }
0x55: {  	_ =	shalt  }
0x56: {  	_ =	shalt  }
0x57: {  	_ =	shalt  }
0x58: {  	_ =	shalt  }
0x59: {  	_ =	shalt  }
0x5a: {  	_ =	shalt  }
0x5b: {  	_ =	shalt  }
0x5c: {  	_ =	shalt  }
0x5d: {  	_ =	shalt  }
0x5e: {  	_ =	shalt  }
0x5f: {  	_ =	shalt  }
0x60: {  	_ =	shalt  }
0x61: {  	_ =	shalt  }
0x62: {  	_ =	shalt  }
0x63: {  	_ =	shalt  }
0x64: {  	_ =	shalt  }
0x65: {  	_ =	shalt  }
0x66: {  	_ =	shalt  }
0x67: {  	_ =	shalt  }
0x68: {  	_ =	shalt  }
0x69: {  	_ =	shalt  }
0x6a: {  	_ =	shalt  }
0x6b: {  	_ =	shalt  }
0x6c: {  	_ =	shalt  }
0x6d: {  	_ =	shalt  }
0x6e: {  	_ =	shalt  }
0x6f: {  	_ =	shalt  }
0x70: {  	_ =	shalt  }
0x71: {  	_ =	shalt  }
0x72: {  	_ =	shalt  }
0x73: {  	_ =	shalt  }
0x74: {  	_ =	shalt  }
0x75: {  	_ =	shalt  }
0x76: {  	_ =	shalt  }
0x77: {  	_ =	shalt  }
0x78: {  	_ =	shalt  }
0x79: {  	_ =	shalt  }
0x7a: {  	_ =	shalt  }
0x7b: {  	_ =	shalt  }
0x7c: {  	_ =	shalt  }
0x7d: {  	_ =	shalt  }
0x7e: {  	_ =	shalt  }
0x7f: {  	_ =	shalt  }
0x80: {  	_ =	shalt  }
0x81: {  	_ =	shalt  }
0x82: {  	_ =	shalt  }
0x83: {  	_ =	shalt  }
0x84: {  	_ =	shalt  }
0x85: {  	_ =	shalt  }
0x86: {  	_ =	shalt  }
0x87: {  	_ =	shalt  }
.Lfunc_end0:
.L_simem_size_0:
called_computation.2_lowered:
.L_overlay_start_0:
0x88: {  	s2 =	sld [smem:$0x3FD9]  }
0x89: {  	s3 =	sld [smem:$0x3FFE];
	_ =	sdelay $0x1  }
0x8a: {  	s1 =	srdreg.scid  }
0x8b: {  	s0 =	sand.u32 $0x1, s1  }
0x8c: {  	s17 =	sshll.u32 s0, $0xA;
	s2 =	sadd.s32 s3, s2  }
0x8d: {  	s2 =	sadd.s32 s2, s17  }
0x8e: {  	[smem:$0x3FB6] =	sst s2  }
0x8f: {  	_ = 	snop  }
0x90: {  	s2 =	sld [smem:$0x3FD0];
	(tm) =	ssettm $0x1  }
0x91: {  	s18 =	sld [smem:$0x3FFB];
	_ =	sdelay $0x3  }
0x92: {  	_ =	strace s18  }
0x93: {  	s3 =	sld [smem:$0x3FFC];
	_ =	sdelay $0x3  }
0x94: {  	_ =	strace s3  }
0x95: {  	s3 =	sld [smem:$0x3FFD];
	_ =	sdelay $0x3  }
0x96: {  	_ =	strace s3  }
0x97: {  	_ =	strace $0x8FFFFFFF  }
0x98: {  	s19 =	sld [smem:$0x3FDB];
	_ =	sdelay $0x1  }
0x99: {  	s4 =	simm.s32 $_scs_section_size  }
0x9a: {  	s5 =	simm.s32 $_size__tile_overlayer_lowered;
	s6 =	simm.s32 $_tile_overlayer_lowered  }
0x9b: {  	s22 =	simm.s32 $0x1BFF;
	s21 =	sshll.u32 s6, $0x1;
	s3 =	sadd.s32 s4, s19  }
0x9c: {  	s7 =	simm.s32 $0x0;
	s20 =	sshll.u32 s5, $0x1;
	s5 =	sadd.s32 s21, s3  }
0x9d: {  	[timem:s7], [sflag:s22] =	dma.local [hbm:s5], s20  }
0x9e: {  	_ =	swait.ge [sflag:s22], s20  }
0x9f: {  	s4 =	ssub.s32 $0x0, s20;
	[sflag:s22] =	ssyncset.done $0x0  }
0xa0: {  	[sflag:s22] =	ssyncadd.s32 s4;
	_ =	sdelay $0x1  }
0xa1: {  	s23 =	simm.s32 $0x1B8B  }
0xa2: {  	_ =	swait.ge [sflag:s23], $0x1  }
0xa3: {  	[sflag:s23] =	ssyncset.done $0x0  }
0xa4: {  	s25 =	simm.s32 $0x1B8E;
	s24 =	sld [smem:$0x3FFE];
	[sflag:s23] =	ssyncadd.s32 $0xFFFFFFFF  }
0xa5: {  	s26 =	simm.s32 $execute0_lowered;
	[smem:$0x3FD2] =	sst s25  }
0xa6: {  	s5 =	sshll.u32 s26, $0x1;
	_ =	strace $0x8000004C;
	[dreg:$0x1] =	wrdreg $0xFFFFFFFF  }
0xa7: {  	s28 =	simm.s32 $_size_execute0_lowered;
	s3 =	sadd.s32 s3, s5;
	[dreg:$0x0] =	wrdreg $0x0  }
0xa8: {  	s5 =	sshll.u32 s28, $0x1;
	[dreg:$0x2] =	wrdreg s3  }
0xa9: {  	[dreg:$0x3] =	wrdreg s5  }
0xaa: {  	[dreg:$0x4] =	wrdreg $0xC0  }
0xab: {  	_ =	task [dreg:s7], $0x5FFFF  }
0xac: {  	[dreg:$0x1] =	wrdreg $0xFFFFFFFF  }
0xad: {  	[dreg:$0x0] =	wrdreg $0x60  }
0xae: {  	[dreg:$0x2] =	wrdreg s2  }
0xaf: {  	[dreg:$0x3] =	wrdreg s24  }
0xb0: {  	[dreg:$0x4] =	wrdreg $0xC4000  }
0xb1: {  	[dreg:$0x5] =	wrdreg $0x9  }
0xb2: {  	_ =	task.clear_ibuf [dreg:s7], $0x6FFFF;
	_ =	strace $0x9000004C  }
0xb3: {  	s29 =	simm.s32 $0x9;
	_ =	strace $0x8000004E  }
0xb4: {  	_ =	swait.ge [sflag:s29], $0x1  }
0xb5: {  	[sflag:s29] =	ssyncadd.s32 $0xFFFFFFFF  }
0xb6: {  	_ =	strace $0x9000004E  }
0xb7: {  	_ =	sfence  }
0xb8: {  	s30 =	sld [smem:$0x0];
	_ =	sdelay $0x2  }
0xb9: {  	s31 =	sshll.u32 s1, $0xD;
	s1 =	sshrl.u32 s1, $0x2  }
0xba: {  	s3 =	sand.u32 $0x4000, s31;
	s1 =	sadd.s32 s1, s30  }
0xbb: {  	s0 =	sor.u32 s3, s0;
	s1 =	sshll.u32 s1, $0x11  }
0xbc: {  	s0 =	sor.u32 s1, s0  }
0xbd: {  	s0 =	sadd.s32 $0x8F2B, s0  }
0xbe: {  	[sflag:s0] =	ssyncadd.remote.s32 $0x1  }
0xbf: {  	_ =	sfence.sel $0xFFFF  }
0xc0: {  	[dreg:$0x0] =	wrdreg $0xFFFFFFFF;
	(pc) =	sbr.abs _section_cstart, $3  }
0xc1: {  	[dreg:$0x1] =	wrdreg $0xFFFFFFFF  }
0xc2: {  	_ =	task.clear_ibuf [dreg:s7], $0x2FFFF;
	_ =	strace $0x9FFFFFFF  }
0xc3: {  	(tm) =	ssettm $0x7FFFFFFF  }
tec
execute0_lowered:
.L_overlay_start_1:
0x0: {  	(tag) =	ssettag $0x1  }
0x1: {  	s1 =	rddreg [dreg:$0x0]  }
0x2: {  	s0 =	rddreg [dreg:$0x1]  }
0x3: {  	s3 =	rddreg [dreg:$0x2];
	s4 =	simm.s32 $0x0  }
0x4: {  	s5 =	srdreg.scid;
	s2 =	stileid.u32;
	s20 =	simm.s32 $0x400  }
0x5: {  	s21 =	simm.s32 $0x3;
	s28 =	simm.s32 $0x1;
	s7 =	smul.u32 $0x2780, s2  }
0x6: {  	s29 =	simm.s32 $0x2;
	s30 =	simm.s32 $0x0;
	s23 =	smul.u32 $0x4F000, s2  }
0x7: {  	[smem:$0x7FF] =	sst s4;
	s8 =	sand.u32 $0x1, s5;
	s12 =	smul.u32 $0x5100, s2  }
0x8: {  	s5 =	sadd.s32 $0x61000, s0;
	s10 =	sshll.u32 s2, $0x1;
	s9 =	smul.u32 $0x27800, s8  }
0x9: {  	s6 =	sadd.s32 $0x7E00, s0;
	s22 =	sor.u32 s8, s10;
	s13 =	smul.u32 $0x2880, s8  }
0xa: {  	_ =	strace $0x8000004D;
	s24 =	ssub.s32 $0x2, s8;
	s11 =	smul.u32 $0x2880, s22  }
0xb: {  	s25 =	sshrl.u32 s24, $0x1;
	s10 =	sshrl.u32 s23, $0x2;
	s22 =	simm.s32 $0x100  }
0xc: {  	s23 =	simm.s32 $0xC0;
	s7 =	sadd.s32 s7, s9;
	s16 =	ssub.s32 s24, s25  }
0xd: {  	s19 =	sadd.s32 s13, s12;
	s24 =	simm.s32 $0x200;
	s25 =	simm.s32 $0x300  }
0xe: {  	s0 =	sadd.s32 s7, s0;
	s7 =	sadd.s32 s10, s3;
	s14 =	sshrl.u32 s11, $0x3  }
0xf: {  	s15 =	sadd.s32 $0x240, s19;
	s16 =	smax.u32 s16, $0x1;
	s19 =	sadd.s32 $0x180, s19  }
0x10: {  	s26 =	sadd.s32 $0x6000, s7;
	s31 =	sadd.s32 $0xC000, s7;
	s10 =	sadd.s32 $0x12000, s7  }
0x11: {  	s11 =	sadd.s32 s5, s14;
	s12 =	sadd.s32 s6, s14;
	s14 =	sadd.s32 $0x18, s14  }
0x12: {  	s18 =	sshrl.u32 s15, $0x3;
	s15 =	sadd.s32 $0x6B200, s0;
	[dreg:$0x4] =	wrdreg s26  }
0x13: {  	[dreg:$0x5] =	wrdreg s31;
	s13 =	sadd.s32 s5, s14;
	s14 =	sadd.s32 s6, s14  }
0x14: {  	v0 =	vimm.f32 $0.0e+00;
	s17 =	sadd.s32 s18, s6;
	s18 =	sadd.s32 s18, s5;
	s26 =	simm.s32 $0x6400  }
.LBB2_1:
0x15: {  	s0 =	simm.s32 $0x0;
	s31 =	simm.s32 $0x200  }
.LBB2_2:
0x16: {  	p0 =	sne.s32 s31, $0x17E00;
	[tilespmem:s0+$0x470] =	vst v0  }
0x17: {  	[tilespmem:s0+$0x400] =	vst v0  }
0x18: {  	[tilespmem:s0+$0x410] =	vst v0  }
.Ltmp0:
0x19: {  	[tilespmem:s0+$0x420] =	vst v0;
	(pc) =	sbr.rel @p0 .LBB2_2-.Ltmp0, $4  }
0x1a: {  	[tilespmem:s0+$0x430] =	vst v0  }
0x1b: {  	[tilespmem:s0+$0x440] =	vst v0  }
0x1c: {  	[tilespmem:s0+$0x450] =	vst v0  }
0x1d: {  	[tilespmem:s0+$0x460] =	vst v0;
	s0 =	sshra.s32 s31, $0x2;
	s31 =	sadd.s32 $0x200, s31  }
0x1e: {  	[tilespmem:s0+$0x470] =	vst v0  }
0x1f: {  	[tilespmem:s0+$0x400] =	vst v0  }
0x20: {  	[tilespmem:s0+$0x410] =	vst v0  }
0x21: {  	[tilespmem:s0+$0x420] =	vst v0  }
0x22: {  	[tilespmem:s0+$0x430] =	vst v0  }
0x23: {  	[tilespmem:s0+$0x440] =	vst v0  }
0x24: {  	[tilespmem:s0+$0x450] =	vst v0  }
0x25: {  	[tilespmem:s0+$0x460] =	vst v0  }
0x26: {  	[spmem:s7] =	stream.linear.scatter [tilespmem:s20], [sflag:$0x3], $0x6000, $0x38;
	v63 =	vld [tilespmem:$0x0]  }
0x27: {  	_ =	swait.ge [sflag:s21], $0x6000  }
0x28: {  	[sflag:s21] =	ssyncset.done $0x0  }
0x29: {  	s2 =	rddreg [dreg:$0x4];
	[sflag:s21] =	ssyncadd.s32 $0xFFFFA000  }
0x2a: {  	[spmem:s2] =	stream.linear.scatter [tilespmem:s20], [sflag:$0x3], $0x6000, $0x38;
	v63 =	vld [tilespmem:$0x0]  }
0x2b: {  	_ =	swait.ge [sflag:s21], $0x6000  }
0x2c: {  	[sflag:s21] =	ssyncset.done $0x0  }
0x2d: {  	s8 =	rddreg [dreg:$0x5];
	[sflag:s21] =	ssyncadd.s32 $0xFFFFA000  }
0x2e: {  	[spmem:s8] =	stream.linear.scatter [tilespmem:s20], [sflag:$0x3], $0x6000, $0x38;
	v63 =	vld [tilespmem:$0x0]  }
0x2f: {  	_ =	swait.ge [sflag:s21], $0x6000  }
0x30: {  	[sflag:s21] =	ssyncset.done $0x0  }
0x31: {  	[sflag:s21] =	ssyncadd.s32 $0xFFFFA000  }
0x32: {  	[spmem:s10] =	stream.linear.scatter [tilespmem:s20], [sflag:$0x3], $0x1C00, $0x38;
	v63 =	vld [tilespmem:$0x0]  }
0x33: {  	_ =	swait.ge [sflag:s21], $0x1C00  }
0x34: {  	[sflag:s21] =	ssyncset.done $0x0  }
0x35: {  	[sflag:s21] =	ssyncadd.s32 $0xFFFFE400  }
0x36: {  	s9 =	simm.s32 $0x0;
	[bflag:$0x0] =	sbarrier.arrive $0xFFFF  }
0x37: {  	[tilespmem:s9], [sflag:$0x3] =	stream.linear.gather [hbm4b:s11+s9], $0xC0, $0x38;
	v63 =	vld [tilespmem:$0x0]  }
0x38: {  	_ =	swait.ge [sflag:s21], $0xC0  }
0x39: {  	[sflag:s21] =	ssyncset.done $0x0  }
0x3a: {  	[sflag:s21] =	ssyncadd.s32 $0xFFFFFF40  }
0x3b: {  	[tilespmem:s22], [sflag:$0x3] =	stream.linear.gather [hbm4b:s12+s9], $0xC0, $0x38;
	v63 =	vld [tilespmem:$0x0]  }
0x3c: {  	_ =	swait.ge [sflag:s21], $0xC0  }
0x3d: {  	[sflag:s21] =	ssyncset.done $0x0  }
0x3e: {  	[sflag:s21] =	ssyncadd.s32 $0xFFFFFF40  }
0x3f: {  	[tilespmem:s20], [sflag:$0x1] =	stream.indirect.gather [hbm4b:s1+s23], $0x80, s9, s23, $0xb8;
	v63 =	vld [tilespmem:$0x0]  }
0x40: {  	_ = 	snop  }
0x41: {  	[tilespmem:s24], [sflag:$0x3] =	stream.linear.gather [hbm4b:s13+s9], $0xC0, $0x38;
	v63 =	vld [tilespmem:$0x0]  }
0x42: {  	_ =	swait.ge [sflag:s21], $0xC0  }
0x43: {  	[sflag:s21] =	ssyncset.done $0x0  }
0x44: {  	[sflag:s21] =	ssyncadd.s32 $0xFFFFFF40  }
0x45: {  	[tilespmem:s25], [sflag:$0x3] =	stream.linear.gather [hbm4b:s14+s9], $0xC0, $0x38;
	v63 =	vld [tilespmem:$0x0]  }
0x46: {  	_ =	swait.ge [sflag:s21], $0xC0  }
0x47: {  	[sflag:s21] =	ssyncset.done $0x0  }
0x48: {  	[sflag:s21] =	ssyncadd.s32 $0xFFFFFF40  }
0x49: {  	[tilespmem:s26], [sflag:$0x2] =	stream.indirect.gather [hbm4b:s1+s23], $0x80, s24, s23, $0xb8;
	v63 =	vld [tilespmem:$0x0]  }
0x4a: {  	_ =	swait.ge [sflag:s28], $0x6000  }
0x4b: {  	[sflag:s28] =	ssyncset.done $0x0  }
0x4c: {  	[sflag:s28] =	ssyncadd.s32 $0xFFFFA000  }
0x4d: {  	[spmem:s3] =	stream.indirect.scatter.add.f32 [tilespmem:s20], [sflag:$0x3], $0x80, s22, s23, $0xb8;
	v63 =	vld [tilespmem:$0x0]  }
0x4e: {  	_ =	swait.ge [sflag:s21], $0x6000  }
0x4f: {  	s2 =	sshrl.u32 s19, $0x3;
	[sflag:s21] =	ssyncset.done $0x0  }
0x50: {  	s31 =	sadd.s32 s5, s2;
	[sflag:s21] =	ssyncadd.s32 $0xFFFFA000  }
0x51: {  	[tilespmem:s4], [sflag:$0x3] =	stream.linear.gather [hbm4b:s31+s4], $0xC0, $0x38;
	v63 =	vld [tilespmem:$0x0]  }
0x52: {  	_ =	swait.ge [sflag:s21], $0xC0  }
0x53: {  	[sflag:s21] =	ssyncset.done $0x0  }
0x54: {  	s0 =	sadd.s32 s6, s2;
	[sflag:s21] =	ssyncadd.s32 $0xFFFFFF40  }
0x55: {  	[tilespmem:s22], [sflag:$0x3] =	stream.linear.gather [hbm4b:s0+s4], $0xC0, $0x38;
	v63 =	vld [tilespmem:$0x0]  }
0x56: {  	_ =	swait.ge [sflag:s21], $0xC0  }
0x57: {  	[sflag:s21] =	ssyncset.done $0x0  }
0x58: {  	[sflag:s21] =	ssyncadd.s32 $0xFFFFFF40  }
0x59: {  	[tilespmem:s20], [sflag:$0x1] =	stream.indirect.gather [hbm4b:s1+s23], $0x80, s4, s23, $0xb8;
	v63 =	vld [tilespmem:$0x0]  }
0x5a: {  	_ =	swait.ge [sflag:s29], $0x6000  }
0x5b: {  	[sflag:s29] =	ssyncset.done $0x0  }
0x5c: {  	[sflag:s29] =	ssyncadd.s32 $0xFFFFA000  }
0x5d: {  	[spmem:s3] =	stream.indirect.scatter.add.f32 [tilespmem:s26], [sflag:$0x3], $0x80, s25, s23, $0xb8;
	v63 =	vld [tilespmem:$0x0]  }
0x5e: {  	_ =	swait.ge [sflag:s21], $0x6000  }
0x5f: {  	[sflag:s21] =	ssyncset.done $0x0  }
0x60: {  	s8 =	sadd.s32 $0x0, s18;
	[sflag:s21] =	ssyncadd.s32 $0xFFFFA000  }
0x61: {  	[tilespmem:s24], [sflag:$0x3] =	stream.linear.gather [hbm4b:s8+s4], $0xC0, $0x38;
	v63 =	vld [tilespmem:$0x0]  }
0x62: {  	_ =	swait.ge [sflag:s21], $0xC0  }
0x63: {  	[sflag:s21] =	ssyncset.done $0x0  }
0x64: {  	s9 =	sadd.s32 $0x0, s17;
	[sflag:s21] =	ssyncadd.s32 $0xFFFFFF40  }
0x65: {  	[tilespmem:s25], [sflag:$0x3] =	stream.linear.gather [hbm4b:s9+s4], $0xC0, $0x38;
	v63 =	vld [tilespmem:$0x0]  }
0x66: {  	_ =	swait.ge [sflag:s21], $0xC0  }
0x67: {  	[sflag:s21] =	ssyncset.done $0x0  }
0x68: {  	s31 =	simm.s32 $0x30;
	s0 =	sadd.s32 $0x180, s19;
	[sflag:s21] =	ssyncadd.s32 $0xFFFFFF40  }
.LBB2_4:
0x69: {  	[tilespmem:s26], [sflag:$0x2] =	stream.indirect.gather [hbm4b:s1+s23], $0x80, s24, s23, $0xb8;
	v63 =	vld [tilespmem:$0x0]  }
0x6a: {  	s2 =	smov.u32 s31  }
0x6b: {  	p0 =	sne.s32 s31, $0x4B0;
	s31 =	sadd.s32 $0x30, s31;
	_ =	swait.ge [sflag:s28], $0x6000  }
0x6c: {  	[sflag:s28] =	ssyncset.done $0x0  }
0x6d: {  	[sflag:s28] =	ssyncadd.s32 $0xFFFFA000  }
0x6e: {  	[spmem:s3] =	stream.indirect.scatter.add.f32 [tilespmem:s20], [sflag:$0x3], $0x80, s22, s23, $0xb8;
	v63 =	vld [tilespmem:$0x0]  }
0x6f: {  	_ =	swait.ge [sflag:s21], $0x6000  }
0x70: {  	s8 =	sshrl.u32 s0, $0x3;
	[sflag:s21] =	ssyncset.done $0x0  }
0x71: {  	s9 =	sadd.s32 s5, s8;
	[sflag:s21] =	ssyncadd.s32 $0xFFFFA000  }
0x72: {  	[tilespmem:s4], [sflag:$0x3] =	stream.linear.gather [hbm4b:s9+s4], $0xC0, $0x38;
	v63 =	vld [tilespmem:$0x0]  }
0x73: {  	_ =	swait.ge [sflag:s21], $0xC0  }
0x74: {  	[sflag:s21] =	ssyncset.done $0x0  }
0x75: {  	s8 =	sadd.s32 s6, s8;
	[sflag:s21] =	ssyncadd.s32 $0xFFFFFF40  }
0x76: {  	[tilespmem:s22], [sflag:$0x3] =	stream.linear.gather [hbm4b:s8+s4], $0xC0, $0x38;
	v63 =	vld [tilespmem:$0x0]  }
0x77: {  	_ =	swait.ge [sflag:s21], $0xC0  }
0x78: {  	[sflag:s21] =	ssyncset.done $0x0  }
0x79: {  	[sflag:s21] =	ssyncadd.s32 $0xFFFFFF40  }
0x7a: {  	[tilespmem:s20], [sflag:$0x1] =	stream.indirect.gather [hbm4b:s1+s23], $0x80, s4, s23, $0xb8;
	v63 =	vld [tilespmem:$0x0]  }
0x7b: {  	_ =	swait.ge [sflag:s29], $0x6000  }
0x7c: {  	[sflag:s29] =	ssyncset.done $0x0  }
0x7d: {  	[sflag:s29] =	ssyncadd.s32 $0xFFFFA000  }
0x7e: {  	[spmem:s3] =	stream.indirect.scatter.add.f32 [tilespmem:s26], [sflag:$0x3], $0x80, s25, s23, $0xb8;
	v63 =	vld [tilespmem:$0x0]  }
0x7f: {  	_ =	swait.ge [sflag:s21], $0x6000  }
0x80: {  	[sflag:s21] =	ssyncset.done $0x0  }
0x81: {  	s8 =	sadd.s32 s2, s18;
	[sflag:s21] =	ssyncadd.s32 $0xFFFFA000  }
0x82: {  	[tilespmem:s24], [sflag:$0x3] =	stream.linear.gather [hbm4b:s8+s4], $0xC0, $0x38;
	v63 =	vld [tilespmem:$0x0]  }
0x83: {  	_ =	swait.ge [sflag:s21], $0xC0  }
0x84: {  	[sflag:s21] =	ssyncset.done $0x0  }
.Ltmp1:
0x85: {  	s2 =	sadd.s32 s2, s17;
	[sflag:s21] =	ssyncadd.s32 $0xFFFFFF40;
	(pc) =	sbr.rel @p0 .LBB2_4-.Ltmp1, $4  }
0x86: {  	[tilespmem:s25], [sflag:$0x3] =	stream.linear.gather [hbm4b:s2+s4], $0xC0, $0x38;
	v63 =	vld [tilespmem:$0x0]  }
0x87: {  	_ =	swait.ge [sflag:s21], $0xC0  }
0x88: {  	[sflag:s21] =	ssyncset.done $0x0  }
0x89: {  	s0 =	sadd.s32 $0x180, s0;
	[sflag:s21] =	ssyncadd.s32 $0xFFFFFF40  }
0x8a: {  	[tilespmem:s26], [sflag:$0x2] =	stream.indirect.gather [hbm4b:s1+s23], $0x80, s24, s23, $0xb8;
	v63 =	vld [tilespmem:$0x0]  }
0x8b: {  	_ =	swait.ge [sflag:s28], $0x6000  }
0x8c: {  	[sflag:s28] =	ssyncset.done $0x0  }
0x8d: {  	[sflag:s28] =	ssyncadd.s32 $0xFFFFA000  }
0x8e: {  	[spmem:s3] =	stream.indirect.scatter.add.f32 [tilespmem:s20], [sflag:$0x3], $0x80, s22, s23, $0xb8;
	v63 =	vld [tilespmem:$0x0]  }
0x8f: {  	_ =	swait.ge [sflag:s21], $0x6000  }
0x90: {  	[sflag:s21] =	ssyncset.done $0x0  }
0x91: {  	[sflag:s21] =	ssyncadd.s32 $0xFFFFA000  }
0x92: {  	_ =	swait.ge [sflag:s29], $0x6000  }
0x93: {  	[sflag:s29] =	ssyncset.done $0x0  }
0x94: {  	[sflag:s29] =	ssyncadd.s32 $0xFFFFA000  }
0x95: {  	[spmem:s3] =	stream.indirect.scatter.add.f32 [tilespmem:s26], [sflag:$0x3], $0x80, s25, s23, $0xb8;
	v63 =	vld [tilespmem:$0x0]  }
0x96: {  	s0 =	stileid.u32;
	_ =	swait.ge [sflag:s21], $0x6000  }
0x97: {  	s2 =	sshrl.u32 s7, $0x3;
	s30 =	sadd.s32 $0x1, s30;
	[sflag:s21] =	ssyncset.done $0x0  }
0x98: {  	s0 =	sshll.u32 s0, $0x6;
	p0 =	sne.s32 s30, s16;
	[sflag:s21] =	ssyncadd.s32 $0xFFFFA000  }
.Ltmp2:
0x99: {  	s0 =	sor.u32 $0x1C03, s0;
	[bflag:$0x0] =	sbarrier.arrive $0xFFFF;
	(pc) =	sbr.rel @p0 .LBB2_1-.Ltmp2, $4  }
0x9a: {  	[hbm:s15], [sflag:s0] =	dma.local [spmem:s2], $0x2780  }
0x9b: {  	_ =	swait.ge [sflag:s21], $0x2780  }
0x9c: {  	[sflag:s21] =	ssyncset.done $0x0  }
0x9d: {  	[sflag:s21] =	ssyncadd.s32 $0xFFFFD880  }
0x9e: {  	_ =	sfence.sel $0x180000  }
0x9f: {  	[bflag:$0x0] =	sbarrier.arrive $0xFFFF  }
0xa0: {  	_ =	strace $0x9000004D  }
0xa1: {  	s0 =	stileid.u32;
	[bflag:$0x2] =	sbarrier.arrive $0xFFFF  }
0xa2: {  	p0 =	sne.s32 s0, $0x0;
	s0 =	rddreg [dreg:$0x3]  }
0xa3: {  	s0 =	sadd.s32 @!p0 $0x100000, s0  }
0xa4: {  	[sflag:s0] =	ssyncadd.tile.s32 @!p0 $0x1;
	_ =	shalt  }
.Lfunc_end2:
_tile_overlayer_lowered:
.L_overlay_start_2:
0xa5: {  	(tag) =	ssettag $0x2  }
0xa6: {  	s0 =	rddreg [dreg:$0x0];
	s2 =	stileid.u32  }
0xa7: {  	s1 =	rddreg [dreg:$0x1];
	p0 =	sne.s32 s2, $0x0  }
0xa8: {  	s3 =	rddreg [dreg:$0x2];
	[bflag:$0x3] =	sbarrier.arrive $0xFFFF;
	s2 =	simm.s32 @!p0 $0x1C03  }
0xa9: {  	[timem:s3], [sflag:s2] =	dma.local @!p0 [hbm:s0], s1  }
0xaa: {  	s0 =	simm.s32 @!p0 $0x3  }
0xab: {  	_ =	swait.ge @!p0 [sflag:s0], s1  }
0xac: {  	s1 =	ssub.s32 @!p0 $0x0, s1;
	[sflag:s0] =	ssyncset.done @!p0 $0x0  }
0xad: {  	[sflag:s0] =	ssyncadd.s32 @!p0 s1  }
0xae: {  	[bflag:$0x3] =	sbarrier.arrive $0xFFFF  }
0xaf: {  	_ =	shalt  }

// kernel: kernel.8.cloned.1.call-start
scs
__scs_entry_jumppad:
0x0: {  	(pc) =	sbr.rel $0x88, $3  }
0x1: {  	(tag) =	ssettag $0x0;
	lr =	simm.s32 $0x1  }
0x2: {  	[smem:$0x3F8F] =	sst lr;
	_ =	strace $0xD0000000  }
0x3: {  	_ = 	snop  }
0x4: {  	_ = 	snop  }
0x5: {  	_ = 	snop  }
0x6: {  	_ = 	snop  }
0x7: {  	_ = 	snop  }
__scs_overlays_trampoline_lowered:
0x8: {  	[smem:$0x3F9E] =	sst s0  }
0x9: {  	[smem:$0x3F9F] =	sst s1  }
0xa: {  	[smem:$0x3FA0] =	sst s2  }
0xb: {  	[smem:$0x3FA1] =	sst s3  }
0xc: {  	[smem:$0x3FA2] =	sst s4  }
0xd: {  	[smem:$0x3FA3] =	sst s5  }
0xe: {  	[smem:$0x3FA4] =	sst s6  }
0xf: {  	[smem:$0x3FA5] =	sst s7  }
0x10: {  	[smem:$0x3FA6] =	sst s8  }
0x11: {  	[smem:$0x3FA7] =	sst s9;
	s0 =	simm.s32 @!p0 $0x0  }
0x12: {  	s1 =	sld [smem:$0x3F8D];
	s0 =	simm.s32 @p0 $0x1  }
0x13: {  	[smem:$0x3FA8] =	sst s0;
	s0 =	simm.s32 @!p1 $0x0  }
0x14: {  	s2 =	sld [smem:$0x3F8C];
	s0 =	simm.s32 @p1 $0x1  }
0x15: {  	[smem:$0x3FA9] =	sst s0;
	s0 =	simm.s32 @!p2 $0x0  }
0x16: {  	s3 =	sld [smem:$0x3FDB];
	s0 =	simm.s32 @p2 $0x1  }
0x17: {  	s4 =	simm.s32 $0x1BF5;
	[smem:$0x3FAB] =	sst s0  }
0x18: {  	s0 =	sld [smem:$0x3F8E];
	_ =	swait.ge [sflag:s4], $0x0  }
0x19: {  	s7 =	sld [smem:$0x3F8F]  }
0x1a: {  	s8 =	sadd.s32 $0xFFFFE003, lr  }
0x1b: {  	s9 =	sadd.s32 $0xFFFFFEF7, lr;
	s5 =	simm.s32 $0xFFFFFFFF;
	p2 =	slt.u32 s8, $0xFFFFF086  }
0x1c: {  	p1 =	slt.u32 s9, $0xF7A;
	s5 =	simm.s32 @!p2 $0x0  }
0x1d: {  	s5 =	simm.s32 @p1 $0x1;
	p0 =	seq.s32 s7, s2  }
0x1e: {  	s7 =	smul.u32 @!p0 $0xF7A, s2;
	p2 =	seq.s32 @!p0 s5, $0x0  }
0x1f: {  	s9 =	smul.u32 $0xF7A, s1;
	s8 =	simm.s32 @!p0 $0x1BF5;
	p2 =	por !p2, p0  }
0x20: {  	[sflag:s8] =	ssyncset.s32 @!p0 $0xFFFFF086;
	s6 =	sadd.s32 @!p0 s3, s7;
	s7 =	simm.s32 @!p0 $0x108  }
0x21: {  	s3 =	sadd.s32 s3, s9;
	s6 =	sadd.s32 @!p0 $0x88, s6;
	s7 =	simm.s32 @p2 $0x1082  }
0x22: {  	[simem:s7], [sflag:s8] =	dma.local @!p0 [hbm:s6], $0xF7A  }
0x23: {  	s9 =	sor.u32 $0xD0000000, s2;
	s6 =	simm.s32 $0x108;
	_ =	swait.ge @!p0 [sflag:s8], $0x0  }
0x24: {  	s3 =	sadd.s32 $0x88, s3;
	s6 =	simm.s32 @!p1 $0x1082;
	[sflag:s4] =	ssyncset.s32 $0xFFFFF086  }
0x25: {  	[simem:s6], [sflag:s4] =	dma.local [hbm:s3], $0xF7A  }
0x26: {  	[smem:$0x3F8F] =	sst s1;
	(tag) =	ssettag s2;
	_ =	strace s9  }
0x27: {  	s1 =	sld [smem:$0x3F9F]  }
0x28: {  	s2 =	sld [smem:$0x3FA0]  }
0x29: {  	s4 =	sld [smem:$0x3FA2]  }
0x2a: {  	p0 =	seq.s32 s5, $0x0;
	s5 =	sld [smem:$0x3FA3]  }
0x2b: {  	s6 =	sld [smem:$0x3FA4]  }
0x2c: {  	s7 =	sld [smem:$0x3FA5]  }
0x2d: {  	s3 =	simm.s32 $0x108;
	s8 =	sld [smem:$0x3FA6]  }
0x2e: {  	s3 =	simm.s32 @!p0 $0x1082;
	s9 =	sld [smem:$0x3FA7]  }
0x2f: {  	lr =	sadd.s32 s0, s3;
	s0 =	sld [smem:$0x3F9E]  }
0x30: {  	s3 =	sld [smem:$0x3FA1]  }
0x31: {  	[smem:$0x3FAA] =	sst s10  }
0x32: {  	s10 =	sld [smem:$0x3FA8];
	_ =	sdelay $0x3  }
0x33: {  	p0 =	seq.s32 s10, $0x1;
	s10 =	sld [smem:$0x3FAA];
	_ =	sdelay $0x3  }
0x34: {  	[smem:$0x3FAA] =	sst s10  }
0x35: {  	s10 =	sld [smem:$0x3FA9];
	_ =	sdelay $0x3  }
0x36: {  	p1 =	seq.s32 s10, $0x1;
	s10 =	sld [smem:$0x3FAA];
	_ =	sdelay $0x3  }
0x37: {  	[smem:$0x3FAA] =	sst s10  }
0x38: {  	s10 =	sld [smem:$0x3FAB]  }
0x39: {  	_ = 	snop;
	(pc) =	sbr.ind lr, $3  }
0x3a: {  	_ = 	snop  }
0x3b: {  	_ = 	snop  }
0x3c: {  	p2 =	seq.s32 s10, $0x1;
	s10 =	sld [smem:$0x3FAA]  }
0x3d: {  	_ =	shalt  }
0x3e: {  	_ =	shalt  }
0x3f: {  	_ =	shalt  }
0x40: {  	_ =	shalt  }
0x41: {  	_ =	shalt  }
0x42: {  	_ =	shalt  }
0x43: {  	_ =	shalt  }
0x44: {  	_ =	shalt  }
0x45: {  	_ =	shalt  }
0x46: {  	_ =	shalt  }
0x47: {  	_ =	shalt  }
0x48: {  	_ =	shalt  }
0x49: {  	_ =	shalt  }
0x4a: {  	_ =	shalt  }
0x4b: {  	_ =	shalt  }
0x4c: {  	_ =	shalt  }
0x4d: {  	_ =	shalt  }
0x4e: {  	_ =	shalt  }
0x4f: {  	_ =	shalt  }
0x50: {  	_ =	shalt  }
0x51: {  	_ =	shalt  }
0x52: {  	_ =	shalt  }
0x53: {  	_ =	shalt  }
0x54: {  	_ =	shalt  }
0x55: {  	_ =	shalt  }
0x56: {  	_ =	shalt  }
0x57: {  	_ =	shalt  }
0x58: {  	_ =	shalt  }
0x59: {  	_ =	shalt  }
0x5a: {  	_ =	shalt  }
0x5b: {  	_ =	shalt  }
0x5c: {  	_ =	shalt  }
0x5d: {  	_ =	shalt  }
0x5e: {  	_ =	shalt  }
0x5f: {  	_ =	shalt  }
0x60: {  	_ =	shalt  }
0x61: {  	_ =	shalt  }
0x62: {  	_ =	shalt  }
0x63: {  	_ =	shalt  }
0x64: {  	_ =	shalt  }
0x65: {  	_ =	shalt  }
0x66: {  	_ =	shalt  }
0x67: {  	_ =	shalt  }
0x68: {  	_ =	shalt  }
0x69: {  	_ =	shalt  }
0x6a: {  	_ =	shalt  }
0x6b: {  	_ =	shalt  }
0x6c: {  	_ =	shalt  }
0x6d: {  	_ =	shalt  }
0x6e: {  	_ =	shalt  }
0x6f: {  	_ =	shalt  }
0x70: {  	_ =	shalt  }
0x71: {  	_ =	shalt  }
0x72: {  	_ =	shalt  }
0x73: {  	_ =	shalt  }
0x74: {  	_ =	shalt  }
0x75: {  	_ =	shalt  }
0x76: {  	_ =	shalt  }
0x77: {  	_ =	shalt  }
0x78: {  	_ =	shalt  }
0x79: {  	_ =	shalt  }
0x7a: {  	_ =	shalt  }
0x7b: {  	_ =	shalt  }
0x7c: {  	_ =	shalt  }
0x7d: {  	_ =	shalt  }
0x7e: {  	_ =	shalt  }
0x7f: {  	_ =	shalt  }
0x80: {  	_ =	shalt  }
0x81: {  	_ =	shalt  }
0x82: {  	_ =	shalt  }
0x83: {  	_ =	shalt  }
0x84: {  	_ =	shalt  }
0x85: {  	_ =	shalt  }
0x86: {  	_ =	shalt  }
0x87: {  	_ =	shalt  }
.Lfunc_end0:
.L_simem_size_0:
called_computation_lowered:
.L_overlay_start_0:
0x88: {  	s2 =	sld [smem:$0x3FD9]  }
0x89: {  	s3 =	sld [smem:$0x3FFE];
	_ =	sdelay $0x1  }
0x8a: {  	s1 =	srdreg.scid  }
0x8b: {  	s0 =	sand.u32 $0x1, s1  }
0x8c: {  	s17 =	sshll.u32 s0, $0xA;
	s2 =	sadd.s32 s3, s2  }
0x8d: {  	s2 =	sadd.s32 s2, s17  }
0x8e: {  	[smem:$0x3FB6] =	sst s2  }
0x8f: {  	_ = 	snop  }
0x90: {  	s18 =	sld [smem:$0x3FC9];
	(tm) =	ssettm $0x1  }
0x91: {  	s19 =	sld [smem:$0x3FFB];
	_ =	sdelay $0x3  }
0x92: {  	_ =	strace s19  }
0x93: {  	s2 =	sld [smem:$0x3FFC];
	_ =	sdelay $0x3  }
0x94: {  	_ =	strace s2  }
0x95: {  	s2 =	sld [smem:$0x3FFD];
	_ =	sdelay $0x3  }
0x96: {  	_ =	strace s2  }
0x97: {  	_ =	strace $0x8FFFFFFF  }
0x98: {  	s20 =	sld [smem:$0x3FDB];
	_ =	sdelay $0x1  }
0x99: {  	s4 =	simm.s32 $_scs_section_size  }
0x9a: {  	s5 =	simm.s32 $_size__tile_overlayer_lowered;
	s6 =	simm.s32 $_tile_overlayer_lowered  }
0x9b: {  	s7 =	simm.s32 $0x1BFF;
	s21 =	sshll.u32 s6, $0x1;
	s4 =	sadd.s32 s4, s20  }
0x9c: {  	s22 =	simm.s32 $0x0;
	s5 =	sshll.u32 s5, $0x1;
	s6 =	sadd.s32 s21, s4  }
0x9d: {  	[timem:s22], [sflag:s7] =	dma.local [hbm:s6], s5  }
0x9e: {  	_ =	swait.ge [sflag:s7], s5  }
0x9f: {  	s5 =	ssub.s32 $0x0, s5;
	[sflag:s7] =	ssyncset.done $0x0  }
0xa0: {  	[sflag:s7] =	ssyncadd.s32 s5;
	_ =	sdelay $0x1  }
0xa1: {  	s23 =	simm.s32 $0x1B8B  }
0xa2: {  	_ =	swait.ge [sflag:s23], $0x1  }
0xa3: {  	[sflag:s23] =	ssyncset.done $0x0  }
0xa4: {  	[sflag:s23] =	ssyncadd.s32 $0xFFFFFFFF  }
0xa5: {  	s5 =	sld [smem:$0x0]  }
0xa6: {  	s6 =	sand.u32 $0xFFFFFFFE, s1  }
0xa7: {  	p0 =	sne.s32 s1, s6  }
0xa8: {  	s6 =	sshll.u32 @p0 s6, $0xE  }
0xa9: {  	s6 =	sadd.s32 @p0 $0x11B8D, s6;
	s7 =	sshll.u32 @p0 s5, $0x11  }
0xaa: {  	s6 =	sor.u32 @p0 s7, s6  }
0xab: {  	[sflag:s6] =	ssyncadd.remote.s32 @p0 $0x1;
	_ =	sdelay $0x1  }
0xac: {  	s6 =	simm.s32 @p0 $0x1B8D  }
0xad: {  	_ =	swait.eq @p0 [sflag:s6], $0x1  }
0xae: {  	[sflag:s6] =	ssyncadd.s32 @p0 $0xFFFFFFFF  }
0xaf: {  	s7 =	sshll.u32 @!p0 s1, $0xE  }
0xb0: {  	s7 =	sor.u32 @!p0 $0x4000, s7;
	s6 =	simm.s32 @!p0 $0x1B8D  }
0xb1: {  	s5 =	sshll.u32 @!p0 s5, $0x11;
	s7 =	sadd.s32 @!p0 $0x11B8D, s7;
	_ =	swait.eq @!p0 [sflag:s6], $0x1  }
0xb2: {  	s5 =	sor.u32 @!p0 s5, s7;
	[sflag:s6] =	ssyncadd.s32 @!p0 $0xFFFFFFFF  }
0xb3: {  	s25 =	simm.s32 $0x1B8E;
	s24 =	sld [smem:$0x3FFE];
	[sflag:s5] =	ssyncadd.remote.s32 @!p0 $0x1  }
0xb4: {  	s26 =	simm.s32 $execute0_lowered;
	[smem:$0x3FD2] =	sst s25  }
0xb5: {  	s6 =	sshll.u32 s26, $0x1;
	_ =	strace $0x80000049;
	[dreg:$0x1] =	wrdreg $0xFFFFFFFF  }
0xb6: {  	s28 =	simm.s32 $_size_execute0_lowered;
	s4 =	sadd.s32 s4, s6;
	[dreg:$0x0] =	wrdreg $0x0  }
0xb7: {  	s6 =	sshll.u32 s28, $0x1;
	[dreg:$0x2] =	wrdreg s4  }
0xb8: {  	[dreg:$0x3] =	wrdreg s6  }
0xb9: {  	[dreg:$0x4] =	wrdreg $0xC0  }
0xba: {  	_ =	task [dreg:s22], $0x5FFFF  }
0xbb: {  	[dreg:$0x1] =	wrdreg $0xFFFFFFFF  }
0xbc: {  	[dreg:$0x0] =	wrdreg $0x60  }
0xbd: {  	[dreg:$0x2] =	wrdreg s18  }
0xbe: {  	[dreg:$0x3] =	wrdreg s24  }
0xbf: {  	[dreg:$0x4] =	wrdreg $0xC4000  }
0xc0: {  	[dreg:$0x5] =	wrdreg $0x9  }
0xc1: {  	_ =	task.clear_ibuf [dreg:s22], $0x6FFFF;
	_ =	strace $0x90000049  }
0xc2: {  	s29 =	simm.s32 $0x9;
	_ =	strace $0x8000004B  }
0xc3: {  	_ =	swait.ge [sflag:s29], $0x1  }
0xc4: {  	[sflag:s29] =	ssyncadd.s32 $0xFFFFFFFF  }
0xc5: {  	_ =	strace $0x9000004B  }
0xc6: {  	_ =	sfence  }
0xc7: {  	s30 =	sld [smem:$0x0];
	_ =	sdelay $0x2  }
0xc8: {  	s31 =	sshll.u32 s1, $0xD;
	s1 =	sshrl.u32 s1, $0x2  }
0xc9: {  	s4 =	sand.u32 $0x4000, s31;
	s1 =	sadd.s32 s1, s30  }
0xca: {  	s0 =	sor.u32 s4, s0;
	s1 =	sshll.u32 s1, $0x11  }
0xcb: {  	s0 =	sor.u32 s1, s0  }
0xcc: {  	s0 =	sadd.s32 $0x8F2B, s0  }
0xcd: {  	[sflag:s0] =	ssyncadd.remote.s32 $0x1  }
0xce: {  	_ =	sfence.sel $0xFFFF  }
0xcf: {  	[dreg:$0x0] =	wrdreg $0xFFFFFFFF;
	(pc) =	sbr.abs _section_cstart, $3  }
0xd0: {  	[dreg:$0x1] =	wrdreg $0xFFFFFFFF  }
0xd1: {  	_ =	task.clear_ibuf [dreg:s22], $0x2FFFF;
	_ =	strace $0x9FFFFFFF  }
0xd2: {  	(tm) =	ssettm $0x7FFFFFFF  }
0xd3: {  	_ =	shalt  }
tec
execute0_lowered:
.L_overlay_start_1:
0x0: {  	(tag) =	ssettag $0x1  }
0x1: {  	s1 =	rddreg [dreg:$0x0]  }
0x2: {  	s0 =	rddreg [dreg:$0x1]  }
0x3: {  	s3 =	rddreg [dreg:$0x2];
	s4 =	simm.s32 $0x0  }
0x4: {  	s5 =	srdreg.scid;
	s2 =	stileid.u32;
	s20 =	simm.s32 $0x400  }
0x5: {  	s21 =	simm.s32 $0x3;
	s28 =	simm.s32 $0x1;
	s7 =	smul.u32 $0x2780, s2  }
0x6: {  	s29 =	simm.s32 $0x2;
	s30 =	simm.s32 $0x0;
	s23 =	smul.u32 $0x4F000, s2  }
0x7: {  	[smem:$0x7FF] =	sst s4;
	s8 =	sand.u32 $0x1, s5;
	s12 =	smul.u32 $0x5100, s2  }
0x8: {  	s5 =	sadd.s32 $0x61000, s0;
	s10 =	sshll.u32 s2, $0x1;
	s9 =	smul.u32 $0x27800, s8  }
0x9: {  	s6 =	sadd.s32 $0x7E00, s0;
	s22 =	sor.u32 s8, s10;
	s13 =	smul.u32 $0x2880, s8  }
0xa: {  	_ =	strace $0x8000004A;
	s24 =	ssub.s32 $0x2, s8;
	s11 =	smul.u32 $0x2880, s22  }
0xb: {  	s25 =	sshrl.u32 s24, $0x1;
	s10 =	sshrl.u32 s23, $0x2;
	s22 =	simm.s32 $0x100  }
0xc: {  	s23 =	simm.s32 $0xC0;
	s7 =	sadd.s32 s7, s9;
	s16 =	ssub.s32 s24, s25  }
0xd: {  	s19 =	sadd.s32 s13, s12;
	s24 =	simm.s32 $0x200;
	s25 =	simm.s32 $0x300  }
0xe: {  	s0 =	sadd.s32 s7, s0;
	s7 =	sadd.s32 s10, s3;
	s14 =	sshrl.u32 s11, $0x3  }
0xf: {  	s15 =	sadd.s32 $0x240, s19;
	s16 =	smax.u32 s16, $0x1;
	s19 =	sadd.s32 $0x180, s19  }
0x10: {  	s26 =	sadd.s32 $0x6000, s7;
	s31 =	sadd.s32 $0xC000, s7;
	s10 =	sadd.s32 $0x12000, s7  }
0x11: {  	s11 =	sadd.s32 s5, s14;
	s12 =	sadd.s32 s6, s14;
	s14 =	sadd.s32 $0x18, s14  }
0x12: {  	s18 =	sshrl.u32 s15, $0x3;
	s15 =	sadd.s32 $0x6B200, s0;
	[dreg:$0x4] =	wrdreg s26  }
0x13: {  	[dreg:$0x5] =	wrdreg s31;
	s13 =	sadd.s32 s5, s14;
	s14 =	sadd.s32 s6, s14  }
0x14: {  	v0 =	vimm.f32 $0.0e+00;
	s17 =	sadd.s32 s18, s6;
	s18 =	sadd.s32 s18, s5;
	s26 =	simm.s32 $0x6400  }
.LBB2_1:
0x15: {  	s0 =	simm.s32 $0x0;
	s31 =	simm.s32 $0x200  }
.LBB2_2:
0x16: {  	p0 =	sne.s32 s31, $0x17E00;
	[tilespmem:s0+$0x470] =	vst v0  }
0x17: {  	[tilespmem:s0+$0x400] =	vst v0  }
0x18: {  	[tilespmem:s0+$0x410] =	vst v0  }
.Ltmp0:
0x19: {  	[tilespmem:s0+$0x420] =	vst v0;
	(pc) =	sbr.rel @p0 .LBB2_2-.Ltmp0, $4  }
0x1a: {  	[tilespmem:s0+$0x430] =	vst v0  }
0x1b: {  	[tilespmem:s0+$0x440] =	vst v0  }
0x1c: {  	[tilespmem:s0+$0x450] =	vst v0  }
0x1d: {  	[tilespmem:s0+$0x460] =	vst v0;
	s0 =	sshra.s32 s31, $0x2;
	s31 =	sadd.s32 $0x200, s31  }
0x1e: {  	[tilespmem:s0+$0x470] =	vst v0  }
0x1f: {  	[tilespmem:s0+$0x400] =	vst v0  }
0x20: {  	[tilespmem:s0+$0x410] =	vst v0  }
0x21: {  	[tilespmem:s0+$0x420] =	vst v0  }
0x22: {  	[tilespmem:s0+$0x430] =	vst v0  }
0x23: {  	[tilespmem:s0+$0x440] =	vst v0  }
0x24: {  	[tilespmem:s0+$0x450] =	vst v0  }
0x25: {  	[tilespmem:s0+$0x460] =	vst v0  }
0x26: {  	[spmem:s7] =	stream.linear.scatter [tilespmem:s20], [sflag:$0x3], $0x6000, $0x38;
	v63 =	vld [tilespmem:$0x0]  }
0x27: {  	_ =	swait.ge [sflag:s21], $0x6000  }
0x28: {  	[sflag:s21] =	ssyncset.done $0x0  }
0x29: {  	s2 =	rddreg [dreg:$0x4];
	[sflag:s21] =	ssyncadd.s32 $0xFFFFA000  }
0x2a: {  	[spmem:s2] =	stream.linear.scatter [tilespmem:s20], [sflag:$0x3], $0x6000, $0x38;
	v63 =	vld [tilespmem:$0x0]  }
0x2b: {  	_ =	swait.ge [sflag:s21], $0x6000  }
0x2c: {  	[sflag:s21] =	ssyncset.done $0x0  }
0x2d: {  	s8 =	rddreg [dreg:$0x5];
	[sflag:s21] =	ssyncadd.s32 $0xFFFFA000  }
0x2e: {  	[spmem:s8] =	stream.linear.scatter [tilespmem:s20], [sflag:$0x3], $0x6000, $0x38;
	v63 =	vld [tilespmem:$0x0]  }
0x2f: {  	_ =	swait.ge [sflag:s21], $0x6000  }
0x30: {  	[sflag:s21] =	ssyncset.done $0x0  }
0x31: {  	[sflag:s21] =	ssyncadd.s32 $0xFFFFA000  }
0x32: {  	[spmem:s10] =	stream.linear.scatter [tilespmem:s20], [sflag:$0x3], $0x1C00, $0x38;
	v63 =	vld [tilespmem:$0x0]  }
0x33: {  	_ =	swait.ge [sflag:s21], $0x1C00  }
0x34: {  	[sflag:s21] =	ssyncset.done $0x0  }
0x35: {  	[sflag:s21] =	ssyncadd.s32 $0xFFFFE400  }
0x36: {  	s9 =	simm.s32 $0x0;
	[bflag:$0x0] =	sbarrier.arrive $0xFFFF  }
0x37: {  	[tilespmem:s9], [sflag:$0x3] =	stream.linear.gather [hbm4b:s11+s9], $0xC0, $0x38;
	v63 =	vld [tilespmem:$0x0]  }
0x38: {  	_ =	swait.ge [sflag:s21], $0xC0  }
0x39: {  	[sflag:s21] =	ssyncset.done $0x0  }
0x3a: {  	[sflag:s21] =	ssyncadd.s32 $0xFFFFFF40  }
0x3b: {  	[tilespmem:s22], [sflag:$0x3] =	stream.linear.gather [hbm4b:s12+s9], $0xC0, $0x38;
	v63 =	vld [tilespmem:$0x0]  }
0x3c: {  	_ =	swait.ge [sflag:s21], $0xC0  }
0x3d: {  	[sflag:s21] =	ssyncset.done $0x0  }
0x3e: {  	[sflag:s21] =	ssyncadd.s32 $0xFFFFFF40  }
0x3f: {  	[tilespmem:s20], [sflag:$0x1] =	stream.indirect.gather [hbm4b:s1+s23], $0x80, s9, s23, $0xb8;
	v63 =	vld [tilespmem:$0x0]  }
0x40: {  	_ = 	snop  }
0x41: {  	[tilespmem:s24], [sflag:$0x3] =	stream.linear.gather [hbm4b:s13+s9], $0xC0, $0x38;
	v63 =	vld [tilespmem:$0x0]  }
0x42: {  	_ =	swait.ge [sflag:s21], $0xC0  }
0x43: {  	[sflag:s21] =	ssyncset.done $0x0  }
0x44: {  	[sflag:s21] =	ssyncadd.s32 $0xFFFFFF40  }
0x45: {  	[tilespmem:s25], [sflag:$0x3] =	stream.linear.gather [hbm4b:s14+s9], $0xC0, $0x38;
	v63 =	vld [tilespmem:$0x0]  }
0x46: {  	_ =	swait.ge [sflag:s21], $0xC0  }
0x47: {  	[sflag:s21] =	ssyncset.done $0x0  }
0x48: {  	[sflag:s21] =	ssyncadd.s32 $0xFFFFFF40  }
0x49: {  	[tilespmem:s26], [sflag:$0x2] =	stream.indirect.gather [hbm4b:s1+s23], $0x80, s24, s23, $0xb8;
	v63 =	vld [tilespmem:$0x0]  }
0x4a: {  	_ =	swait.ge [sflag:s28], $0x6000  }
0x4b: {  	[sflag:s28] =	ssyncset.done $0x0  }
0x4c: {  	[sflag:s28] =	ssyncadd.s32 $0xFFFFA000  }
0x4d: {  	[spmem:s3] =	stream.indirect.scatter.add.f32 [tilespmem:s20], [sflag:$0x3], $0x80, s22, s23, $0xb8;
	v63 =	vld [tilespmem:$0x0]  }
0x4e: {  	_ =	swait.ge [sflag:s21], $0x6000  }
0x4f: {  	s2 =	sshrl.u32 s19, $0x3;
	[sflag:s21] =	ssyncset.done $0x0  }
0x50: {  	s31 =	sadd.s32 s5, s2;
	[sflag:s21] =	ssyncadd.s32 $0xFFFFA000  }
0x51: {  	[tilespmem:s4], [sflag:$0x3] =	stream.linear.gather [hbm4b:s31+s4], $0xC0, $0x38;
	v63 =	vld [tilespmem:$0x0]  }
0x52: {  	_ =	swait.ge [sflag:s21], $0xC0  }
0x53: {  	[sflag:s21] =	ssyncset.done $0x0  }
0x54: {  	s0 =	sadd.s32 s6, s2;
	[sflag:s21] =	ssyncadd.s32 $0xFFFFFF40  }
0x55: {  	[tilespmem:s22], [sflag:$0x3] =	stream.linear.gather [hbm4b:s0+s4], $0xC0, $0x38;
	v63 =	vld [tilespmem:$0x0]  }
0x56: {  	_ =	swait.ge [sflag:s21], $0xC0  }
0x57: {  	[sflag:s21] =	ssyncset.done $0x0  }
0x58: {  	[sflag:s21] =	ssyncadd.s32 $0xFFFFFF40  }
0x59: {  	[tilespmem:s20], [sflag:$0x1] =	stream.indirect.gather [hbm4b:s1+s23], $0x80, s4, s23, $0xb8;
	v63 =	vld [tilespmem:$0x0]  }
0x5a: {  	_ =	swait.ge [sflag:s29], $0x6000  }
0x5b: {  	[sflag:s29] =	ssyncset.done $0x0  }
0x5c: {  	[sflag:s29] =	ssyncadd.s32 $0xFFFFA000  }
0x5d: {  	[spmem:s3] =	stream.indirect.scatter.add.f32 [tilespmem:s26], [sflag:$0x3], $0x80, s25, s23, $0xb8;
	v63 =	vld [tilespmem:$0x0]  }
0x5e: {  	_ =	swait.ge [sflag:s21], $0x6000  }
0x5f: {  	[sflag:s21] =	ssyncset.done $0x0  }
0x60: {  	s8 =	sadd.s32 $0x0, s18;
	[sflag:s21] =	ssyncadd.s32 $0xFFFFA000  }
0x61: {  	[tilespmem:s24], [sflag:$0x3] =	stream.linear.gather [hbm4b:s8+s4], $0xC0, $0x38;
	v63 =	vld [tilespmem:$0x0]  }
0x62: {  	_ =	swait.ge [sflag:s21], $0xC0  }
0x63: {  	[sflag:s21] =	ssyncset.done $0x0  }
0x64: {  	s9 =	sadd.s32 $0x0, s17;
	[sflag:s21] =	ssyncadd.s32 $0xFFFFFF40  }
0x65: {  	[tilespmem:s25], [sflag:$0x3] =	stream.linear.gather [hbm4b:s9+s4], $0xC0, $0x38;
	v63 =	vld [tilespmem:$0x0]  }
0x66: {  	_ =	swait.ge [sflag:s21], $0xC0  }
0x67: {  	[sflag:s21] =	ssyncset.done $0x0  }
0x68: {  	s31 =	simm.s32 $0x30;
	s0 =	sadd.s32 $0x180, s19;
	[sflag:s21] =	ssyncadd.s32 $0xFFFFFF40  }
.LBB2_4:
0x69: {  	[tilespmem:s26], [sflag:$0x2] =	stream.indirect.gather [hbm4b:s1+s23], $0x80, s24, s23, $0xb8;
	v63 =	vld [tilespmem:$0x0]  }
0x6a: {  	s2 =	smov.u32 s31  }
0x6b: {  	p0 =	sne.s32 s31, $0x4B0;
	s31 =	sadd.s32 $0x30, s31;
	_ =	swait.ge [sflag:s28], $0x6000  }
0x6c: {  	[sflag:s28] =	ssyncset.done $0x0  }
0x6d: {  	[sflag:s28] =	ssyncadd.s32 $0xFFFFA000  }
0x6e: {  	[spmem:s3] =	stream.indirect.scatter.add.f32 [tilespmem:s20], [sflag:$0x3], $0x80, s22, s23, $0xb8;
	v63 =	vld [tilespmem:$0x0]  }
0x6f: {  	_ =	swait.ge [sflag:s21], $0x6000  }
0x70: {  	s8 =	sshrl.u32 s0, $0x3;
	[sflag:s21] =	ssyncset.done $0x0  }
0x71: {  	s9 =	sadd.s32 s5, s8;
	[sflag:s21] =	ssyncadd.s32 $0xFFFFA000  }
0x72: {  	[tilespmem:s4], [sflag:$0x3] =	stream.linear.gather [hbm4b:s9+s4], $0xC0, $0x38;
	v63 =	vld [tilespmem:$0x0]  }
0x73: {  	_ =	swait.ge [sflag:s21], $0xC0  }
0x74: {  	[sflag:s21] =	ssyncset.done $0x0  }
0x75: {  	s8 =	sadd.s32 s6, s8;
	[sflag:s21] =	ssyncadd.s32 $0xFFFFFF40  }
0x76: {  	[tilespmem:s22], [sflag:$0x3] =	stream.linear.gather [hbm4b:s8+s4], $0xC0, $0x38;
	v63 =	vld [tilespmem:$0x0]  }
0x77: {  	_ =	swait.ge [sflag:s21], $0xC0  }
0x78: {  	[sflag:s21] =	ssyncset.done $0x0  }
0x79: {  	[sflag:s21] =	ssyncadd.s32 $0xFFFFFF40  }
0x7a: {  	[tilespmem:s20], [sflag:$0x1] =	stream.indirect.gather [hbm4b:s1+s23], $0x80, s4, s23, $0xb8;
	v63 =	vld [tilespmem:$0x0]  }
0x7b: {  	_ =	swait.ge [sflag:s29], $0x6000  }
0x7c: {  	[sflag:s29] =	ssyncset.done $0x0  }
0x7d: {  	[sflag:s29] =	ssyncadd.s32 $0xFFFFA000  }
0x7e: {  	[spmem:s3] =	stream.indirect.scatter.add.f32 [tilespmem:s26], [sflag:$0x3], $0x80, s25, s23, $0xb8;
	v63 =	vld [tilespmem:$0x0]  }
0x7f: {  	_ =	swait.ge [sflag:s21], $0x6000  }
0x80: {  	[sflag:s21] =	ssyncset.done $0x0  }
0x81: {  	s8 =	sadd.s32 s2, s18;
	[sflag:s21] =	ssyncadd.s32 $0xFFFFA000  }
0x82: {  	[tilespmem:s24], [sflag:$0x3] =	stream.linear.gather [hbm4b:s8+s4], $0xC0, $0x38;
	v63 =	vld [tilespmem:$0x0]  }
0x83: {  	_ =	swait.ge [sflag:s21], $0xC0  }
0x84: {  	[sflag:s21] =	ssyncset.done $0x0  }
.Ltmp1:
0x85: {  	s2 =	sadd.s32 s2, s17;
	[sflag:s21] =	ssyncadd.s32 $0xFFFFFF40;
	(pc) =	sbr.rel @p0 .LBB2_4-.Ltmp1, $4  }
0x86: {  	[tilespmem:s25], [sflag:$0x3] =	stream.linear.gather [hbm4b:s2+s4], $0xC0, $0x38;
	v63 =	vld [tilespmem:$0x0]  }
0x87: {  	_ =	swait.ge [sflag:s21], $0xC0  }
0x88: {  	[sflag:s21] =	ssyncset.done $0x0  }
0x89: {  	s0 =	sadd.s32 $0x180, s0;
	[sflag:s21] =	ssyncadd.s32 $0xFFFFFF40  }
0x8a: {  	[tilespmem:s26], [sflag:$0x2] =	stream.indirect.gather [hbm4b:s1+s23], $0x80, s24, s23, $0xb8;
	v63 =	vld [tilespmem:$0x0]  }
0x8b: {  	_ =	swait.ge [sflag:s28], $0x6000  }
0x8c: {  	[sflag:s28] =	ssyncset.done $0x0  }
0x8d: {  	[sflag:s28] =	ssyncadd.s32 $0xFFFFA000  }
0x8e: {  	[spmem:s3] =	stream.indirect.scatter.add.f32 [tilespmem:s20], [sflag:$0x3], $0x80, s22, s23, $0xb8;
	v63 =	vld [tilespmem:$0x0]  }
0x8f: {  	_ =	swait.ge [sflag:s21], $0x6000  }
0x90: {  	[sflag:s21] =	ssyncset.done $0x0  }
0x91: {  	[sflag:s21] =	ssyncadd.s32 $0xFFFFA000  }
0x92: {  	_ =	swait.ge [sflag:s29], $0x6000  }
0x93: {  	[sflag:s29] =	ssyncset.done $0x0  }
0x94: {  	[sflag:s29] =	ssyncadd.s32 $0xFFFFA000  }
0x95: {  	[spmem:s3] =	stream.indirect.scatter.add.f32 [tilespmem:s26], [sflag:$0x3], $0x80, s25, s23, $0xb8;
	v63 =	vld [tilespmem:$0x0]  }
0x96: {  	s0 =	stileid.u32;
	_ =	swait.ge [sflag:s21], $0x6000  }
0x97: {  	s2 =	sshrl.u32 s7, $0x3;
	s30 =	sadd.s32 $0x1, s30;
	[sflag:s21] =	ssyncset.done $0x0  }
0x98: {  	s0 =	sshll.u32 s0, $0x6;
	p0 =	sne.s32 s30, s16;
	[sflag:s21] =	ssyncadd.s32 $0xFFFFA000  }
.Ltmp2:
0x99: {  	s0 =	sor.u32 $0x1C03, s0;
	[bflag:$0x0] =	sbarrier.arrive $0xFFFF;
	(pc) =	sbr.rel @p0 .LBB2_1-.Ltmp2, $4  }
0x9a: {  	[hbm:s15], [sflag:s0] =	dma.local [spmem:s2], $0x2780  }
0x9b: {  	_ =	swait.ge [sflag:s21], $0x2780  }
0x9c: {  	[sflag:s21] =	ssyncset.done $0x0  }
0x9d: {  	[sflag:s21] =	ssyncadd.s32 $0xFFFFD880  }
0x9e: {  	_ =	sfence.sel $0x180000  }
0x9f: {  	[bflag:$0x0] =	sbarrier.arrive $0xFFFF  }
0xa0: {  	_ =	strace $0x9000004A  }
0xa1: {  	s0 =	stileid.u32;
	[bflag:$0x2] =	sbarrier.arrive $0xFFFF  }
0xa2: {  	p0 =	sne.s32 s0, $0x0;
	s0 =	rddreg [dreg:$0x3]  }
0xa3: {  	s0 =	sadd.s32 @!p0 $0x100000, s0  }
0xa4: {  	[sflag:s0] =	ssyncadd.tile.s32 @!p0 $0x1;
	_ =	shalt  }
.Lfunc_end2:
_tile_overlayer_lowered:
.L_overlay_start_2:
0xa5: {  	(tag) =	ssettag $0x2  }
0xa6: {  	s0 =	rddreg [dreg:$0x0];
	s2 =	stileid.u32  }
0xa7: {  	s1 =	rddreg [dreg:$0x1];
	p0 =	sne.s32 s2, $0x0  }
0xa8: {  	s3 =	rddreg [dreg:$0x2];
	[bflag:$0x3] =	sbarrier.arrive $0xFFFF;
	s2 =	simm.s32 @!p0 $0x1C03  }
0xa9: {  	[timem:s3], [sflag:s2] =	dma.local @!p0 [hbm:s0], s1  }
0xaa: {  	s0 =	simm.s32 @!p0 $0x3  }
0xab: {  	_ =	swait.ge @!p0 [sflag:s0], s1  }
0xac: {  	s1 =	ssub.s32 @!p0 $0x0, s1;
	[sflag:s0] =	ssyncset.done @!p0 $0x0  }
0xad: {  	[sflag:s0] =	ssyncadd.s32 @!p0 s1  }
0xae: {  	[bflag:$0x3] =	sbarrier.arrive $0xFFFF  }
0xaf: {  	_ =	shalt  }

</sc_bundles>
